<compile_context>
chip_gen: v7x
topology: tpu7x:2x2x1
jax: 0.10.2.dev20260603
libtpu: 0.0.44.dev20260713+nightly
codegen_flags: <defaults>
</compile_context>

<pallas_src>
import jax
import jax.numpy as jnp
from jax import lax
from jax.experimental import pallas as pl
from jax.experimental.pallas import tpu as pltpu
from jax.experimental.pallas import tpu_sc as plsc

B = 16384
D = 10
DP = 16
NUM_BINS = 15
NBOUND = NUM_BINS - 1

NC = 1
NS = 16
NW = NC * NS
BPW = B // NW
CHUNK = 128
YCHUNK = BPW // CHUNK
ECHUNK = BPW * D // CHUNK
NIDX = NW * YCHUNK
NEIDX = NW * ECHUNK


def _tc_prep_body(bnd_ref, idx_ref, year_ref, yt_ref,
                  iu_ref, bins_ref, yt16_ref):
    y = year_ref[...]
    acc = jnp.zeros(y.shape, jnp.int32)
    for k in range(NBOUND):
        acc = acc + (y >= bnd_ref[k]).astype(jnp.int32)
    row = lax.broadcasted_iota(jnp.int32, y.shape, 0)
    bins_ref[...] = acc + (row // YCHUNK) * NUM_BINS
    col = lax.broadcasted_iota(jnp.int32, (B, D), 1)
    iu_ref[...] = idx_ref[...] * D + col
    yt16_ref[...] = jnp.pad(yt_ref[...], ((0, 0), (0, DP - D)))


def _sc_body(iu_hbm, bins_hbm, tabflat_hbm, yt_hbm, uout_hbm, yout_hbm,
             iu_v, bin_v, uhalf_v, yhalf_v, yt_sp,
             sem_i, sem_b, sem_t, sem_u, sem_y, sem_w):
    sid = lax.axis_index("s")
    wid = sid

    cp_iu = pltpu.async_copy(
        iu_hbm.at[pl.ds(wid * ECHUNK, ECHUNK)], iu_v, sem_i)
    cp_bin = pltpu.async_copy(
        bins_hbm.at[pl.ds(wid * YCHUNK, YCHUNK)], bin_v, sem_b)
    cp_yt = pltpu.async_copy(
        yt_hbm, yt_sp.at[pl.ds(sid * NUM_BINS, NUM_BINS)], sem_t)

    cp_iu.wait()
    cp_u = [pltpu.async_copy(tabflat_hbm.at[iu_v.at[j]],
                             uhalf_v.at[pl.ds(j * CHUNK, CHUNK)], sem_u)
            for j in range(ECHUNK)]
    cp_bin.wait()
    cp_yt.wait()
    cp_y = [pltpu.async_copy(yt_sp.at[bin_v.at[j]],
                             yhalf_v.at[pl.ds(j * CHUNK, CHUNK)], sem_y)
            for j in range(YCHUNK)]

    writes = []
    for j in range(ECHUNK):
        cp_u[j].wait()
    writes.append(pltpu.async_copy(
        uhalf_v, uout_hbm.at[pl.ds(wid * BPW * D, BPW * D)], sem_w))
    for j in range(YCHUNK):
        cp_y[j].wait()
        writes.append(pltpu.async_copy(
            yhalf_v.at[pl.ds(j * CHUNK, CHUNK)],
            yout_hbm.at[pl.ds(wid * BPW + j * CHUNK, CHUNK)], sem_w))
    for w in writes:
        w.wait()


def _tc_concat_body(u_ref, y_ref, out_ref):
    out_ref[...] = jnp.concatenate(
        [u_ref[...], y_ref[:, :D]], axis=1)


@jax.jit
def _lookup(user_idx, year2d, tabflat, yt, bnd):
    iu2d, bins2d, yt16 = pl.pallas_call(
        _tc_prep_body,
        out_shape=(
            jax.ShapeDtypeStruct((B, D), jnp.int32),
            jax.ShapeDtypeStruct((NIDX, CHUNK), jnp.int32),
            jax.ShapeDtypeStruct((NUM_BINS, DP), jnp.float32),
        ),
        in_specs=[
            pl.BlockSpec(memory_space=pltpu.SMEM),
            pl.BlockSpec(memory_space=pltpu.VMEM),
            pl.BlockSpec(memory_space=pltpu.VMEM),
            pl.BlockSpec(memory_space=pltpu.VMEM),
        ],
        out_specs=(
            pl.BlockSpec(memory_space=pltpu.VMEM),
            pl.BlockSpec(memory_space=pltpu.VMEM),
            pl.BlockSpec(memory_space=pltpu.VMEM),
        ),
    )(bnd, user_idx, year2d, yt)

    mesh = plsc.VectorSubcoreMesh(
        core_axis_name="c", subcore_axis_name="s", num_cores=1)
    uhalf, yhalf = pl.kernel(
        _sc_body,
        out_type=(
            jax.ShapeDtypeStruct((B * D,), jnp.float32),
            jax.ShapeDtypeStruct((B, DP), jnp.float32),
        ),
        mesh=mesh,
        compiler_params=pltpu.CompilerParams(use_tc_tiling_on_sc=False),
        scratch_types=[
            pltpu.VMEM((ECHUNK, CHUNK), jnp.int32),
            pltpu.VMEM((YCHUNK, CHUNK), jnp.int32),
            pltpu.VMEM((BPW * D,), jnp.float32),
            pltpu.VMEM((BPW, DP), jnp.float32),
            pltpu.VMEM_SHARED((NS * NUM_BINS, DP), jnp.float32),
            pltpu.SemaphoreType.DMA,
            pltpu.SemaphoreType.DMA,
            pltpu.SemaphoreType.DMA,
            pltpu.SemaphoreType.DMA,
            pltpu.SemaphoreType.DMA,
            pltpu.SemaphoreType.DMA,
        ],
    )(iu2d.reshape(NEIDX, CHUNK), bins2d, tabflat, yt16)

    out = pl.pallas_call(
        _tc_concat_body,
        out_shape=jax.ShapeDtypeStruct((B, 2 * D), jnp.float32),
        in_specs=[
            pl.BlockSpec(memory_space=pltpu.VMEM),
            pl.BlockSpec(memory_space=pltpu.VMEM),
        ],
        out_specs=pl.BlockSpec(memory_space=pltpu.VMEM),
    )(uhalf.reshape(B, D), yhalf)
    return out


def kernel(user_idx, year, user_table, year_table, boundaries):
    return _lookup(
        user_idx.astype(jnp.int32).reshape(B, 1),
        year.astype(jnp.float32).reshape(NIDX, CHUNK),
        user_table.astype(jnp.float32).reshape(-1),
        year_table.astype(jnp.float32),
        boundaries.astype(jnp.float32))

# --- scband reference (transcript-rebuilt; emitter-appended) ---
"""Pipeline reference for scband-user-model-76725295776114 (READ-ONLY COPY).

The authoritative reference and input builder live on the scoring server;
editing this copy changes nothing except your own understanding.
"""

import jax, jax.numpy as jnp
import numpy as np

B = 16384
VOCAB = 100000  # len(unique_user_ids)
D = 10
NUM_BINS = 15


def setup_inputs(seed: int = 0) -> dict:
    key = jax.random.key(seed)
    k1, k2, k3, k4 = jax.random.split(key, 4)
    # user_idx: already lookup-ed ids in [0, VOCAB] (StringLookup output range is vocab+1 incl OOV)
    user_idx = jax.random.randint(k1, (B,), 0, VOCAB)
    # raw year feature, later discretized into NUM_BINS bins
    year = jax.random.uniform(k2, (B,), minval=1900.0, maxval=2024.0)
    # learned parameters
    user_table = jax.random.normal(k3, (VOCAB + 1, D), dtype=jnp.float32) * 0.05
    year_table = jax.random.normal(k4, (NUM_BINS, D), dtype=jnp.float32) * 0.05
    # Discretization layer bin boundaries (NUM_BINS bins -> NUM_BINS-1 boundaries), non-trainable
    boundaries = jnp.linspace(1900.0, 2024.0, NUM_BINS - 1)
    return {"user_idx": user_idx, "year": year, "user_table": user_table,
            "year_table": year_table, "boundaries": boundaries}


def reference(user_idx, year, user_table, year_table, boundaries):
    # StringLookup -> integer ids (precomputed as user_idx); Embedding -> gather
    user_emb = jnp.take(user_table, user_idx, axis=0)
    # Discretization -> bucketize; Embedding -> gather
    year_bin = jnp.clip(jnp.digitize(year, boundaries), 0, NUM_BINS - 1)
    year_emb = jnp.take(year_table, year_bin, axis=0)
    # tf.concat([...], axis=1)
    return jnp.concatenate([user_emb, year_emb], axis=1)

if __name__ == "__main__":
    import jax
    _d = setup_inputs()
    print(jax.jit(kernel)(*tuple(_d.values())))

</pallas_src>

<mosaic_0001>
#map = affine_map<(d0, d1) -> (0, 0)>
#map1 = affine_map<(d0, d1) -> (0)>
module attributes {stable_mosaic.version = 14 : i64} {
  func.func @_sc_body(%arg0: i32, %arg1: i32, %arg2: memref<1280x128xi32, #tpu.memory_space<hbm>>, %arg3: memref<128x128xi32, #tpu.memory_space<hbm>>, %arg4: memref<1000010xf32, #tpu.memory_space<hbm>>, %arg5: memref<15x16xf32, #tpu.memory_space<hbm>>, %arg6: memref<163840xf32, #tpu.memory_space<hbm>>, %arg7: memref<16384x16xf32, #tpu.memory_space<hbm>>, %arg8: memref<80x128xi32, #tpu.memory_space<vmem>>, %arg9: memref<8x128xi32, #tpu.memory_space<vmem>>, %arg10: memref<10240xf32, #tpu.memory_space<vmem>>, %arg11: memref<1024x16xf32, #tpu.memory_space<vmem>>, %arg12: memref<240x16xf32, #tpu.memory_space<vmem_shared>>, %arg13: memref<!tpu.dma_semaphore, #tpu.memory_space<semaphore_mem>>, %arg14: memref<!tpu.dma_semaphore, #tpu.memory_space<semaphore_mem>>, %arg15: memref<!tpu.dma_semaphore, #tpu.memory_space<semaphore_mem>>, %arg16: memref<!tpu.dma_semaphore, #tpu.memory_space<semaphore_mem>>, %arg17: memref<!tpu.dma_semaphore, #tpu.memory_space<semaphore_mem>>, %arg18: memref<!tpu.dma_semaphore, #tpu.memory_space<semaphore_mem>>) attributes {dimension_semantics = [#tpu.dimension_semantics<core_parallel>, #tpu.dimension_semantics<subcore_parallel>], iteration_bounds = array<i64: 1, 16>, scalar_prefetch = 0 : i64, scratch_operands = 11 : i64, tpu.core_type = #tpu.core_type<sc_vector_subcore>, window_params = [{transform_indices = #map}, {transform_indices = #map}, {transform_indices = #map1}, {transform_indices = #map}, {transform_indices = #map1}, {transform_indices = #map}]} {
    %mul3A = arith.constant 80 : i32
    %mul3A_0 = arith.muli %arg1, %mul3A : i32
    %dma_start3A = arith.constant 0 : i32
    %dma_start3A_1 = tpu.memref_slice %arg2[%mul3A_0, %dma_start3A] : memref<1280x128xi32, #tpu.memory_space<hbm>> -> memref<80x128xi32, #tpu.memory_space<hbm>>
    %dma_start3A_2 = arith.constant 0 : i32
    %dma_start3A_3 = tpu.memref_slice %arg2[%mul3A_0, %dma_start3A_2] : memref<1280x128xi32, #tpu.memory_space<hbm>> -> memref<80x128xi32, #tpu.memory_space<hbm>>
    tpu.enqueue_dma source(%dma_start3A_3 : memref<80x128xi32, #tpu.memory_space<hbm>>) target(%arg8 : memref<80x128xi32, #tpu.memory_space<vmem>>) target_semaphore(%arg13 : memref<!tpu.dma_semaphore, #tpu.memory_space<semaphore_mem>>)
    %mul3A_4 = arith.constant 8 : i32
    %mul3A_5 = arith.muli %arg1, %mul3A_4 : i32
    %dma_start3A_6 = arith.constant 0 : i32
    %dma_start3A_7 = tpu.memref_slice %arg3[%mul3A_5, %dma_start3A_6] : memref<128x128xi32, #tpu.memory_space<hbm>> -> memref<8x128xi32, #tpu.memory_space<hbm>>
    %dma_start3A_8 = arith.constant 0 : i32
    %dma_start3A_9 = tpu.memref_slice %arg3[%mul3A_5, %dma_start3A_8] : memref<128x128xi32, #tpu.memory_space<hbm>> -> memref<8x128xi32, #tpu.memory_space<hbm>>
    tpu.enqueue_dma source(%dma_start3A_9 : memref<8x128xi32, #tpu.memory_space<hbm>>) target(%arg9 : memref<8x128xi32, #tpu.memory_space<vmem>>) target_semaphore(%arg14 : memref<!tpu.dma_semaphore, #tpu.memory_space<semaphore_mem>>)
    %mul3A_10 = arith.constant 15 : i32
    %mul3A_11 = arith.muli %arg1, %mul3A_10 : i32
    %dma_start3A_12 = arith.constant 0 : i32
    %dma_start3A_13 = tpu.memref_slice %arg12[%mul3A_11, %dma_start3A_12] : memref<240x16xf32, #tpu.memory_space<vmem_shared>> -> memref<15x16xf32, #tpu.memory_space<vmem_shared>>
    tpu.enqueue_dma source(%arg5 : memref<15x16xf32, #tpu.memory_space<hbm>>) target(%dma_start3A_13 : memref<15x16xf32, #tpu.memory_space<vmem_shared>>) target_semaphore(%arg15 : memref<!tpu.dma_semaphore, #tpu.memory_space<semaphore_mem>>)
    %dma_wait3A = arith.constant 0 : i32
    %dma_wait3A_14 = tpu.memref_slice %arg2[%mul3A_0, %dma_wait3A] : memref<1280x128xi32, #tpu.memory_space<hbm>> -> memref<80x128xi32, #tpu.memory_space<hbm>>
    %dma_wait3A_15 = arith.constant 0 : i32
    %dma_wait3A_16 = tpu.memref_slice %arg2[%mul3A_0, %dma_wait3A_15] : memref<1280x128xi32, #tpu.memory_space<hbm>> -> memref<80x128xi32, #tpu.memory_space<hbm>>
    tpu.wait_dma2 semaphore(%arg13 : memref<!tpu.dma_semaphore, #tpu.memory_space<semaphore_mem>>) src(%dma_wait3A_16 : memref<80x128xi32, #tpu.memory_space<hbm>>) dst(%arg8 : memref<80x128xi32, #tpu.memory_space<vmem>>)
    %dma_start3A_17 = arith.constant 0 : i32
    %dma_start3A_18 = arith.constant 0 : i32
    %dma_start3A_19 = tpu.memref_slice %arg10[%dma_start3A_18] : memref<10240xf32, #tpu.memory_space<vmem>> -> memref<128xf32, #tpu.memory_space<vmem>>
    %dma_start3A_20 = arith.constant 0 : i32
    %dma_start3A_21 = tpu.memref_slice %arg8[%dma_start3A_17, %dma_start3A_20] : memref<80x128xi32, #tpu.memory_space<vmem>> -> memref<1x128xi32, #tpu.memory_space<vmem>>
    %dma_start3A_22 = tpu.memref_squeeze %dma_start3A_21 : memref<1x128xi32, #tpu.memory_space<vmem>> -> memref<128xi32, #tpu.memory_space<vmem>>
    %dma_start3A_23 = arith.constant 0 : i32
    %dma_start3A_24 = tpu.memref_slice %arg4[%dma_start3A_23] : memref<1000010xf32, #tpu.memory_space<hbm>> -> memref<1000010xf32, #tpu.memory_space<hbm>>
    tpu.enqueue_indirect_dma source(%dma_start3A_24 : memref<1000010xf32, #tpu.memory_space<hbm>>) target(%dma_start3A_19 : memref<128xf32, #tpu.memory_space<vmem>>) offsets(%dma_start3A_22 : memref<128xi32, #tpu.memory_space<vmem>>) semaphore(%arg16 : memref<!tpu.dma_semaphore, #tpu.memory_space<semaphore_mem>>)
    %dma_start3A_25 = arith.constant 1 : i32
    %dma_start3A_26 = arith.constant 128 : i32
    %dma_start3A_27 = tpu.memref_slice %arg10[%dma_start3A_26] : memref<10240xf32, #tpu.memory_space<vmem>> -> memref<128xf32, #tpu.memory_space<vmem>>
    %dma_start3A_28 = arith.constant 0 : i32
    %dma_start3A_29 = tpu.memref_slice %arg8[%dma_start3A_25, %dma_start3A_28] : memref<80x128xi32, #tpu.memory_space<vmem>> -> memref<1x128xi32, #tpu.memory_space<vmem>>
    %dma_start3A_30 = tpu.memref_squeeze %dma_start3A_29 : memref<1x128xi32, #tpu.memory_space<vmem>> -> memref<128xi32, #tpu.memory_space<vmem>>
    %dma_start3A_31 = arith.constant 0 : i32
    %dma_start3A_32 = tpu.memref_slice %arg4[%dma_start3A_31] : memref<1000010xf32, #tpu.memory_space<hbm>> -> memref<1000010xf32, #tpu.memory_space<hbm>>
    tpu.enqueue_indirect_dma source(%dma_start3A_32 : memref<1000010xf32, #tpu.memory_space<hbm>>) target(%dma_start3A_27 : memref<128xf32, #tpu.memory_space<vmem>>) offsets(%dma_start3A_30 : memref<128xi32, #tpu.memory_space<vmem>>) semaphore(%arg16 : memref<!tpu.dma_semaphore, #tpu.memory_space<semaphore_mem>>)
    %dma_start3A_33 = arith.constant 2 : i32
    %dma_start3A_34 = arith.constant 256 : i32
    %dma_start3A_35 = tpu.memref_slice %arg10[%dma_start3A_34] : memref<10240xf32, #tpu.memory_space<vmem>> -> memref<128xf32, #tpu.memory_space<vmem>>
    %dma_start3A_36 = arith.constant 0 : i32
    %dma_start3A_37 = tpu.memref_slice %arg8[%dma_start3A_33, %dma_start3A_36] : memref<80x128xi32, #tpu.memory_space<vmem>> -> memref<1x128xi32, #tpu.memory_space<vmem>>
    %dma_start3A_38 = tpu.memref_squeeze %dma_start3A_37 : memref<1x128xi32, #tpu.memory_space<vmem>> -> memref<128xi32, #tpu.memory_space<vmem>>
    %dma_start3A_39 = arith.constant 0 : i32
    %dma_start3A_40 = tpu.memref_slice %arg4[%dma_start3A_39] : memref<1000010xf32, #tpu.memory_space<hbm>> -> memref<1000010xf32, #tpu.memory_space<hbm>>
    tpu.enqueue_indirect_dma source(%dma_start3A_40 : memref<1000010xf32, #tpu.memory_space<hbm>>) target(%dma_start3A_35 : memref<128xf32, #tpu.memory_space<vmem>>) offsets(%dma_start3A_38 : memref<128xi32, #tpu.memory_space<vmem>>) semaphore(%arg16 : memref<!tpu.dma_semaphore, #tpu.memory_space<semaphore_mem>>)
    %dma_start3A_41 = arith.constant 3 : i32
    %dma_start3A_42 = arith.constant 384 : i32
    %dma_start3A_43 = tpu.memref_slice %arg10[%dma_start3A_42] : memref<10240xf32, #tpu.memory_space<vmem>> -> memref<128xf32, #tpu.memory_space<vmem>>
    %dma_start3A_44 = arith.constant 0 : i32
    %dma_start3A_45 = tpu.memref_slice %arg8[%dma_start3A_41, %dma_start3A_44] : memref<80x128xi32, #tpu.memory_space<vmem>> -> memref<1x128xi32, #tpu.memory_space<vmem>>
    %dma_start3A_46 = tpu.memref_squeeze %dma_start3A_45 : memref<1x128xi32, #tpu.memory_space<vmem>> -> memref<128xi32, #tpu.memory_space<vmem>>
    %dma_start3A_47 = arith.constant 0 : i32
    %dma_start3A_48 = tpu.memref_slice %arg4[%dma_start3A_47] : memref<1000010xf32, #tpu.memory_space<hbm>> -> memref<1000010xf32, #tpu.memory_space<hbm>>
    tpu.enqueue_indirect_dma source(%dma_start3A_48 : memref<1000010xf32, #tpu.memory_space<hbm>>) target(%dma_start3A_43 : memref<128xf32, #tpu.memory_space<vmem>>) offsets(%dma_start3A_46 : memref<128xi32, #tpu.memory_space<vmem>>) semaphore(%arg16 : memref<!tpu.dma_semaphore, #tpu.memory_space<semaphore_mem>>)
    %dma_start3A_49 = arith.constant 4 : i32
    %dma_start3A_50 = arith.constant 512 : i32
    %dma_start3A_51 = tpu.memref_slice %arg10[%dma_start3A_50] : memref<10240xf32, #tpu.memory_space<vmem>> -> memref<128xf32, #tpu.memory_space<vmem>>
    %dma_start3A_52 = arith.constant 0 : i32
    %dma_start3A_53 = tpu.memref_slice %arg8[%dma_start3A_49, %dma_start3A_52] : memref<80x128xi32, #tpu.memory_space<vmem>> -> memref<1x128xi32, #tpu.memory_space<vmem>>
    %dma_start3A_54 = tpu.memref_squeeze %dma_start3A_53 : memref<1x128xi32, #tpu.memory_space<vmem>> -> memref<128xi32, #tpu.memory_space<vmem>>
    %dma_start3A_55 = arith.constant 0 : i32
    %dma_start3A_56 = tpu.memref_slice %arg4[%dma_start3A_55] : memref<1000010xf32, #tpu.memory_space<hbm>> -> memref<1000010xf32, #tpu.memory_space<hbm>>
    tpu.enqueue_indirect_dma source(%dma_start3A_56 : memref<1000010xf32, #tpu.memory_space<hbm>>) target(%dma_start3A_51 : memref<128xf32, #tpu.memory_space<vmem>>) offsets(%dma_start3A_54 : memref<128xi32, #tpu.memory_space<vmem>>) semaphore(%arg16 : memref<!tpu.dma_semaphore, #tpu.memory_space<semaphore_mem>>)
    %dma_start3A_57 = arith.constant 5 : i32
    %dma_start3A_58 = arith.constant 640 : i32
    %dma_start3A_59 = tpu.memref_slice %arg10[%dma_start3A_58] : memref<10240xf32, #tpu.memory_space<vmem>> -> memref<128xf32, #tpu.memory_space<vmem>>
    %dma_start3A_60 = arith.constant 0 : i32
    %dma_start3A_61 = tpu.memref_slice %arg8[%dma_start3A_57, %dma_start3A_60] : memref<80x128xi32, #tpu.memory_space<vmem>> -> memref<1x128xi32, #tpu.memory_space<vmem>>
    %dma_start3A_62 = tpu.memref_squeeze %dma_start3A_61 : memref<1x128xi32, #tpu.memory_space<vmem>> -> memref<128xi32, #tpu.memory_space<vmem>>
    %dma_start3A_63 = arith.constant 0 : i32
    %dma_start3A_64 = tpu.memref_slice %arg4[%dma_start3A_63] : memref<1000010xf32, #tpu.memory_space<hbm>> -> memref<1000010xf32, #tpu.memory_space<hbm>>
    tpu.enqueue_indirect_dma source(%dma_start3A_64 : memref<1000010xf32, #tpu.memory_space<hbm>>) target(%dma_start3A_59 : memref<128xf32, #tpu.memory_space<vmem>>) offsets(%dma_start3A_62 : memref<128xi32, #tpu.memory_space<vmem>>) semaphore(%arg16 : memref<!tpu.dma_semaphore, #tpu.memory_space<semaphore_mem>>)
    %dma_start3A_65 = arith.constant 6 : i32
    %dma_start3A_66 = arith.constant 768 : i32
    %dma_start3A_67 = tpu.memref_slice %arg10[%dma_start3A_66] : memref<10240xf32, #tpu.memory_space<vmem>> -> memref<128xf32, #tpu.memory_space<vmem>>
    %dma_start3A_68 = arith.constant 0 : i32
    %dma_start3A_69 = tpu.memref_slice %arg8[%dma_start3A_65, %dma_start3A_68] : memref<80x128xi32, #tpu.memory_space<vmem>> -> memref<1x128xi32, #tpu.memory_space<vmem>>
    %dma_start3A_70 = tpu.memref_squeeze %dma_start3A_69 : memref<1x128xi32, #tpu.memory_space<vmem>> -> memref<128xi32, #tpu.memory_space<vmem>>
    %dma_start3A_71 = arith.constant 0 : i32
    %dma_start3A_72 = tpu.memref_slice %arg4[%dma_start3A_71] : memref<1000010xf32, #tpu.memory_space<hbm>> -> memref<1000010xf32, #tpu.memory_space<hbm>>
    tpu.enqueue_indirect_dma source(%dma_start3A_72 : memref<1000010xf32, #tpu.memory_space<hbm>>) target(%dma_start3A_67 : memref<128xf32, #tpu.memory_space<vmem>>) offsets(%dma_start3A_70 : memref<128xi32, #tpu.memory_space<vmem>>) semaphore(%arg16 : memref<!tpu.dma_semaphore, #tpu.memory_space<semaphore_mem>>)
    %dma_start3A_73 = arith.constant 7 : i32
    %dma_start3A_74 = arith.constant 896 : i32
    %dma_start3A_75 = tpu.memref_slice %arg10[%dma_start3A_74] : memref<10240xf32, #tpu.memory_space<vmem>> -> memref<128xf32, #tpu.memory_space<vmem>>
    %dma_start3A_76 = arith.constant 0 : i32
    %dma_start3A_77 = tpu.memref_slice %arg8[%dma_start3A_73, %dma_start3A_76] : memref<80x128xi32, #tpu.memory_space<vmem>> -> memref<1x128xi32, #tpu.memory_space<vmem>>
    %dma_start3A_78 = tpu.memref_squeeze %dma_start3A_77 : memref<1x128xi32, #tpu.memory_space<vmem>> -> memref<128xi32, #tpu.memory_space<vmem>>
    %dma_start3A_79 = arith.constant 0 : i32
    %dma_start3A_80 = tpu.memref_slice %arg4[%dma_start3A_79] : memref<1000010xf32, #tpu.memory_space<hbm>> -> memref<1000010xf32, #tpu.memory_space<hbm>>
    tpu.enqueue_indirect_dma source(%dma_start3A_80 : memref<1000010xf32, #tpu.memory_space<hbm>>) target(%dma_start3A_75 : memref<128xf32, #tpu.memory_space<vmem>>) offsets(%dma_start3A_78 : memref<128xi32, #tpu.memory_space<vmem>>) semaphore(%arg16 : memref<!tpu.dma_semaphore, #tpu.memory_space<semaphore_mem>>)
    %dma_start3A_81 = arith.constant 8 : i32
    %dma_start3A_82 = arith.constant 1024 : i32
    %dma_start3A_83 = tpu.memref_slice %arg10[%dma_start3A_82] : memref<10240xf32, #tpu.memory_space<vmem>> -> memref<128xf32, #tpu.memory_space<vmem>>
    %dma_start3A_84 = arith.constant 0 : i32
    %dma_start3A_85 = tpu.memref_slice %arg8[%dma_start3A_81, %dma_start3A_84] : memref<80x128xi32, #tpu.memory_space<vmem>> -> memref<1x128xi32, #tpu.memory_space<vmem>>
    %dma_start3A_86 = tpu.memref_squeeze %dma_start3A_85 : memref<1x128xi32, #tpu.memory_space<vmem>> -> memref<128xi32, #tpu.memory_space<vmem>>
    %dma_start3A_87 = arith.constant 0 : i32
    %dma_start3A_88 = tpu.memref_slice %arg4[%dma_start3A_87] : memref<1000010xf32, #tpu.memory_space<hbm>> -> memref<1000010xf32, #tpu.memory_space<hbm>>
    tpu.enqueue_indirect_dma source(%dma_start3A_88 : memref<1000010xf32, #tpu.memory_space<hbm>>) target(%dma_start3A_83 : memref<128xf32, #tpu.memory_space<vmem>>) offsets(%dma_start3A_86 : memref<128xi32, #tpu.memory_space<vmem>>) semaphore(%arg16 : memref<!tpu.dma_semaphore, #tpu.memory_space<semaphore_mem>>)
    %dma_start3A_89 = arith.constant 9 : i32
    %dma_start3A_90 = arith.constant 1152 : i32
    %dma_start3A_91 = tpu.memref_slice %arg10[%dma_start3A_90] : memref<10240xf32, #tpu.memory_space<vmem>> -> memref<128xf32, #tpu.memory_space<vmem>>
    %dma_start3A_92 = arith.constant 0 : i32
    %dma_start3A_93 = tpu.memref_slice %arg8[%dma_start3A_89, %dma_start3A_92] : memref<80x128xi32, #tpu.memory_space<vmem>> -> memref<1x128xi32, #tpu.memory_space<vmem>>
    %dma_start3A_94 = tpu.memref_squeeze %dma_start3A_93 : memref<1x128xi32, #tpu.memory_space<vmem>> -> memref<128xi32, #tpu.memory_space<vmem>>
    %dma_start3A_95 = arith.constant 0 : i32
    %dma_start3A_96 = tpu.memref_slice %arg4[%dma_start3A_95] : memref<1000010xf32, #tpu.memory_space<hbm>> -> memref<1000010xf32, #tpu.memory_space<hbm>>
    tpu.enqueue_indirect_dma source(%dma_start3A_96 : memref<1000010xf32, #tpu.memory_space<hbm>>) target(%dma_start3A_91 : memref<128xf32, #tpu.memory_space<vmem>>) offsets(%dma_start3A_94 : memref<128xi32, #tpu.memory_space<vmem>>) semaphore(%arg16 : memref<!tpu.dma_semaphore, #tpu.memory_space<semaphore_mem>>)
    %dma_start3A_97 = arith.constant 10 : i32
    %dma_start3A_98 = arith.constant 1280 : i32
    %dma_start3A_99 = tpu.memref_slice %arg10[%dma_start3A_98] : memref<10240xf32, #tpu.memory_space<vmem>> -> memref<128xf32, #tpu.memory_space<vmem>>
    %dma_start3A_100 = arith.constant 0 : i32
    %dma_start3A_101 = tpu.memref_slice %arg8[%dma_start3A_97, %dma_start3A_100] : memref<80x128xi32, #tpu.memory_space<vmem>> -> memref<1x128xi32, #tpu.memory_space<vmem>>
    %dma_start3A_102 = tpu.memref_squeeze %dma_start3A_101 : memref<1x128xi32, #tpu.memory_space<vmem>> -> memref<128xi32, #tpu.memory_space<vmem>>
    %dma_start3A_103 = arith.constant 0 : i32
    %dma_start3A_104 = tpu.memref_slice %arg4[%dma_start3A_103] : memref<1000010xf32, #tpu.memory_space<hbm>> -> memref<1000010xf32, #tpu.memory_space<hbm>>
    tpu.enqueue_indirect_dma source(%dma_start3A_104 : memref<1000010xf32, #tpu.memory_space<hbm>>) target(%dma_start3A_99 : memref<128xf32, #tpu.memory_space<vmem>>) offsets(%dma_start3A_102 : memref<128xi32, #tpu.memory_space<vmem>>) semaphore(%arg16 : memref<!tpu.dma_semaphore, #tpu.memory_space<semaphore_mem>>)
    %dma_start3A_105 = arith.constant 11 : i32
    %dma_start3A_106 = arith.constant 1408 : i32
    %dma_start3A_107 = tpu.memref_slice %arg10[%dma_start3A_106] : memref<10240xf32, #tpu.memory_space<vmem>> -> memref<128xf32, #tpu.memory_space<vmem>>
    %dma_start3A_108 = arith.constant 0 : i32
    %dma_start3A_109 = tpu.memref_slice %arg8[%dma_start3A_105, %dma_start3A_108] : memref<80x128xi32, #tpu.memory_space<vmem>> -> memref<1x128xi32, #tpu.memory_space<vmem>>
    %dma_start3A_110 = tpu.memref_squeeze %dma_start3A_109 : memref<1x128xi32, #tpu.memory_space<vmem>> -> memref<128xi32, #tpu.memory_space<vmem>>
    %dma_start3A_111 = arith.constant 0 : i32
    %dma_start3A_112 = tpu.memref_slice %arg4[%dma_start3A_111] : memref<1000010xf32, #tpu.memory_space<hbm>> -> memref<1000010xf32, #tpu.memory_space<hbm>>
    tpu.enqueue_indirect_dma source(%dma_start3A_112 : memref<1000010xf32, #tpu.memory_space<hbm>>) target(%dma_start3A_107 : memref<128xf32, #tpu.memory_space<vmem>>) offsets(%dma_start3A_110 : memref<128xi32, #tpu.memory_space<vmem>>) semaphore(%arg16 : memref<!tpu.dma_semaphore, #tpu.memory_space<semaphore_mem>>)
    %dma_start3A_113 = arith.constant 12 : i32
    %dma_start3A_114 = arith.constant 1536 : i32
    %dma_start3A_115 = tpu.memref_slice %arg10[%dma_start3A_114] : memref<10240xf32, #tpu.memory_space<vmem>> -> memref<128xf32, #tpu.memory_space<vmem>>
    %dma_start3A_116 = arith.constant 0 : i32
    %dma_start3A_117 = tpu.memref_slice %arg8[%dma_start3A_113, %dma_start3A_116] : memref<80x128xi32, #tpu.memory_space<vmem>> -> memref<1x128xi32, #tpu.memory_space<vmem>>
    %dma_start3A_118 = tpu.memref_squeeze %dma_start3A_117 : memref<1x128xi32, #tpu.memory_space<vmem>> -> memref<128xi32, #tpu.memory_space<vmem>>
    %dma_start3A_119 = arith.constant 0 : i32
    %dma_start3A_120 = tpu.memref_slice %arg4[%dma_start3A_119] : memref<1000010xf32, #tpu.memory_space<hbm>> -> memref<1000010xf32, #tpu.memory_space<hbm>>
    tpu.enqueue_indirect_dma source(%dma_start3A_120 : memref<1000010xf32, #tpu.memory_space<hbm>>) target(%dma_start3A_115 : memref<128xf32, #tpu.memory_space<vmem>>) offsets(%dma_start3A_118 : memref<128xi32, #tpu.memory_space<vmem>>) semaphore(%arg16 : memref<!tpu.dma_semaphore, #tpu.memory_space<semaphore_mem>>)
    %dma_start3A_121 = arith.constant 13 : i32
    %dma_start3A_122 = arith.constant 1664 : i32
    %dma_start3A_123 = tpu.memref_slice %arg10[%dma_start3A_122] : memref<10240xf32, #tpu.memory_space<vmem>> -> memref<128xf32, #tpu.memory_space<vmem>>
    %dma_start3A_124 = arith.constant 0 : i32
    %dma_start3A_125 = tpu.memref_slice %arg8[%dma_start3A_121, %dma_start3A_124] : memref<80x128xi32, #tpu.memory_space<vmem>> -> memref<1x128xi32, #tpu.memory_space<vmem>>
    %dma_start3A_126 = tpu.memref_squeeze %dma_start3A_125 : memref<1x128xi32, #tpu.memory_space<vmem>> -> memref<128xi32, #tpu.memory_space<vmem>>
    %dma_start3A_127 = arith.constant 0 : i32
    %dma_start3A_128 = tpu.memref_slice %arg4[%dma_start3A_127] : memref<1000010xf32, #tpu.memory_space<hbm>> -> memref<1000010xf32, #tpu.memory_space<hbm>>
    tpu.enqueue_indirect_dma source(%dma_start3A_128 : memref<1000010xf32, #tpu.memory_space<hbm>>) target(%dma_start3A_123 : memref<128xf32, #tpu.memory_space<vmem>>) offsets(%dma_start3A_126 : memref<128xi32, #tpu.memory_space<vmem>>) semaphore(%arg16 : memref<!tpu.dma_semaphore, #tpu.memory_space<semaphore_mem>>)
    %dma_start3A_129 = arith.constant 14 : i32
    %dma_start3A_130 = arith.constant 1792 : i32
    %dma_start3A_131 = tpu.memref_slice %arg10[%dma_start3A_130] : memref<10240xf32, #tpu.memory_space<vmem>> -> memref<128xf32, #tpu.memory_space<vmem>>
    %dma_start3A_132 = arith.constant 0 : i32
    %dma_start3A_133 = tpu.memref_slice %arg8[%dma_start3A_129, %dma_start3A_132] : memref<80x128xi32, #tpu.memory_space<vmem>> -> memref<1x128xi32, #tpu.memory_space<vmem>>
    %dma_start3A_134 = tpu.memref_squeeze %dma_start3A_133 : memref<1x128xi32, #tpu.memory_space<vmem>> -> memref<128xi32, #tpu.memory_space<vmem>>
    %dma_start3A_135 = arith.constant 0 : i32
    %dma_start3A_136 = tpu.memref_slice %arg4[%dma_start3A_135] : memref<1000010xf32, #tpu.memory_space<hbm>> -> memref<1000010xf32, #tpu.memory_space<hbm>>
    tpu.enqueue_indirect_dma source(%dma_start3A_136 : memref<1000010xf32, #tpu.memory_space<hbm>>) target(%dma_start3A_131 : memref<128xf32, #tpu.memory_space<vmem>>) offsets(%dma_start3A_134 : memref<128xi32, #tpu.memory_space<vmem>>) semaphore(%arg16 : memref<!tpu.dma_semaphore, #tpu.memory_space<semaphore_mem>>)
    %dma_start3A_137 = arith.constant 15 : i32
    %dma_start3A_138 = arith.constant 1920 : i32
    %dma_start3A_139 = tpu.memref_slice %arg10[%dma_start3A_138] : memref<10240xf32, #tpu.memory_space<vmem>> -> memref<128xf32, #tpu.memory_space<vmem>>
    %dma_start3A_140 = arith.constant 0 : i32
    %dma_start3A_141 = tpu.memref_slice %arg8[%dma_start3A_137, %dma_start3A_140] : memref<80x128xi32, #tpu.memory_space<vmem>> -> memref<1x128xi32, #tpu.memory_space<vmem>>
    %dma_start3A_142 = tpu.memref_squeeze %dma_start3A_141 : memref<1x128xi32, #tpu.memory_space<vmem>> -> memref<128xi32, #tpu.memory_space<vmem>>
    %dma_start3A_143 = arith.constant 0 : i32
    %dma_start3A_144 = tpu.memref_slice %arg4[%dma_start3A_143] : memref<1000010xf32, #tpu.memory_space<hbm>> -> memref<1000010xf32, #tpu.memory_space<hbm>>
    tpu.enqueue_indirect_dma source(%dma_start3A_144 : memref<1000010xf32, #tpu.memory_space<hbm>>) target(%dma_start3A_139 : memref<128xf32, #tpu.memory_space<vmem>>) offsets(%dma_start3A_142 : memref<128xi32, #tpu.memory_space<vmem>>) semaphore(%arg16 : memref<!tpu.dma_semaphore, #tpu.memory_space<semaphore_mem>>)
    %dma_start3A_145 = arith.constant 16 : i32
    %dma_start3A_146 = arith.constant 2048 : i32
    %dma_start3A_147 = tpu.memref_slice %arg10[%dma_start3A_146] : memref<10240xf32, #tpu.memory_space<vmem>> -> memref<128xf32, #tpu.memory_space<vmem>>
    %dma_start3A_148 = arith.constant 0 : i32
    %dma_start3A_149 = tpu.memref_slice %arg8[%dma_start3A_145, %dma_start3A_148] : memref<80x128xi32, #tpu.memory_space<vmem>> -> memref<1x128xi32, #tpu.memory_space<vmem>>
    %dma_start3A_150 = tpu.memref_squeeze %dma_start3A_149 : memref<1x128xi32, #tpu.memory_space<vmem>> -> memref<128xi32, #tpu.memory_space<vmem>>
    %dma_start3A_151 = arith.constant 0 : i32
    %dma_start3A_152 = tpu.memref_slice %arg4[%dma_start3A_151] : memref<1000010xf32, #tpu.memory_space<hbm>> -> memref<1000010xf32, #tpu.memory_space<hbm>>
    tpu.enqueue_indirect_dma source(%dma_start3A_152 : memref<1000010xf32, #tpu.memory_space<hbm>>) target(%dma_start3A_147 : memref<128xf32, #tpu.memory_space<vmem>>) offsets(%dma_start3A_150 : memref<128xi32, #tpu.memory_space<vmem>>) semaphore(%arg16 : memref<!tpu.dma_semaphore, #tpu.memory_space<semaphore_mem>>)
    %dma_start3A_153 = arith.constant 17 : i32
    %dma_start3A_154 = arith.constant 2176 : i32
    %dma_start3A_155 = tpu.memref_slice %arg10[%dma_start3A_154] : memref<10240xf32, #tpu.memory_space<vmem>> -> memref<128xf32, #tpu.memory_space<vmem>>
    %dma_start3A_156 = arith.constant 0 : i32
    %dma_start3A_157 = tpu.memref_slice %arg8[%dma_start3A_153, %dma_start3A_156] : memref<80x128xi32, #tpu.memory_space<vmem>> -> memref<1x128xi32, #tpu.memory_space<vmem>>
    %dma_start3A_158 = tpu.memref_squeeze %dma_start3A_157 : memref<1x128xi32, #tpu.memory_space<vmem>> -> memref<128xi32, #tpu.memory_space<vmem>>
    %dma_start3A_159 = arith.constant 0 : i32
    %dma_start3A_160 = tpu.memref_slice %arg4[%dma_start3A_159] : memref<1000010xf32, #tpu.memory_space<hbm>> -> memref<1000010xf32, #tpu.memory_space<hbm>>
    tpu.enqueue_indirect_dma source(%dma_start3A_160 : memref<1000010xf32, #tpu.memory_space<hbm>>) target(%dma_start3A_155 : memref<128xf32, #tpu.memory_space<vmem>>) offsets(%dma_start3A_158 : memref<128xi32, #tpu.memory_space<vmem>>) semaphore(%arg16 : memref<!tpu.dma_semaphore, #tpu.memory_space<semaphore_mem>>)
    %dma_start3A_161 = arith.constant 18 : i32
    %dma_start3A_162 = arith.constant 2304 : i32
    %dma_start3A_163 = tpu.memref_slice %arg10[%dma_start3A_162] : memref<10240xf32, #tpu.memory_space<vmem>> -> memref<128xf32, #tpu.memory_space<vmem>>
    %dma_start3A_164 = arith.constant 0 : i32
    %dma_start3A_165 = tpu.memref_slice %arg8[%dma_start3A_161, %dma_start3A_164] : memref<80x128xi32, #tpu.memory_space<vmem>> -> memref<1x128xi32, #tpu.memory_space<vmem>>
    %dma_start3A_166 = tpu.memref_squeeze %dma_start3A_165 : memref<1x128xi32, #tpu.memory_space<vmem>> -> memref<128xi32, #tpu.memory_space<vmem>>
    %dma_start3A_167 = arith.constant 0 : i32
    %dma_start3A_168 = tpu.memref_slice %arg4[%dma_start3A_167] : memref<1000010xf32, #tpu.memory_space<hbm>> -> memref<1000010xf32, #tpu.memory_space<hbm>>
    tpu.enqueue_indirect_dma source(%dma_start3A_168 : memref<1000010xf32, #tpu.memory_space<hbm>>) target(%dma_start3A_163 : memref<128xf32, #tpu.memory_space<vmem>>) offsets(%dma_start3A_166 : memref<128xi32, #tpu.memory_space<vmem>>) semaphore(%arg16 : memref<!tpu.dma_semaphore, #tpu.memory_space<semaphore_mem>>)
    %dma_start3A_169 = arith.constant 19 : i32
    %dma_start3A_170 = arith.constant 2432 : i32
    %dma_start3A_171 = tpu.memref_slice %arg10[%dma_start3A_170] : memref<10240xf32, #tpu.memory_space<vmem>> -> memref<128xf32, #tpu.memory_space<vmem>>
    %dma_start3A_172 = arith.constant 0 : i32
    %dma_start3A_173 = tpu.memref_slice %arg8[%dma_start3A_169, %dma_start3A_172] : memref<80x128xi32, #tpu.memory_space<vmem>> -> memref<1x128xi32, #tpu.memory_space<vmem>>
    %dma_start3A_174 = tpu.memref_squeeze %dma_start3A_173 : memref<1x128xi32, #tpu.memory_space<vmem>> -> memref<128xi32, #tpu.memory_space<vmem>>
    %dma_start3A_175 = arith.constant 0 : i32
    %dma_start3A_176 = tpu.memref_slice %arg4[%dma_start3A_175] : memref<1000010xf32, #tpu.memory_space<hbm>> -> memref<1000010xf32, #tpu.memory_space<hbm>>
    tpu.enqueue_indirect_dma source(%dma_start3A_176 : memref<1000010xf32, #tpu.memory_space<hbm>>) target(%dma_start3A_171 : memref<128xf32, #tpu.memory_space<vmem>>) offsets(%dma_start3A_174 : memref<128xi32, #tpu.memory_space<vmem>>) semaphore(%arg16 : memref<!tpu.dma_semaphore, #tpu.memory_space<semaphore_mem>>)
    %dma_start3A_177 = arith.constant 20 : i32
    %dma_start3A_178 = arith.constant 2560 : i32
    %dma_start3A_179 = tpu.memref_slice %arg10[%dma_start3A_178] : memref<10240xf32, #tpu.memory_space<vmem>> -> memref<128xf32, #tpu.memory_space<vmem>>
    %dma_start3A_180 = arith.constant 0 : i32
    %dma_start3A_181 = tpu.memref_slice %arg8[%dma_start3A_177, %dma_start3A_180] : memref<80x128xi32, #tpu.memory_space<vmem>> -> memref<1x128xi32, #tpu.memory_space<vmem>>
    %dma_start3A_182 = tpu.memref_squeeze %dma_start3A_181 : memref<1x128xi32, #tpu.memory_space<vmem>> -> memref<128xi32, #tpu.memory_space<vmem>>
    %dma_start3A_183 = arith.constant 0 : i32
    %dma_start3A_184 = tpu.memref_slice %arg4[%dma_start3A_183] : memref<1000010xf32, #tpu.memory_space<hbm>> -> memref<1000010xf32, #tpu.memory_space<hbm>>
    tpu.enqueue_indirect_dma source(%dma_start3A_184 : memref<1000010xf32, #tpu.memory_space<hbm>>) target(%dma_start3A_179 : memref<128xf32, #tpu.memory_space<vmem>>) offsets(%dma_start3A_182 : memref<128xi32, #tpu.memory_space<vmem>>) semaphore(%arg16 : memref<!tpu.dma_semaphore, #tpu.memory_space<semaphore_mem>>)
    %dma_start3A_185 = arith.constant 21 : i32
    %dma_start3A_186 = arith.constant 2688 : i32
    %dma_start3A_187 = tpu.memref_slice %arg10[%dma_start3A_186] : memref<10240xf32, #tpu.memory_space<vmem>> -> memref<128xf32, #tpu.memory_space<vmem>>
    %dma_start3A_188 = arith.constant 0 : i32
    %dma_start3A_189 = tpu.memref_slice %arg8[%dma_start3A_185, %dma_start3A_188] : memref<80x128xi32, #tpu.memory_space<vmem>> -> memref<1x128xi32, #tpu.memory_space<vmem>>
    %dma_start3A_190 = tpu.memref_squeeze %dma_start3A_189 : memref<1x128xi32, #tpu.memory_space<vmem>> -> memref<128xi32, #tpu.memory_space<vmem>>
    %dma_start3A_191 = arith.constant 0 : i32
    %dma_start3A_192 = tpu.memref_slice %arg4[%dma_start3A_191] : memref<1000010xf32, #tpu.memory_space<hbm>> -> memref<1000010xf32, #tpu.memory_space<hbm>>
    tpu.enqueue_indirect_dma source(%dma_start3A_192 : memref<1000010xf32, #tpu.memory_space<hbm>>) target(%dma_start3A_187 : memref<128xf32, #tpu.memory_space<vmem>>) offsets(%dma_start3A_190 : memref<128xi32, #tpu.memory_space<vmem>>) semaphore(%arg16 : memref<!tpu.dma_semaphore, #tpu.memory_space<semaphore_mem>>)
    %dma_start3A_193 = arith.constant 22 : i32
    %dma_start3A_194 = arith.constant 2816 : i32
    %dma_start3A_195 = tpu.memref_slice %arg10[%dma_start3A_194] : memref<10240xf32, #tpu.memory_space<vmem>> -> memref<128xf32, #tpu.memory_space<vmem>>
    %dma_start3A_196 = arith.constant 0 : i32
    %dma_start3A_197 = tpu.memref_slice %arg8[%dma_start3A_193, %dma_start3A_196] : memref<80x128xi32, #tpu.memory_space<vmem>> -> memref<1x128xi32, #tpu.memory_space<vmem>>
    %dma_start3A_198 = tpu.memref_squeeze %dma_start3A_197 : memref<1x128xi32, #tpu.memory_space<vmem>> -> memref<128xi32, #tpu.memory_space<vmem>>
    %dma_start3A_199 = arith.constant 0 : i32
    %dma_start3A_200 = tpu.memref_slice %arg4[%dma_start3A_199] : memref<1000010xf32, #tpu.memory_space<hbm>> -> memref<1000010xf32, #tpu.memory_space<hbm>>
    tpu.enqueue_indirect_dma source(%dma_start3A_200 : memref<1000010xf32, #tpu.memory_space<hbm>>) target(%dma_start3A_195 : memref<128xf32, #tpu.memory_space<vmem>>) offsets(%dma_start3A_198 : memref<128xi32, #tpu.memory_space<vmem>>) semaphore(%arg16 : memref<!tpu.dma_semaphore, #tpu.memory_space<semaphore_mem>>)
    %dma_start3A_201 = arith.constant 23 : i32
    %dma_start3A_202 = arith.constant 2944 : i32
    %dma_start3A_203 = tpu.memref_slice %arg10[%dma_start3A_202] : memref<10240xf32, #tpu.memory_space<vmem>> -> memref<128xf32, #tpu.memory_space<vmem>>
    %dma_start3A_204 = arith.constant 0 : i32
    %dma_start3A_205 = tpu.memref_slice %arg8[%dma_start3A_201, %dma_start3A_204] : memref<80x128xi32, #tpu.memory_space<vmem>> -> memref<1x128xi32, #tpu.memory_space<vmem>>
    %dma_start3A_206 = tpu.memref_squeeze %dma_start3A_205 : memref<1x128xi32, #tpu.memory_space<vmem>> -> memref<128xi32, #tpu.memory_space<vmem>>
    %dma_start3A_207 = arith.constant 0 : i32
    %dma_start3A_208 = tpu.memref_slice %arg4[%dma_start3A_207] : memref<1000010xf32, #tpu.memory_space<hbm>> -> memref<1000010xf32, #tpu.memory_space<hbm>>
    tpu.enqueue_indirect_dma source(%dma_start3A_208 : memref<1000010xf32, #tpu.memory_space<hbm>>) target(%dma_start3A_203 : memref<128xf32, #tpu.memory_space<vmem>>) offsets(%dma_start3A_206 : memref<128xi32, #tpu.memory_space<vmem>>) semaphore(%arg16 : memref<!tpu.dma_semaphore, #tpu.memory_space<semaphore_mem>>)
    %dma_start3A_209 = arith.constant 24 : i32
    %dma_start3A_210 = arith.constant 3072 : i32
    %dma_start3A_211 = tpu.memref_slice %arg10[%dma_start3A_210] : memref<10240xf32, #tpu.memory_space<vmem>> -> memref<128xf32, #tpu.memory_space<vmem>>
    %dma_start3A_212 = arith.constant 0 : i32
    %dma_start3A_213 = tpu.memref_slice %arg8[%dma_start3A_209, %dma_start3A_212] : memref<80x128xi32, #tpu.memory_space<vmem>> -> memref<1x128xi32, #tpu.memory_space<vmem>>
    %dma_start3A_214 = tpu.memref_squeeze %dma_start3A_213 : memref<1x128xi32, #tpu.memory_space<vmem>> -> memref<128xi32, #tpu.memory_space<vmem>>
    %dma_start3A_215 = arith.constant 0 : i32
    %dma_start3A_216 = tpu.memref_slice %arg4[%dma_start3A_215] : memref<1000010xf32, #tpu.memory_space<hbm>> -> memref<1000010xf32, #tpu.memory_space<hbm>>
    tpu.enqueue_indirect_dma source(%dma_start3A_216 : memref<1000010xf32, #tpu.memory_space<hbm>>) target(%dma_start3A_211 : memref<128xf32, #tpu.memory_space<vmem>>) offsets(%dma_start3A_214 : memref<128xi32, #tpu.memory_space<vmem>>) semaphore(%arg16 : memref<!tpu.dma_semaphore, #tpu.memory_space<semaphore_mem>>)
    %dma_start3A_217 = arith.constant 25 : i32
    %dma_start3A_218 = arith.constant 3200 : i32
    %dma_start3A_219 = tpu.memref_slice %arg10[%dma_start3A_218] : memref<10240xf32, #tpu.memory_space<vmem>> -> memref<128xf32, #tpu.memory_space<vmem>>
    %dma_start3A_220 = arith.constant 0 : i32
    %dma_start3A_221 = tpu.memref_slice %arg8[%dma_start3A_217, %dma_start3A_220] : memref<80x128xi32, #tpu.memory_space<vmem>> -> memref<1x128xi32, #tpu.memory_space<vmem>>
    %dma_start3A_222 = tpu.memref_squeeze %dma_start3A_221 : memref<1x128xi32, #tpu.memory_space<vmem>> -> memref<128xi32, #tpu.memory_space<vmem>>
    %dma_start3A_223 = arith.constant 0 : i32
    %dma_start3A_224 = tpu.memref_slice %arg4[%dma_start3A_223] : memref<1000010xf32, #tpu.memory_space<hbm>> -> memref<1000010xf32, #tpu.memory_space<hbm>>
    tpu.enqueue_indirect_dma source(%dma_start3A_224 : memref<1000010xf32, #tpu.memory_space<hbm>>) target(%dma_start3A_219 : memref<128xf32, #tpu.memory_space<vmem>>) offsets(%dma_start3A_222 : memref<128xi32, #tpu.memory_space<vmem>>) semaphore(%arg16 : memref<!tpu.dma_semaphore, #tpu.memory_space<semaphore_mem>>)
    %dma_start3A_225 = arith.constant 26 : i32
    %dma_start3A_226 = arith.constant 3328 : i32
    %dma_start3A_227 = tpu.memref_slice %arg10[%dma_start3A_226] : memref<10240xf32, #tpu.memory_space<vmem>> -> memref<128xf32, #tpu.memory_space<vmem>>
    %dma_start3A_228 = arith.constant 0 : i32
    %dma_start3A_229 = tpu.memref_slice %arg8[%dma_start3A_225, %dma_start3A_228] : memref<80x128xi32, #tpu.memory_space<vmem>> -> memref<1x128xi32, #tpu.memory_space<vmem>>
    %dma_start3A_230 = tpu.memref_squeeze %dma_start3A_229 : memref<1x128xi32, #tpu.memory_space<vmem>> -> memref<128xi32, #tpu.memory_space<vmem>>
    %dma_start3A_231 = arith.constant 0 : i32
    %dma_start3A_232 = tpu.memref_slice %arg4[%dma_start3A_231] : memref<1000010xf32, #tpu.memory_space<hbm>> -> memref<1000010xf32, #tpu.memory_space<hbm>>
    tpu.enqueue_indirect_dma source(%dma_start3A_232 : memref<1000010xf32, #tpu.memory_space<hbm>>) target(%dma_start3A_227 : memref<128xf32, #tpu.memory_space<vmem>>) offsets(%dma_start3A_230 : memref<128xi32, #tpu.memory_space<vmem>>) semaphore(%arg16 : memref<!tpu.dma_semaphore, #tpu.memory_space<semaphore_mem>>)
    %dma_start3A_233 = arith.constant 27 : i32
    %dma_start3A_234 = arith.constant 3456 : i32
    %dma_start3A_235 = tpu.memref_slice %arg10[%dma_start3A_234] : memref<10240xf32, #tpu.memory_space<vmem>> -> memref<128xf32, #tpu.memory_space<vmem>>
    %dma_start3A_236 = arith.constant 0 : i32
    %dma_start3A_237 = tpu.memref_slice %arg8[%dma_start3A_233, %dma_start3A_236] : memref<80x128xi32, #tpu.memory_space<vmem>> -> memref<1x128xi32, #tpu.memory_space<vmem>>
    %dma_start3A_238 = tpu.memref_squeeze %dma_start3A_237 : memref<1x128xi32, #tpu.memory_space<vmem>> -> memref<128xi32, #tpu.memory_space<vmem>>
    %dma_start3A_239 = arith.constant 0 : i32
    %dma_start3A_240 = tpu.memref_slice %arg4[%dma_start3A_239] : memref<1000010xf32, #tpu.memory_space<hbm>> -> memref<1000010xf32, #tpu.memory_space<hbm>>
    tpu.enqueue_indirect_dma source(%dma_start3A_240 : memref<1000010xf32, #tpu.memory_space<hbm>>) target(%dma_start3A_235 : memref<128xf32, #tpu.memory_space<vmem>>) offsets(%dma_start3A_238 : memref<128xi32, #tpu.memory_space<vmem>>) semaphore(%arg16 : memref<!tpu.dma_semaphore, #tpu.memory_space<semaphore_mem>>)
    %dma_start3A_241 = arith.constant 28 : i32
    %dma_start3A_242 = arith.constant 3584 : i32
    %dma_start3A_243 = tpu.memref_slice %arg10[%dma_start3A_242] : memref<10240xf32, #tpu.memory_space<vmem>> -> memref<128xf32, #tpu.memory_space<vmem>>
    %dma_start3A_244 = arith.constant 0 : i32
    %dma_start3A_245 = tpu.memref_slice %arg8[%dma_start3A_241, %dma_start3A_244] : memref<80x128xi32, #tpu.memory_space<vmem>> -> memref<1x128xi32, #tpu.memory_space<vmem>>
    %dma_start3A_246 = tpu.memref_squeeze %dma_start3A_245 : memref<1x128xi32, #tpu.memory_space<vmem>> -> memref<128xi32, #tpu.memory_space<vmem>>
    %dma_start3A_247 = arith.constant 0 : i32
    %dma_start3A_248 = tpu.memref_slice %arg4[%dma_start3A_247] : memref<1000010xf32, #tpu.memory_space<hbm>> -> memref<1000010xf32, #tpu.memory_space<hbm>>
    tpu.enqueue_indirect_dma source(%dma_start3A_248 : memref<1000010xf32, #tpu.memory_space<hbm>>) target(%dma_start3A_243 : memref<128xf32, #tpu.memory_space<vmem>>) offsets(%dma_start3A_246 : memref<128xi32, #tpu.memory_space<vmem>>) semaphore(%arg16 : memref<!tpu.dma_semaphore, #tpu.memory_space<semaphore_mem>>)
    %dma_start3A_249 = arith.constant 29 : i32
    %dma_start3A_250 = arith.constant 3712 : i32
    %dma_start3A_251 = tpu.memref_slice %arg10[%dma_start3A_250] : memref<10240xf32, #tpu.memory_space<vmem>> -> memref<128xf32, #tpu.memory_space<vmem>>
    %dma_start3A_252 = arith.constant 0 : i32
    %dma_start3A_253 = tpu.memref_slice %arg8[%dma_start3A_249, %dma_start3A_252] : memref<80x128xi32, #tpu.memory_space<vmem>> -> memref<1x128xi32, #tpu.memory_space<vmem>>
    %dma_start3A_254 = tpu.memref_squeeze %dma_start3A_253 : memref<1x128xi32, #tpu.memory_space<vmem>> -> memref<128xi32, #tpu.memory_space<vmem>>
    %dma_start3A_255 = arith.constant 0 : i32
    %dma_start3A_256 = tpu.memref_slice %arg4[%dma_start3A_255] : memref<1000010xf32, #tpu.memory_space<hbm>> -> memref<1000010xf32, #tpu.memory_space<hbm>>
    tpu.enqueue_indirect_dma source(%dma_start3A_256 : memref<1000010xf32, #tpu.memory_space<hbm>>) target(%dma_start3A_251 : memref<128xf32, #tpu.memory_space<vmem>>) offsets(%dma_start3A_254 : memref<128xi32, #tpu.memory_space<vmem>>) semaphore(%arg16 : memref<!tpu.dma_semaphore, #tpu.memory_space<semaphore_mem>>)
    %dma_start3A_257 = arith.constant 30 : i32
    %dma_start3A_258 = arith.constant 3840 : i32
    %dma_start3A_259 = tpu.memref_slice %arg10[%dma_start3A_258] : memref<10240xf32, #tpu.memory_space<vmem>> -> memref<128xf32, #tpu.memory_space<vmem>>
    %dma_start3A_260 = arith.constant 0 : i32
    %dma_start3A_261 = tpu.memref_slice %arg8[%dma_start3A_257, %dma_start3A_260] : memref<80x128xi32, #tpu.memory_space<vmem>> -> memref<1x128xi32, #tpu.memory_space<vmem>>
    %dma_start3A_262 = tpu.memref_squeeze %dma_start3A_261 : memref<1x128xi32, #tpu.memory_space<vmem>> -> memref<128xi32, #tpu.memory_space<vmem>>
    %dma_start3A_263 = arith.constant 0 : i32
    %dma_start3A_264 = tpu.memref_slice %arg4[%dma_start3A_263] : memref<1000010xf32, #tpu.memory_space<hbm>> -> memref<1000010xf32, #tpu.memory_space<hbm>>
    tpu.enqueue_indirect_dma source(%dma_start3A_264 : memref<1000010xf32, #tpu.memory_space<hbm>>) target(%dma_start3A_259 : memref<128xf32, #tpu.memory_space<vmem>>) offsets(%dma_start3A_262 : memref<128xi32, #tpu.memory_space<vmem>>) semaphore(%arg16 : memref<!tpu.dma_semaphore, #tpu.memory_space<semaphore_mem>>)
    %dma_start3A_265 = arith.constant 31 : i32
    %dma_start3A_266 = arith.constant 3968 : i32
    %dma_start3A_267 = tpu.memref_slice %arg10[%dma_start3A_266] : memref<10240xf32, #tpu.memory_space<vmem>> -> memref<128xf32, #tpu.memory_space<vmem>>
    %dma_start3A_268 = arith.constant 0 : i32
    %dma_start3A_269 = tpu.memref_slice %arg8[%dma_start3A_265, %dma_start3A_268] : memref<80x128xi32, #tpu.memory_space<vmem>> -> memref<1x128xi32, #tpu.memory_space<vmem>>
    %dma_start3A_270 = tpu.memref_squeeze %dma_start3A_269 : memref<1x128xi32, #tpu.memory_space<vmem>> -> memref<128xi32, #tpu.memory_space<vmem>>
    %dma_start3A_271 = arith.constant 0 : i32
    %dma_start3A_272 = tpu.memref_slice %arg4[%dma_start3A_271] : memref<1000010xf32, #tpu.memory_space<hbm>> -> memref<1000010xf32, #tpu.memory_space<hbm>>
    tpu.enqueue_indirect_dma source(%dma_start3A_272 : memref<1000010xf32, #tpu.memory_space<hbm>>) target(%dma_start3A_267 : memref<128xf32, #tpu.memory_space<vmem>>) offsets(%dma_start3A_270 : memref<128xi32, #tpu.memory_space<vmem>>) semaphore(%arg16 : memref<!tpu.dma_semaphore, #tpu.memory_space<semaphore_mem>>)
    %dma_start3A_273 = arith.constant 32 : i32
    %dma_start3A_274 = arith.constant 4096 : i32
    %dma_start3A_275 = tpu.memref_slice %arg10[%dma_start3A_274] : memref<10240xf32, #tpu.memory_space<vmem>> -> memref<128xf32, #tpu.memory_space<vmem>>
    %dma_start3A_276 = arith.constant 0 : i32
    %dma_start3A_277 = tpu.memref_slice %arg8[%dma_start3A_273, %dma_start3A_276] : memref<80x128xi32, #tpu.memory_space<vmem>> -> memref<1x128xi32, #tpu.memory_space<vmem>>
    %dma_start3A_278 = tpu.memref_squeeze %dma_start3A_277 : memref<1x128xi32, #tpu.memory_space<vmem>> -> memref<128xi32, #tpu.memory_space<vmem>>
    %dma_start3A_279 = arith.constant 0 : i32
    %dma_start3A_280 = tpu.memref_slice %arg4[%dma_start3A_279] : memref<1000010xf32, #tpu.memory_space<hbm>> -> memref<1000010xf32, #tpu.memory_space<hbm>>
    tpu.enqueue_indirect_dma source(%dma_start3A_280 : memref<1000010xf32, #tpu.memory_space<hbm>>) target(%dma_start3A_275 : memref<128xf32, #tpu.memory_space<vmem>>) offsets(%dma_start3A_278 : memref<128xi32, #tpu.memory_space<vmem>>) semaphore(%arg16 : memref<!tpu.dma_semaphore, #tpu.memory_space<semaphore_mem>>)
    %dma_start3A_281 = arith.constant 33 : i32
    %dma_start3A_282 = arith.constant 4224 : i32
    %dma_start3A_283 = tpu.memref_slice %arg10[%dma_start3A_282] : memref<10240xf32, #tpu.memory_space<vmem>> -> memref<128xf32, #tpu.memory_space<vmem>>
    %dma_start3A_284 = arith.constant 0 : i32
    %dma_start3A_285 = tpu.memref_slice %arg8[%dma_start3A_281, %dma_start3A_284] : memref<80x128xi32, #tpu.memory_space<vmem>> -> memref<1x128xi32, #tpu.memory_space<vmem>>
    %dma_start3A_286 = tpu.memref_squeeze %dma_start3A_285 : memref<1x128xi32, #tpu.memory_space<vmem>> -> memref<128xi32, #tpu.memory_space<vmem>>
    %dma_start3A_287 = arith.constant 0 : i32
    %dma_start3A_288 = tpu.memref_slice %arg4[%dma_start3A_287] : memref<1000010xf32, #tpu.memory_space<hbm>> -> memref<1000010xf32, #tpu.memory_space<hbm>>
    tpu.enqueue_indirect_dma source(%dma_start3A_288 : memref<1000010xf32, #tpu.memory_space<hbm>>) target(%dma_start3A_283 : memref<128xf32, #tpu.memory_space<vmem>>) offsets(%dma_start3A_286 : memref<128xi32, #tpu.memory_space<vmem>>) semaphore(%arg16 : memref<!tpu.dma_semaphore, #tpu.memory_space<semaphore_mem>>)
    %dma_start3A_289 = arith.constant 34 : i32
    %dma_start3A_290 = arith.constant 4352 : i32
    %dma_start3A_291 = tpu.memref_slice %arg10[%dma_start3A_290] : memref<10240xf32, #tpu.memory_space<vmem>> -> memref<128xf32, #tpu.memory_space<vmem>>
    %dma_start3A_292 = arith.constant 0 : i32
    %dma_start3A_293 = tpu.memref_slice %arg8[%dma_start3A_289, %dma_start3A_292] : memref<80x128xi32, #tpu.memory_space<vmem>> -> memref<1x128xi32, #tpu.memory_space<vmem>>
    %dma_start3A_294 = tpu.memref_squeeze %dma_start3A_293 : memref<1x128xi32, #tpu.memory_space<vmem>> -> memref<128xi32, #tpu.memory_space<vmem>>
    %dma_start3A_295 = arith.constant 0 : i32
    %dma_start3A_296 = tpu.memref_slice %arg4[%dma_start3A_295] : memref<1000010xf32, #tpu.memory_space<hbm>> -> memref<1000010xf32, #tpu.memory_space<hbm>>
    tpu.enqueue_indirect_dma source(%dma_start3A_296 : memref<1000010xf32, #tpu.memory_space<hbm>>) target(%dma_start3A_291 : memref<128xf32, #tpu.memory_space<vmem>>) offsets(%dma_start3A_294 : memref<128xi32, #tpu.memory_space<vmem>>) semaphore(%arg16 : memref<!tpu.dma_semaphore, #tpu.memory_space<semaphore_mem>>)
    %dma_start3A_297 = arith.constant 35 : i32
    %dma_start3A_298 = arith.constant 4480 : i32
    %dma_start3A_299 = tpu.memref_slice %arg10[%dma_start3A_298] : memref<10240xf32, #tpu.memory_space<vmem>> -> memref<128xf32, #tpu.memory_space<vmem>>
    %dma_start3A_300 = arith.constant 0 : i32
    %dma_start3A_301 = tpu.memref_slice %arg8[%dma_start3A_297, %dma_start3A_300] : memref<80x128xi32, #tpu.memory_space<vmem>> -> memref<1x128xi32, #tpu.memory_space<vmem>>
    %dma_start3A_302 = tpu.memref_squeeze %dma_start3A_301 : memref<1x128xi32, #tpu.memory_space<vmem>> -> memref<128xi32, #tpu.memory_space<vmem>>
    %dma_start3A_303 = arith.constant 0 : i32
    %dma_start3A_304 = tpu.memref_slice %arg4[%dma_start3A_303] : memref<1000010xf32, #tpu.memory_space<hbm>> -> memref<1000010xf32, #tpu.memory_space<hbm>>
    tpu.enqueue_indirect_dma source(%dma_start3A_304 : memref<1000010xf32, #tpu.memory_space<hbm>>) target(%dma_start3A_299 : memref<128xf32, #tpu.memory_space<vmem>>) offsets(%dma_start3A_302 : memref<128xi32, #tpu.memory_space<vmem>>) semaphore(%arg16 : memref<!tpu.dma_semaphore, #tpu.memory_space<semaphore_mem>>)
    %dma_start3A_305 = arith.constant 36 : i32
    %dma_start3A_306 = arith.constant 4608 : i32
    %dma_start3A_307 = tpu.memref_slice %arg10[%dma_start3A_306] : memref<10240xf32, #tpu.memory_space<vmem>> -> memref<128xf32, #tpu.memory_space<vmem>>
    %dma_start3A_308 = arith.constant 0 : i32
    %dma_start3A_309 = tpu.memref_slice %arg8[%dma_start3A_305, %dma_start3A_308] : memref<80x128xi32, #tpu.memory_space<vmem>> -> memref<1x128xi32, #tpu.memory_space<vmem>>
    %dma_start3A_310 = tpu.memref_squeeze %dma_start3A_309 : memref<1x128xi32, #tpu.memory_space<vmem>> -> memref<128xi32, #tpu.memory_space<vmem>>
    %dma_start3A_311 = arith.constant 0 : i32
    %dma_start3A_312 = tpu.memref_slice %arg4[%dma_start3A_311] : memref<1000010xf32, #tpu.memory_space<hbm>> -> memref<1000010xf32, #tpu.memory_space<hbm>>
    tpu.enqueue_indirect_dma source(%dma_start3A_312 : memref<1000010xf32, #tpu.memory_space<hbm>>) target(%dma_start3A_307 : memref<128xf32, #tpu.memory_space<vmem>>) offsets(%dma_start3A_310 : memref<128xi32, #tpu.memory_space<vmem>>) semaphore(%arg16 : memref<!tpu.dma_semaphore, #tpu.memory_space<semaphore_mem>>)
    %dma_start3A_313 = arith.constant 37 : i32
    %dma_start3A_314 = arith.constant 4736 : i32
    %dma_start3A_315 = tpu.memref_slice %arg10[%dma_start3A_314] : memref<10240xf32, #tpu.memory_space<vmem>> -> memref<128xf32, #tpu.memory_space<vmem>>
    %dma_start3A_316 = arith.constant 0 : i32
    %dma_start3A_317 = tpu.memref_slice %arg8[%dma_start3A_313, %dma_start3A_316] : memref<80x128xi32, #tpu.memory_space<vmem>> -> memref<1x128xi32, #tpu.memory_space<vmem>>
    %dma_start3A_318 = tpu.memref_squeeze %dma_start3A_317 : memref<1x128xi32, #tpu.memory_space<vmem>> -> memref<128xi32, #tpu.memory_space<vmem>>
    %dma_start3A_319 = arith.constant 0 : i32
    %dma_start3A_320 = tpu.memref_slice %arg4[%dma_start3A_319] : memref<1000010xf32, #tpu.memory_space<hbm>> -> memref<1000010xf32, #tpu.memory_space<hbm>>
    tpu.enqueue_indirect_dma source(%dma_start3A_320 : memref<1000010xf32, #tpu.memory_space<hbm>>) target(%dma_start3A_315 : memref<128xf32, #tpu.memory_space<vmem>>) offsets(%dma_start3A_318 : memref<128xi32, #tpu.memory_space<vmem>>) semaphore(%arg16 : memref<!tpu.dma_semaphore, #tpu.memory_space<semaphore_mem>>)
    %dma_start3A_321 = arith.constant 38 : i32
    %dma_start3A_322 = arith.constant 4864 : i32
    %dma_start3A_323 = tpu.memref_slice %arg10[%dma_start3A_322] : memref<10240xf32, #tpu.memory_space<vmem>> -> memref<128xf32, #tpu.memory_space<vmem>>
    %dma_start3A_324 = arith.constant 0 : i32
    %dma_start3A_325 = tpu.memref_slice %arg8[%dma_start3A_321, %dma_start3A_324] : memref<80x128xi32, #tpu.memory_space<vmem>> -> memref<1x128xi32, #tpu.memory_space<vmem>>
    %dma_start3A_326 = tpu.memref_squeeze %dma_start3A_325 : memref<1x128xi32, #tpu.memory_space<vmem>> -> memref<128xi32, #tpu.memory_space<vmem>>
    %dma_start3A_327 = arith.constant 0 : i32
    %dma_start3A_328 = tpu.memref_slice %arg4[%dma_start3A_327] : memref<1000010xf32, #tpu.memory_space<hbm>> -> memref<1000010xf32, #tpu.memory_space<hbm>>
    tpu.enqueue_indirect_dma source(%dma_start3A_328 : memref<1000010xf32, #tpu.memory_space<hbm>>) target(%dma_start3A_323 : memref<128xf32, #tpu.memory_space<vmem>>) offsets(%dma_start3A_326 : memref<128xi32, #tpu.memory_space<vmem>>) semaphore(%arg16 : memref<!tpu.dma_semaphore, #tpu.memory_space<semaphore_mem>>)
    %dma_start3A_329 = arith.constant 39 : i32
    %dma_start3A_330 = arith.constant 4992 : i32
    %dma_start3A_331 = tpu.memref_slice %arg10[%dma_start3A_330] : memref<10240xf32, #tpu.memory_space<vmem>> -> memref<128xf32, #tpu.memory_space<vmem>>
    %dma_start3A_332 = arith.constant 0 : i32
    %dma_start3A_333 = tpu.memref_slice %arg8[%dma_start3A_329, %dma_start3A_332] : memref<80x128xi32, #tpu.memory_space<vmem>> -> memref<1x128xi32, #tpu.memory_space<vmem>>
    %dma_start3A_334 = tpu.memref_squeeze %dma_start3A_333 : memref<1x128xi32, #tpu.memory_space<vmem>> -> memref<128xi32, #tpu.memory_space<vmem>>
    %dma_start3A_335 = arith.constant 0 : i32
    %dma_start3A_336 = tpu.memref_slice %arg4[%dma_start3A_335] : memref<1000010xf32, #tpu.memory_space<hbm>> -> memref<1000010xf32, #tpu.memory_space<hbm>>
    tpu.enqueue_indirect_dma source(%dma_start3A_336 : memref<1000010xf32, #tpu.memory_space<hbm>>) target(%dma_start3A_331 : memref<128xf32, #tpu.memory_space<vmem>>) offsets(%dma_start3A_334 : memref<128xi32, #tpu.memory_space<vmem>>) semaphore(%arg16 : memref<!tpu.dma_semaphore, #tpu.memory_space<semaphore_mem>>)
    %dma_start3A_337 = arith.constant 40 : i32
    %dma_start3A_338 = arith.constant 5120 : i32
    %dma_start3A_339 = tpu.memref_slice %arg10[%dma_start3A_338] : memref<10240xf32, #tpu.memory_space<vmem>> -> memref<128xf32, #tpu.memory_space<vmem>>
    %dma_start3A_340 = arith.constant 0 : i32
    %dma_start3A_341 = tpu.memref_slice %arg8[%dma_start3A_337, %dma_start3A_340] : memref<80x128xi32, #tpu.memory_space<vmem>> -> memref<1x128xi32, #tpu.memory_space<vmem>>
    %dma_start3A_342 = tpu.memref_squeeze %dma_start3A_341 : memref<1x128xi32, #tpu.memory_space<vmem>> -> memref<128xi32, #tpu.memory_space<vmem>>
    %dma_start3A_343 = arith.constant 0 : i32
    %dma_start3A_344 = tpu.memref_slice %arg4[%dma_start3A_343] : memref<1000010xf32, #tpu.memory_space<hbm>> -> memref<1000010xf32, #tpu.memory_space<hbm>>
    tpu.enqueue_indirect_dma source(%dma_start3A_344 : memref<1000010xf32, #tpu.memory_space<hbm>>) target(%dma_start3A_339 : memref<128xf32, #tpu.memory_space<vmem>>) offsets(%dma_start3A_342 : memref<128xi32, #tpu.memory_space<vmem>>) semaphore(%arg16 : memref<!tpu.dma_semaphore, #tpu.memory_space<semaphore_mem>>)
    %dma_start3A_345 = arith.constant 41 : i32
    %dma_start3A_346 = arith.constant 5248 : i32
    %dma_start3A_347 = tpu.memref_slice %arg10[%dma_start3A_346] : memref<10240xf32, #tpu.memory_space<vmem>> -> memref<128xf32, #tpu.memory_space<vmem>>
    %dma_start3A_348 = arith.constant 0 : i32
    %dma_start3A_349 = tpu.memref_slice %arg8[%dma_start3A_345, %dma_start3A_348] : memref<80x128xi32, #tpu.memory_space<vmem>> -> memref<1x128xi32, #tpu.memory_space<vmem>>
    %dma_start3A_350 = tpu.memref_squeeze %dma_start3A_349 : memref<1x128xi32, #tpu.memory_space<vmem>> -> memref<128xi32, #tpu.memory_space<vmem>>
    %dma_start3A_351 = arith.constant 0 : i32
    %dma_start3A_352 = tpu.memref_slice %arg4[%dma_start3A_351] : memref<1000010xf32, #tpu.memory_space<hbm>> -> memref<1000010xf32, #tpu.memory_space<hbm>>
    tpu.enqueue_indirect_dma source(%dma_start3A_352 : memref<1000010xf32, #tpu.memory_space<hbm>>) target(%dma_start3A_347 : memref<128xf32, #tpu.memory_space<vmem>>) offsets(%dma_start3A_350 : memref<128xi32, #tpu.memory_space<vmem>>) semaphore(%arg16 : memref<!tpu.dma_semaphore, #tpu.memory_space<semaphore_mem>>)
    %dma_start3A_353 = arith.constant 42 : i32
    %dma_start3A_354 = arith.constant 5376 : i32
    %dma_start3A_355 = tpu.memref_slice %arg10[%dma_start3A_354] : memref<10240xf32, #tpu.memory_space<vmem>> -> memref<128xf32, #tpu.memory_space<vmem>>
    %dma_start3A_356 = arith.constant 0 : i32
    %dma_start3A_357 = tpu.memref_slice %arg8[%dma_start3A_353, %dma_start3A_356] : memref<80x128xi32, #tpu.memory_space<vmem>> -> memref<1x128xi32, #tpu.memory_space<vmem>>
    %dma_start3A_358 = tpu.memref_squeeze %dma_start3A_357 : memref<1x128xi32, #tpu.memory_space<vmem>> -> memref<128xi32, #tpu.memory_space<vmem>>
    %dma_start3A_359 = arith.constant 0 : i32
    %dma_start3A_360 = tpu.memref_slice %arg4[%dma_start3A_359] : memref<1000010xf32, #tpu.memory_space<hbm>> -> memref<1000010xf32, #tpu.memory_space<hbm>>
    tpu.enqueue_indirect_dma source(%dma_start3A_360 : memref<1000010xf32, #tpu.memory_space<hbm>>) target(%dma_start3A_355 : memref<128xf32, #tpu.memory_space<vmem>>) offsets(%dma_start3A_358 : memref<128xi32, #tpu.memory_space<vmem>>) semaphore(%arg16 : memref<!tpu.dma_semaphore, #tpu.memory_space<semaphore_mem>>)
    %dma_start3A_361 = arith.constant 43 : i32
    %dma_start3A_362 = arith.constant 5504 : i32
    %dma_start3A_363 = tpu.memref_slice %arg10[%dma_start3A_362] : memref<10240xf32, #tpu.memory_space<vmem>> -> memref<128xf32, #tpu.memory_space<vmem>>
    %dma_start3A_364 = arith.constant 0 : i32
    %dma_start3A_365 = tpu.memref_slice %arg8[%dma_start3A_361, %dma_start3A_364] : memref<80x128xi32, #tpu.memory_space<vmem>> -> memref<1x128xi32, #tpu.memory_space<vmem>>
    %dma_start3A_366 = tpu.memref_squeeze %dma_start3A_365 : memref<1x128xi32, #tpu.memory_space<vmem>> -> memref<128xi32, #tpu.memory_space<vmem>>
    %dma_start3A_367 = arith.constant 0 : i32
    %dma_start3A_368 = tpu.memref_slice %arg4[%dma_start3A_367] : memref<1000010xf32, #tpu.memory_space<hbm>> -> memref<1000010xf32, #tpu.memory_space<hbm>>
    tpu.enqueue_indirect_dma source(%dma_start3A_368 : memref<1000010xf32, #tpu.memory_space<hbm>>) target(%dma_start3A_363 : memref<128xf32, #tpu.memory_space<vmem>>) offsets(%dma_start3A_366 : memref<128xi32, #tpu.memory_space<vmem>>) semaphore(%arg16 : memref<!tpu.dma_semaphore, #tpu.memory_space<semaphore_mem>>)
    %dma_start3A_369 = arith.constant 44 : i32
    %dma_start3A_370 = arith.constant 5632 : i32
    %dma_start3A_371 = tpu.memref_slice %arg10[%dma_start3A_370] : memref<10240xf32, #tpu.memory_space<vmem>> -> memref<128xf32, #tpu.memory_space<vmem>>
    %dma_start3A_372 = arith.constant 0 : i32
    %dma_start3A_373 = tpu.memref_slice %arg8[%dma_start3A_369, %dma_start3A_372] : memref<80x128xi32, #tpu.memory_space<vmem>> -> memref<1x128xi32, #tpu.memory_space<vmem>>
    %dma_start3A_374 = tpu.memref_squeeze %dma_start3A_373 : memref<1x128xi32, #tpu.memory_space<vmem>> -> memref<128xi32, #tpu.memory_space<vmem>>
    %dma_start3A_375 = arith.constant 0 : i32
    %dma_start3A_376 = tpu.memref_slice %arg4[%dma_start3A_375] : memref<1000010xf32, #tpu.memory_space<hbm>> -> memref<1000010xf32, #tpu.memory_space<hbm>>
    tpu.enqueue_indirect_dma source(%dma_start3A_376 : memref<1000010xf32, #tpu.memory_space<hbm>>) target(%dma_start3A_371 : memref<128xf32, #tpu.memory_space<vmem>>) offsets(%dma_start3A_374 : memref<128xi32, #tpu.memory_space<vmem>>) semaphore(%arg16 : memref<!tpu.dma_semaphore, #tpu.memory_space<semaphore_mem>>)
    %dma_start3A_377 = arith.constant 45 : i32
    %dma_start3A_378 = arith.constant 5760 : i32
    %dma_start3A_379 = tpu.memref_slice %arg10[%dma_start3A_378] : memref<10240xf32, #tpu.memory_space<vmem>> -> memref<128xf32, #tpu.memory_space<vmem>>
    %dma_start3A_380 = arith.constant 0 : i32
    %dma_start3A_381 = tpu.memref_slice %arg8[%dma_start3A_377, %dma_start3A_380] : memref<80x128xi32, #tpu.memory_space<vmem>> -> memref<1x128xi32, #tpu.memory_space<vmem>>
    %dma_start3A_382 = tpu.memref_squeeze %dma_start3A_381 : memref<1x128xi32, #tpu.memory_space<vmem>> -> memref<128xi32, #tpu.memory_space<vmem>>
    %dma_start3A_383 = arith.constant 0 : i32
    %dma_start3A_384 = tpu.memref_slice %arg4[%dma_start3A_383] : memref<1000010xf32, #tpu.memory_space<hbm>> -> memref<1000010xf32, #tpu.memory_space<hbm>>
    tpu.enqueue_indirect_dma source(%dma_start3A_384 : memref<1000010xf32, #tpu.memory_space<hbm>>) target(%dma_start3A_379 : memref<128xf32, #tpu.memory_space<vmem>>) offsets(%dma_start3A_382 : memref<128xi32, #tpu.memory_space<vmem>>) semaphore(%arg16 : memref<!tpu.dma_semaphore, #tpu.memory_space<semaphore_mem>>)
    %dma_start3A_385 = arith.constant 46 : i32
    %dma_start3A_386 = arith.constant 5888 : i32
    %dma_start3A_387 = tpu.memref_slice %arg10[%dma_start3A_386] : memref<10240xf32, #tpu.memory_space<vmem>> -> memref<128xf32, #tpu.memory_space<vmem>>
    %dma_start3A_388 = arith.constant 0 : i32
    %dma_start3A_389 = tpu.memref_slice %arg8[%dma_start3A_385, %dma_start3A_388] : memref<80x128xi32, #tpu.memory_space<vmem>> -> memref<1x128xi32, #tpu.memory_space<vmem>>
    %dma_start3A_390 = tpu.memref_squeeze %dma_start3A_389 : memref<1x128xi32, #tpu.memory_space<vmem>> -> memref<128xi32, #tpu.memory_space<vmem>>
    %dma_start3A_391 = arith.constant 0 : i32
    %dma_start3A_392 = tpu.memref_slice %arg4[%dma_start3A_391] : memref<1000010xf32, #tpu.memory_space<hbm>> -> memref<1000010xf32, #tpu.memory_space<hbm>>
    tpu.enqueue_indirect_dma source(%dma_start3A_392 : memref<1000010xf32, #tpu.memory_space<hbm>>) target(%dma_start3A_387 : memref<128xf32, #tpu.memory_space<vmem>>) offsets(%dma_start3A_390 : memref<128xi32, #tpu.memory_space<vmem>>) semaphore(%arg16 : memref<!tpu.dma_semaphore, #tpu.memory_space<semaphore_mem>>)
    %dma_start3A_393 = arith.constant 47 : i32
    %dma_start3A_394 = arith.constant 6016 : i32
    %dma_start3A_395 = tpu.memref_slice %arg10[%dma_start3A_394] : memref<10240xf32, #tpu.memory_space<vmem>> -> memref<128xf32, #tpu.memory_space<vmem>>
    %dma_start3A_396 = arith.constant 0 : i32
    %dma_start3A_397 = tpu.memref_slice %arg8[%dma_start3A_393, %dma_start3A_396] : memref<80x128xi32, #tpu.memory_space<vmem>> -> memref<1x128xi32, #tpu.memory_space<vmem>>
    %dma_start3A_398 = tpu.memref_squeeze %dma_start3A_397 : memref<1x128xi32, #tpu.memory_space<vmem>> -> memref<128xi32, #tpu.memory_space<vmem>>
    %dma_start3A_399 = arith.constant 0 : i32
    %dma_start3A_400 = tpu.memref_slice %arg4[%dma_start3A_399] : memref<1000010xf32, #tpu.memory_space<hbm>> -> memref<1000010xf32, #tpu.memory_space<hbm>>
    tpu.enqueue_indirect_dma source(%dma_start3A_400 : memref<1000010xf32, #tpu.memory_space<hbm>>) target(%dma_start3A_395 : memref<128xf32, #tpu.memory_space<vmem>>) offsets(%dma_start3A_398 : memref<128xi32, #tpu.memory_space<vmem>>) semaphore(%arg16 : memref<!tpu.dma_semaphore, #tpu.memory_space<semaphore_mem>>)
    %dma_start3A_401 = arith.constant 48 : i32
    %dma_start3A_402 = arith.constant 6144 : i32
    %dma_start3A_403 = tpu.memref_slice %arg10[%dma_start3A_402] : memref<10240xf32, #tpu.memory_space<vmem>> -> memref<128xf32, #tpu.memory_space<vmem>>
    %dma_start3A_404 = arith.constant 0 : i32
    %dma_start3A_405 = tpu.memref_slice %arg8[%dma_start3A_401, %dma_start3A_404] : memref<80x128xi32, #tpu.memory_space<vmem>> -> memref<1x128xi32, #tpu.memory_space<vmem>>
    %dma_start3A_406 = tpu.memref_squeeze %dma_start3A_405 : memref<1x128xi32, #tpu.memory_space<vmem>> -> memref<128xi32, #tpu.memory_space<vmem>>
    %dma_start3A_407 = arith.constant 0 : i32
    %dma_start3A_408 = tpu.memref_slice %arg4[%dma_start3A_407] : memref<1000010xf32, #tpu.memory_space<hbm>> -> memref<1000010xf32, #tpu.memory_space<hbm>>
    tpu.enqueue_indirect_dma source(%dma_start3A_408 : memref<1000010xf32, #tpu.memory_space<hbm>>) target(%dma_start3A_403 : memref<128xf32, #tpu.memory_space<vmem>>) offsets(%dma_start3A_406 : memref<128xi32, #tpu.memory_space<vmem>>) semaphore(%arg16 : memref<!tpu.dma_semaphore, #tpu.memory_space<semaphore_mem>>)
    %dma_start3A_409 = arith.constant 49 : i32
    %dma_start3A_410 = arith.constant 6272 : i32
    %dma_start3A_411 = tpu.memref_slice %arg10[%dma_start3A_410] : memref<10240xf32, #tpu.memory_space<vmem>> -> memref<128xf32, #tpu.memory_space<vmem>>
    %dma_start3A_412 = arith.constant 0 : i32
    %dma_start3A_413 = tpu.memref_slice %arg8[%dma_start3A_409, %dma_start3A_412] : memref<80x128xi32, #tpu.memory_space<vmem>> -> memref<1x128xi32, #tpu.memory_space<vmem>>
    %dma_start3A_414 = tpu.memref_squeeze %dma_start3A_413 : memref<1x128xi32, #tpu.memory_space<vmem>> -> memref<128xi32, #tpu.memory_space<vmem>>
    %dma_start3A_415 = arith.constant 0 : i32
    %dma_start3A_416 = tpu.memref_slice %arg4[%dma_start3A_415] : memref<1000010xf32, #tpu.memory_space<hbm>> -> memref<1000010xf32, #tpu.memory_space<hbm>>
    tpu.enqueue_indirect_dma source(%dma_start3A_416 : memref<1000010xf32, #tpu.memory_space<hbm>>) target(%dma_start3A_411 : memref<128xf32, #tpu.memory_space<vmem>>) offsets(%dma_start3A_414 : memref<128xi32, #tpu.memory_space<vmem>>) semaphore(%arg16 : memref<!tpu.dma_semaphore, #tpu.memory_space<semaphore_mem>>)
    %dma_start3A_417 = arith.constant 50 : i32
    %dma_start3A_418 = arith.constant 6400 : i32
    %dma_start3A_419 = tpu.memref_slice %arg10[%dma_start3A_418] : memref<10240xf32, #tpu.memory_space<vmem>> -> memref<128xf32, #tpu.memory_space<vmem>>
    %dma_start3A_420 = arith.constant 0 : i32
    %dma_start3A_421 = tpu.memref_slice %arg8[%dma_start3A_417, %dma_start3A_420] : memref<80x128xi32, #tpu.memory_space<vmem>> -> memref<1x128xi32, #tpu.memory_space<vmem>>
    %dma_start3A_422 = tpu.memref_squeeze %dma_start3A_421 : memref<1x128xi32, #tpu.memory_space<vmem>> -> memref<128xi32, #tpu.memory_space<vmem>>
    %dma_start3A_423 = arith.constant 0 : i32
    %dma_start3A_424 = tpu.memref_slice %arg4[%dma_start3A_423] : memref<1000010xf32, #tpu.memory_space<hbm>> -> memref<1000010xf32, #tpu.memory_space<hbm>>
    tpu.enqueue_indirect_dma source(%dma_start3A_424 : memref<1000010xf32, #tpu.memory_space<hbm>>) target(%dma_start3A_419 : memref<128xf32, #tpu.memory_space<vmem>>) offsets(%dma_start3A_422 : memref<128xi32, #tpu.memory_space<vmem>>) semaphore(%arg16 : memref<!tpu.dma_semaphore, #tpu.memory_space<semaphore_mem>>)
    %dma_start3A_425 = arith.constant 51 : i32
    %dma_start3A_426 = arith.constant 6528 : i32
    %dma_start3A_427 = tpu.memref_slice %arg10[%dma_start3A_426] : memref<10240xf32, #tpu.memory_space<vmem>> -> memref<128xf32, #tpu.memory_space<vmem>>
    %dma_start3A_428 = arith.constant 0 : i32
    %dma_start3A_429 = tpu.memref_slice %arg8[%dma_start3A_425, %dma_start3A_428] : memref<80x128xi32, #tpu.memory_space<vmem>> -> memref<1x128xi32, #tpu.memory_space<vmem>>
    %dma_start3A_430 = tpu.memref_squeeze %dma_start3A_429 : memref<1x128xi32, #tpu.memory_space<vmem>> -> memref<128xi32, #tpu.memory_space<vmem>>
    %dma_start3A_431 = arith.constant 0 : i32
    %dma_start3A_432 = tpu.memref_slice %arg4[%dma_start3A_431] : memref<1000010xf32, #tpu.memory_space<hbm>> -> memref<1000010xf32, #tpu.memory_space<hbm>>
    tpu.enqueue_indirect_dma source(%dma_start3A_432 : memref<1000010xf32, #tpu.memory_space<hbm>>) target(%dma_start3A_427 : memref<128xf32, #tpu.memory_space<vmem>>) offsets(%dma_start3A_430 : memref<128xi32, #tpu.memory_space<vmem>>) semaphore(%arg16 : memref<!tpu.dma_semaphore, #tpu.memory_space<semaphore_mem>>)
    %dma_start3A_433 = arith.constant 52 : i32
    %dma_start3A_434 = arith.constant 6656 : i32
    %dma_start3A_435 = tpu.memref_slice %arg10[%dma_start3A_434] : memref<10240xf32, #tpu.memory_space<vmem>> -> memref<128xf32, #tpu.memory_space<vmem>>
    %dma_start3A_436 = arith.constant 0 : i32
    %dma_start3A_437 = tpu.memref_slice %arg8[%dma_start3A_433, %dma_start3A_436] : memref<80x128xi32, #tpu.memory_space<vmem>> -> memref<1x128xi32, #tpu.memory_space<vmem>>
    %dma_start3A_438 = tpu.memref_squeeze %dma_start3A_437 : memref<1x128xi32, #tpu.memory_space<vmem>> -> memref<128xi32, #tpu.memory_space<vmem>>
    %dma_start3A_439 = arith.constant 0 : i32
    %dma_start3A_440 = tpu.memref_slice %arg4[%dma_start3A_439] : memref<1000010xf32, #tpu.memory_space<hbm>> -> memref<1000010xf32, #tpu.memory_space<hbm>>
    tpu.enqueue_indirect_dma source(%dma_start3A_440 : memref<1000010xf32, #tpu.memory_space<hbm>>) target(%dma_start3A_435 : memref<128xf32, #tpu.memory_space<vmem>>) offsets(%dma_start3A_438 : memref<128xi32, #tpu.memory_space<vmem>>) semaphore(%arg16 : memref<!tpu.dma_semaphore, #tpu.memory_space<semaphore_mem>>)
    %dma_start3A_441 = arith.constant 53 : i32
    %dma_start3A_442 = arith.constant 6784 : i32
    %dma_start3A_443 = tpu.memref_slice %arg10[%dma_start3A_442] : memref<10240xf32, #tpu.memory_space<vmem>> -> memref<128xf32, #tpu.memory_space<vmem>>
    %dma_start3A_444 = arith.constant 0 : i32
    %dma_start3A_445 = tpu.memref_slice %arg8[%dma_start3A_441, %dma_start3A_444] : memref<80x128xi32, #tpu.memory_space<vmem>> -> memref<1x128xi32, #tpu.memory_space<vmem>>
    %dma_start3A_446 = tpu.memref_squeeze %dma_start3A_445 : memref<1x128xi32, #tpu.memory_space<vmem>> -> memref<128xi32, #tpu.memory_space<vmem>>
    %dma_start3A_447 = arith.constant 0 : i32
    %dma_start3A_448 = tpu.memref_slice %arg4[%dma_start3A_447] : memref<1000010xf32, #tpu.memory_space<hbm>> -> memref<1000010xf32, #tpu.memory_space<hbm>>
    tpu.enqueue_indirect_dma source(%dma_start3A_448 : memref<1000010xf32, #tpu.memory_space<hbm>>) target(%dma_start3A_443 : memref<128xf32, #tpu.memory_space<vmem>>) offsets(%dma_start3A_446 : memref<128xi32, #tpu.memory_space<vmem>>) semaphore(%arg16 : memref<!tpu.dma_semaphore, #tpu.memory_space<semaphore_mem>>)
    %dma_start3A_449 = arith.constant 54 : i32
    %dma_start3A_450 = arith.constant 6912 : i32
    %dma_start3A_451 = tpu.memref_slice %arg10[%dma_start3A_450] : memref<10240xf32, #tpu.memory_space<vmem>> -> memref<128xf32, #tpu.memory_space<vmem>>
    %dma_start3A_452 = arith.constant 0 : i32
    %dma_start3A_453 = tpu.memref_slice %arg8[%dma_start3A_449, %dma_start3A_452] : memref<80x128xi32, #tpu.memory_space<vmem>> -> memref<1x128xi32, #tpu.memory_space<vmem>>
    %dma_start3A_454 = tpu.memref_squeeze %dma_start3A_453 : memref<1x128xi32, #tpu.memory_space<vmem>> -> memref<128xi32, #tpu.memory_space<vmem>>
    %dma_start3A_455 = arith.constant 0 : i32
    %dma_start3A_456 = tpu.memref_slice %arg4[%dma_start3A_455] : memref<1000010xf32, #tpu.memory_space<hbm>> -> memref<1000010xf32, #tpu.memory_space<hbm>>
    tpu.enqueue_indirect_dma source(%dma_start3A_456 : memref<1000010xf32, #tpu.memory_space<hbm>>) target(%dma_start3A_451 : memref<128xf32, #tpu.memory_space<vmem>>) offsets(%dma_start3A_454 : memref<128xi32, #tpu.memory_space<vmem>>) semaphore(%arg16 : memref<!tpu.dma_semaphore, #tpu.memory_space<semaphore_mem>>)
    %dma_start3A_457 = arith.constant 55 : i32
    %dma_start3A_458 = arith.constant 7040 : i32
    %dma_start3A_459 = tpu.memref_slice %arg10[%dma_start3A_458] : memref<10240xf32, #tpu.memory_space<vmem>> -> memref<128xf32, #tpu.memory_space<vmem>>
    %dma_start3A_460 = arith.constant 0 : i32
    %dma_start3A_461 = tpu.memref_slice %arg8[%dma_start3A_457, %dma_start3A_460] : memref<80x128xi32, #tpu.memory_space<vmem>> -> memref<1x128xi32, #tpu.memory_space<vmem>>
    %dma_start3A_462 = tpu.memref_squeeze %dma_start3A_461 : memref<1x128xi32, #tpu.memory_space<vmem>> -> memref<128xi32, #tpu.memory_space<vmem>>
    %dma_start3A_463 = arith.constant 0 : i32
    %dma_start3A_464 = tpu.memref_slice %arg4[%dma_start3A_463] : memref<1000010xf32, #tpu.memory_space<hbm>> -> memref<1000010xf32, #tpu.memory_space<hbm>>
    tpu.enqueue_indirect_dma source(%dma_start3A_464 : memref<1000010xf32, #tpu.memory_space<hbm>>) target(%dma_start3A_459 : memref<128xf32, #tpu.memory_space<vmem>>) offsets(%dma_start3A_462 : memref<128xi32, #tpu.memory_space<vmem>>) semaphore(%arg16 : memref<!tpu.dma_semaphore, #tpu.memory_space<semaphore_mem>>)
    %dma_start3A_465 = arith.constant 56 : i32
    %dma_start3A_466 = arith.constant 7168 : i32
    %dma_start3A_467 = tpu.memref_slice %arg10[%dma_start3A_466] : memref<10240xf32, #tpu.memory_space<vmem>> -> memref<128xf32, #tpu.memory_space<vmem>>
    %dma_start3A_468 = arith.constant 0 : i32
    %dma_start3A_469 = tpu.memref_slice %arg8[%dma_start3A_465, %dma_start3A_468] : memref<80x128xi32, #tpu.memory_space<vmem>> -> memref<1x128xi32, #tpu.memory_space<vmem>>
    %dma_start3A_470 = tpu.memref_squeeze %dma_start3A_469 : memref<1x128xi32, #tpu.memory_space<vmem>> -> memref<128xi32, #tpu.memory_space<vmem>>
    %dma_start3A_471 = arith.constant 0 : i32
    %dma_start3A_472 = tpu.memref_slice %arg4[%dma_start3A_471] : memref<1000010xf32, #tpu.memory_space<hbm>> -> memref<1000010xf32, #tpu.memory_space<hbm>>
    tpu.enqueue_indirect_dma source(%dma_start3A_472 : memref<1000010xf32, #tpu.memory_space<hbm>>) target(%dma_start3A_467 : memref<128xf32, #tpu.memory_space<vmem>>) offsets(%dma_start3A_470 : memref<128xi32, #tpu.memory_space<vmem>>) semaphore(%arg16 : memref<!tpu.dma_semaphore, #tpu.memory_space<semaphore_mem>>)
    %dma_start3A_473 = arith.constant 57 : i32
    %dma_start3A_474 = arith.constant 7296 : i32
    %dma_start3A_475 = tpu.memref_slice %arg10[%dma_start3A_474] : memref<10240xf32, #tpu.memory_space<vmem>> -> memref<128xf32, #tpu.memory_space<vmem>>
    %dma_start3A_476 = arith.constant 0 : i32
    %dma_start3A_477 = tpu.memref_slice %arg8[%dma_start3A_473, %dma_start3A_476] : memref<80x128xi32, #tpu.memory_space<vmem>> -> memref<1x128xi32, #tpu.memory_space<vmem>>
    %dma_start3A_478 = tpu.memref_squeeze %dma_start3A_477 : memref<1x128xi32, #tpu.memory_space<vmem>> -> memref<128xi32, #tpu.memory_space<vmem>>
    %dma_start3A_479 = arith.constant 0 : i32
    %dma_start3A_480 = tpu.memref_slice %arg4[%dma_start3A_479] : memref<1000010xf32, #tpu.memory_space<hbm>> -> memref<1000010xf32, #tpu.memory_space<hbm>>
    tpu.enqueue_indirect_dma source(%dma_start3A_480 : memref<1000010xf32, #tpu.memory_space<hbm>>) target(%dma_start3A_475 : memref<128xf32, #tpu.memory_space<vmem>>) offsets(%dma_start3A_478 : memref<128xi32, #tpu.memory_space<vmem>>) semaphore(%arg16 : memref<!tpu.dma_semaphore, #tpu.memory_space<semaphore_mem>>)
    %dma_start3A_481 = arith.constant 58 : i32
    %dma_start3A_482 = arith.constant 7424 : i32
    %dma_start3A_483 = tpu.memref_slice %arg10[%dma_start3A_482] : memref<10240xf32, #tpu.memory_space<vmem>> -> memref<128xf32, #tpu.memory_space<vmem>>
    %dma_start3A_484 = arith.constant 0 : i32
    %dma_start3A_485 = tpu.memref_slice %arg8[%dma_start3A_481, %dma_start3A_484] : memref<80x128xi32, #tpu.memory_space<vmem>> -> memref<1x128xi32, #tpu.memory_space<vmem>>
    %dma_start3A_486 = tpu.memref_squeeze %dma_start3A_485 : memref<1x128xi32, #tpu.memory_space<vmem>> -> memref<128xi32, #tpu.memory_space<vmem>>
    %dma_start3A_487 = arith.constant 0 : i32
    %dma_start3A_488 = tpu.memref_slice %arg4[%dma_start3A_487] : memref<1000010xf32, #tpu.memory_space<hbm>> -> memref<1000010xf32, #tpu.memory_space<hbm>>
    tpu.enqueue_indirect_dma source(%dma_start3A_488 : memref<1000010xf32, #tpu.memory_space<hbm>>) target(%dma_start3A_483 : memref<128xf32, #tpu.memory_space<vmem>>) offsets(%dma_start3A_486 : memref<128xi32, #tpu.memory_space<vmem>>) semaphore(%arg16 : memref<!tpu.dma_semaphore, #tpu.memory_space<semaphore_mem>>)
    %dma_start3A_489 = arith.constant 59 : i32
    %dma_start3A_490 = arith.constant 7552 : i32
    %dma_start3A_491 = tpu.memref_slice %arg10[%dma_start3A_490] : memref<10240xf32, #tpu.memory_space<vmem>> -> memref<128xf32, #tpu.memory_space<vmem>>
    %dma_start3A_492 = arith.constant 0 : i32
    %dma_start3A_493 = tpu.memref_slice %arg8[%dma_start3A_489, %dma_start3A_492] : memref<80x128xi32, #tpu.memory_space<vmem>> -> memref<1x128xi32, #tpu.memory_space<vmem>>
    %dma_start3A_494 = tpu.memref_squeeze %dma_start3A_493 : memref<1x128xi32, #tpu.memory_space<vmem>> -> memref<128xi32, #tpu.memory_space<vmem>>
    %dma_start3A_495 = arith.constant 0 : i32
    %dma_start3A_496 = tpu.memref_slice %arg4[%dma_start3A_495] : memref<1000010xf32, #tpu.memory_space<hbm>> -> memref<1000010xf32, #tpu.memory_space<hbm>>
    tpu.enqueue_indirect_dma source(%dma_start3A_496 : memref<1000010xf32, #tpu.memory_space<hbm>>) target(%dma_start3A_491 : memref<128xf32, #tpu.memory_space<vmem>>) offsets(%dma_start3A_494 : memref<128xi32, #tpu.memory_space<vmem>>) semaphore(%arg16 : memref<!tpu.dma_semaphore, #tpu.memory_space<semaphore_mem>>)
    %dma_start3A_497 = arith.constant 60 : i32
    %dma_start3A_498 = arith.constant 7680 : i32
    %dma_start3A_499 = tpu.memref_slice %arg10[%dma_start3A_498] : memref<10240xf32, #tpu.memory_space<vmem>> -> memref<128xf32, #tpu.memory_space<vmem>>
    %dma_start3A_500 = arith.constant 0 : i32
    %dma_start3A_501 = tpu.memref_slice %arg8[%dma_start3A_497, %dma_start3A_500] : memref<80x128xi32, #tpu.memory_space<vmem>> -> memref<1x128xi32, #tpu.memory_space<vmem>>
    %dma_start3A_502 = tpu.memref_squeeze %dma_start3A_501 : memref<1x128xi32, #tpu.memory_space<vmem>> -> memref<128xi32, #tpu.memory_space<vmem>>
    %dma_start3A_503 = arith.constant 0 : i32
    %dma_start3A_504 = tpu.memref_slice %arg4[%dma_start3A_503] : memref<1000010xf32, #tpu.memory_space<hbm>> -> memref<1000010xf32, #tpu.memory_space<hbm>>
    tpu.enqueue_indirect_dma source(%dma_start3A_504 : memref<1000010xf32, #tpu.memory_space<hbm>>) target(%dma_start3A_499 : memref<128xf32, #tpu.memory_space<vmem>>) offsets(%dma_start3A_502 : memref<128xi32, #tpu.memory_space<vmem>>) semaphore(%arg16 : memref<!tpu.dma_semaphore, #tpu.memory_space<semaphore_mem>>)
    %dma_start3A_505 = arith.constant 61 : i32
    %dma_start3A_506 = arith.constant 7808 : i32
    %dma_start3A_507 = tpu.memref_slice %arg10[%dma_start3A_506] : memref<10240xf32, #tpu.memory_space<vmem>> -> memref<128xf32, #tpu.memory_space<vmem>>
    %dma_start3A_508 = arith.constant 0 : i32
    %dma_start3A_509 = tpu.memref_slice %arg8[%dma_start3A_505, %dma_start3A_508] : memref<80x128xi32, #tpu.memory_space<vmem>> -> memref<1x128xi32, #tpu.memory_space<vmem>>
    %dma_start3A_510 = tpu.memref_squeeze %dma_start3A_509 : memref<1x128xi32, #tpu.memory_space<vmem>> -> memref<128xi32, #tpu.memory_space<vmem>>
    %dma_start3A_511 = arith.constant 0 : i32
    %dma_start3A_512 = tpu.memref_slice %arg4[%dma_start3A_511] : memref<1000010xf32, #tpu.memory_space<hbm>> -> memref<1000010xf32, #tpu.memory_space<hbm>>
    tpu.enqueue_indirect_dma source(%dma_start3A_512 : memref<1000010xf32, #tpu.memory_space<hbm>>) target(%dma_start3A_507 : memref<128xf32, #tpu.memory_space<vmem>>) offsets(%dma_start3A_510 : memref<128xi32, #tpu.memory_space<vmem>>) semaphore(%arg16 : memref<!tpu.dma_semaphore, #tpu.memory_space<semaphore_mem>>)
    %dma_start3A_513 = arith.constant 62 : i32
    %dma_start3A_514 = arith.constant 7936 : i32
    %dma_start3A_515 = tpu.memref_slice %arg10[%dma_start3A_514] : memref<10240xf32, #tpu.memory_space<vmem>> -> memref<128xf32, #tpu.memory_space<vmem>>
    %dma_start3A_516 = arith.constant 0 : i32
    %dma_start3A_517 = tpu.memref_slice %arg8[%dma_start3A_513, %dma_start3A_516] : memref<80x128xi32, #tpu.memory_space<vmem>> -> memref<1x128xi32, #tpu.memory_space<vmem>>
    %dma_start3A_518 = tpu.memref_squeeze %dma_start3A_517 : memref<1x128xi32, #tpu.memory_space<vmem>> -> memref<128xi32, #tpu.memory_space<vmem>>
    %dma_start3A_519 = arith.constant 0 : i32
    %dma_start3A_520 = tpu.memref_slice %arg4[%dma_start3A_519] : memref<1000010xf32, #tpu.memory_space<hbm>> -> memref<1000010xf32, #tpu.memory_space<hbm>>
    tpu.enqueue_indirect_dma source(%dma_start3A_520 : memref<1000010xf32, #tpu.memory_space<hbm>>) target(%dma_start3A_515 : memref<128xf32, #tpu.memory_space<vmem>>) offsets(%dma_start3A_518 : memref<128xi32, #tpu.memory_space<vmem>>) semaphore(%arg16 : memref<!tpu.dma_semaphore, #tpu.memory_space<semaphore_mem>>)
    %dma_start3A_521 = arith.constant 63 : i32
    %dma_start3A_522 = arith.constant 8064 : i32
    %dma_start3A_523 = tpu.memref_slice %arg10[%dma_start3A_522] : memref<10240xf32, #tpu.memory_space<vmem>> -> memref<128xf32, #tpu.memory_space<vmem>>
    %dma_start3A_524 = arith.constant 0 : i32
    %dma_start3A_525 = tpu.memref_slice %arg8[%dma_start3A_521, %dma_start3A_524] : memref<80x128xi32, #tpu.memory_space<vmem>> -> memref<1x128xi32, #tpu.memory_space<vmem>>
    %dma_start3A_526 = tpu.memref_squeeze %dma_start3A_525 : memref<1x128xi32, #tpu.memory_space<vmem>> -> memref<128xi32, #tpu.memory_space<vmem>>
    %dma_start3A_527 = arith.constant 0 : i32
    %dma_start3A_528 = tpu.memref_slice %arg4[%dma_start3A_527] : memref<1000010xf32, #tpu.memory_space<hbm>> -> memref<1000010xf32, #tpu.memory_space<hbm>>
    tpu.enqueue_indirect_dma source(%dma_start3A_528 : memref<1000010xf32, #tpu.memory_space<hbm>>) target(%dma_start3A_523 : memref<128xf32, #tpu.memory_space<vmem>>) offsets(%dma_start3A_526 : memref<128xi32, #tpu.memory_space<vmem>>) semaphore(%arg16 : memref<!tpu.dma_semaphore, #tpu.memory_space<semaphore_mem>>)
    %dma_start3A_529 = arith.constant 64 : i32
    %dma_start3A_530 = arith.constant 8192 : i32
    %dma_start3A_531 = tpu.memref_slice %arg10[%dma_start3A_530] : memref<10240xf32, #tpu.memory_space<vmem>> -> memref<128xf32, #tpu.memory_space<vmem>>
    %dma_start3A_532 = arith.constant 0 : i32
    %dma_start3A_533 = tpu.memref_slice %arg8[%dma_start3A_529, %dma_start3A_532] : memref<80x128xi32, #tpu.memory_space<vmem>> -> memref<1x128xi32, #tpu.memory_space<vmem>>
    %dma_start3A_534 = tpu.memref_squeeze %dma_start3A_533 : memref<1x128xi32, #tpu.memory_space<vmem>> -> memref<128xi32, #tpu.memory_space<vmem>>
    %dma_start3A_535 = arith.constant 0 : i32
    %dma_start3A_536 = tpu.memref_slice %arg4[%dma_start3A_535] : memref<1000010xf32, #tpu.memory_space<hbm>> -> memref<1000010xf32, #tpu.memory_space<hbm>>
    tpu.enqueue_indirect_dma source(%dma_start3A_536 : memref<1000010xf32, #tpu.memory_space<hbm>>) target(%dma_start3A_531 : memref<128xf32, #tpu.memory_space<vmem>>) offsets(%dma_start3A_534 : memref<128xi32, #tpu.memory_space<vmem>>) semaphore(%arg16 : memref<!tpu.dma_semaphore, #tpu.memory_space<semaphore_mem>>)
    %dma_start3A_537 = arith.constant 65 : i32
    %dma_start3A_538 = arith.constant 8320 : i32
    %dma_start3A_539 = tpu.memref_slice %arg10[%dma_start3A_538] : memref<10240xf32, #tpu.memory_space<vmem>> -> memref<128xf32, #tpu.memory_space<vmem>>
    %dma_start3A_540 = arith.constant 0 : i32
    %dma_start3A_541 = tpu.memref_slice %arg8[%dma_start3A_537, %dma_start3A_540] : memref<80x128xi32, #tpu.memory_space<vmem>> -> memref<1x128xi32, #tpu.memory_space<vmem>>
    %dma_start3A_542 = tpu.memref_squeeze %dma_start3A_541 : memref<1x128xi32, #tpu.memory_space<vmem>> -> memref<128xi32, #tpu.memory_space<vmem>>
    %dma_start3A_543 = arith.constant 0 : i32
    %dma_start3A_544 = tpu.memref_slice %arg4[%dma_start3A_543] : memref<1000010xf32, #tpu.memory_space<hbm>> -> memref<1000010xf32, #tpu.memory_space<hbm>>
    tpu.enqueue_indirect_dma source(%dma_start3A_544 : memref<1000010xf32, #tpu.memory_space<hbm>>) target(%dma_start3A_539 : memref<128xf32, #tpu.memory_space<vmem>>) offsets(%dma_start3A_542 : memref<128xi32, #tpu.memory_space<vmem>>) semaphore(%arg16 : memref<!tpu.dma_semaphore, #tpu.memory_space<semaphore_mem>>)
    %dma_start3A_545 = arith.constant 66 : i32
    %dma_start3A_546 = arith.constant 8448 : i32
    %dma_start3A_547 = tpu.memref_slice %arg10[%dma_start3A_546] : memref<10240xf32, #tpu.memory_space<vmem>> -> memref<128xf32, #tpu.memory_space<vmem>>
    %dma_start3A_548 = arith.constant 0 : i32
    %dma_start3A_549 = tpu.memref_slice %arg8[%dma_start3A_545, %dma_start3A_548] : memref<80x128xi32, #tpu.memory_space<vmem>> -> memref<1x128xi32, #tpu.memory_space<vmem>>
    %dma_start3A_550 = tpu.memref_squeeze %dma_start3A_549 : memref<1x128xi32, #tpu.memory_space<vmem>> -> memref<128xi32, #tpu.memory_space<vmem>>
    %dma_start3A_551 = arith.constant 0 : i32
    %dma_start3A_552 = tpu.memref_slice %arg4[%dma_start3A_551] : memref<1000010xf32, #tpu.memory_space<hbm>> -> memref<1000010xf32, #tpu.memory_space<hbm>>
    tpu.enqueue_indirect_dma source(%dma_start3A_552 : memref<1000010xf32, #tpu.memory_space<hbm>>) target(%dma_start3A_547 : memref<128xf32, #tpu.memory_space<vmem>>) offsets(%dma_start3A_550 : memref<128xi32, #tpu.memory_space<vmem>>) semaphore(%arg16 : memref<!tpu.dma_semaphore, #tpu.memory_space<semaphore_mem>>)
    %dma_start3A_553 = arith.constant 67 : i32
    %dma_start3A_554 = arith.constant 8576 : i32
    %dma_start3A_555 = tpu.memref_slice %arg10[%dma_start3A_554] : memref<10240xf32, #tpu.memory_space<vmem>> -> memref<128xf32, #tpu.memory_space<vmem>>
    %dma_start3A_556 = arith.constant 0 : i32
    %dma_start3A_557 = tpu.memref_slice %arg8[%dma_start3A_553, %dma_start3A_556] : memref<80x128xi32, #tpu.memory_space<vmem>> -> memref<1x128xi32, #tpu.memory_space<vmem>>
    %dma_start3A_558 = tpu.memref_squeeze %dma_start3A_557 : memref<1x128xi32, #tpu.memory_space<vmem>> -> memref<128xi32, #tpu.memory_space<vmem>>
    %dma_start3A_559 = arith.constant 0 : i32
    %dma_start3A_560 = tpu.memref_slice %arg4[%dma_start3A_559] : memref<1000010xf32, #tpu.memory_space<hbm>> -> memref<1000010xf32, #tpu.memory_space<hbm>>
    tpu.enqueue_indirect_dma source(%dma_start3A_560 : memref<1000010xf32, #tpu.memory_space<hbm>>) target(%dma_start3A_555 : memref<128xf32, #tpu.memory_space<vmem>>) offsets(%dma_start3A_558 : memref<128xi32, #tpu.memory_space<vmem>>) semaphore(%arg16 : memref<!tpu.dma_semaphore, #tpu.memory_space<semaphore_mem>>)
    %dma_start3A_561 = arith.constant 68 : i32
    %dma_start3A_562 = arith.constant 8704 : i32
    %dma_start3A_563 = tpu.memref_slice %arg10[%dma_start3A_562] : memref<10240xf32, #tpu.memory_space<vmem>> -> memref<128xf32, #tpu.memory_space<vmem>>
    %dma_start3A_564 = arith.constant 0 : i32
    %dma_start3A_565 = tpu.memref_slice %arg8[%dma_start3A_561, %dma_start3A_564] : memref<80x128xi32, #tpu.memory_space<vmem>> -> memref<1x128xi32, #tpu.memory_space<vmem>>
    %dma_start3A_566 = tpu.memref_squeeze %dma_start3A_565 : memref<1x128xi32, #tpu.memory_space<vmem>> -> memref<128xi32, #tpu.memory_space<vmem>>
    %dma_start3A_567 = arith.constant 0 : i32
    %dma_start3A_568 = tpu.memref_slice %arg4[%dma_start3A_567] : memref<1000010xf32, #tpu.memory_space<hbm>> -> memref<1000010xf32, #tpu.memory_space<hbm>>
    tpu.enqueue_indirect_dma source(%dma_start3A_568 : memref<1000010xf32, #tpu.memory_space<hbm>>) target(%dma_start3A_563 : memref<128xf32, #tpu.memory_space<vmem>>) offsets(%dma_start3A_566 : memref<128xi32, #tpu.memory_space<vmem>>) semaphore(%arg16 : memref<!tpu.dma_semaphore, #tpu.memory_space<semaphore_mem>>)
    %dma_start3A_569 = arith.constant 69 : i32
    %dma_start3A_570 = arith.constant 8832 : i32
    %dma_start3A_571 = tpu.memref_slice %arg10[%dma_start3A_570] : memref<10240xf32, #tpu.memory_space<vmem>> -> memref<128xf32, #tpu.memory_space<vmem>>
    %dma_start3A_572 = arith.constant 0 : i32
    %dma_start3A_573 = tpu.memref_slice %arg8[%dma_start3A_569, %dma_start3A_572] : memref<80x128xi32, #tpu.memory_space<vmem>> -> memref<1x128xi32, #tpu.memory_space<vmem>>
    %dma_start3A_574 = tpu.memref_squeeze %dma_start3A_573 : memref<1x128xi32, #tpu.memory_space<vmem>> -> memref<128xi32, #tpu.memory_space<vmem>>
    %dma_start3A_575 = arith.constant 0 : i32
    %dma_start3A_576 = tpu.memref_slice %arg4[%dma_start3A_575] : memref<1000010xf32, #tpu.memory_space<hbm>> -> memref<1000010xf32, #tpu.memory_space<hbm>>
    tpu.enqueue_indirect_dma source(%dma_start3A_576 : memref<1000010xf32, #tpu.memory_space<hbm>>) target(%dma_start3A_571 : memref<128xf32, #tpu.memory_space<vmem>>) offsets(%dma_start3A_574 : memref<128xi32, #tpu.memory_space<vmem>>) semaphore(%arg16 : memref<!tpu.dma_semaphore, #tpu.memory_space<semaphore_mem>>)
    %dma_start3A_577 = arith.constant 70 : i32
    %dma_start3A_578 = arith.constant 8960 : i32
    %dma_start3A_579 = tpu.memref_slice %arg10[%dma_start3A_578] : memref<10240xf32, #tpu.memory_space<vmem>> -> memref<128xf32, #tpu.memory_space<vmem>>
    %dma_start3A_580 = arith.constant 0 : i32
    %dma_start3A_581 = tpu.memref_slice %arg8[%dma_start3A_577, %dma_start3A_580] : memref<80x128xi32, #tpu.memory_space<vmem>> -> memref<1x128xi32, #tpu.memory_space<vmem>>
    %dma_start3A_582 = tpu.memref_squeeze %dma_start3A_581 : memref<1x128xi32, #tpu.memory_space<vmem>> -> memref<128xi32, #tpu.memory_space<vmem>>
    %dma_start3A_583 = arith.constant 0 : i32
    %dma_start3A_584 = tpu.memref_slice %arg4[%dma_start3A_583] : memref<1000010xf32, #tpu.memory_space<hbm>> -> memref<1000010xf32, #tpu.memory_space<hbm>>
    tpu.enqueue_indirect_dma source(%dma_start3A_584 : memref<1000010xf32, #tpu.memory_space<hbm>>) target(%dma_start3A_579 : memref<128xf32, #tpu.memory_space<vmem>>) offsets(%dma_start3A_582 : memref<128xi32, #tpu.memory_space<vmem>>) semaphore(%arg16 : memref<!tpu.dma_semaphore, #tpu.memory_space<semaphore_mem>>)
    %dma_start3A_585 = arith.constant 71 : i32
    %dma_start3A_586 = arith.constant 9088 : i32
    %dma_start3A_587 = tpu.memref_slice %arg10[%dma_start3A_586] : memref<10240xf32, #tpu.memory_space<vmem>> -> memref<128xf32, #tpu.memory_space<vmem>>
    %dma_start3A_588 = arith.constant 0 : i32
    %dma_start3A_589 = tpu.memref_slice %arg8[%dma_start3A_585, %dma_start3A_588] : memref<80x128xi32, #tpu.memory_space<vmem>> -> memref<1x128xi32, #tpu.memory_space<vmem>>
    %dma_start3A_590 = tpu.memref_squeeze %dma_start3A_589 : memref<1x128xi32, #tpu.memory_space<vmem>> -> memref<128xi32, #tpu.memory_space<vmem>>
    %dma_start3A_591 = arith.constant 0 : i32
    %dma_start3A_592 = tpu.memref_slice %arg4[%dma_start3A_591] : memref<1000010xf32, #tpu.memory_space<hbm>> -> memref<1000010xf32, #tpu.memory_space<hbm>>
    tpu.enqueue_indirect_dma source(%dma_start3A_592 : memref<1000010xf32, #tpu.memory_space<hbm>>) target(%dma_start3A_587 : memref<128xf32, #tpu.memory_space<vmem>>) offsets(%dma_start3A_590 : memref<128xi32, #tpu.memory_space<vmem>>) semaphore(%arg16 : memref<!tpu.dma_semaphore, #tpu.memory_space<semaphore_mem>>)
    %dma_start3A_593 = arith.constant 72 : i32
    %dma_start3A_594 = arith.constant 9216 : i32
    %dma_start3A_595 = tpu.memref_slice %arg10[%dma_start3A_594] : memref<10240xf32, #tpu.memory_space<vmem>> -> memref<128xf32, #tpu.memory_space<vmem>>
    %dma_start3A_596 = arith.constant 0 : i32
    %dma_start3A_597 = tpu.memref_slice %arg8[%dma_start3A_593, %dma_start3A_596] : memref<80x128xi32, #tpu.memory_space<vmem>> -> memref<1x128xi32, #tpu.memory_space<vmem>>
    %dma_start3A_598 = tpu.memref_squeeze %dma_start3A_597 : memref<1x128xi32, #tpu.memory_space<vmem>> -> memref<128xi32, #tpu.memory_space<vmem>>
    %dma_start3A_599 = arith.constant 0 : i32
    %dma_start3A_600 = tpu.memref_slice %arg4[%dma_start3A_599] : memref<1000010xf32, #tpu.memory_space<hbm>> -> memref<1000010xf32, #tpu.memory_space<hbm>>
    tpu.enqueue_indirect_dma source(%dma_start3A_600 : memref<1000010xf32, #tpu.memory_space<hbm>>) target(%dma_start3A_595 : memref<128xf32, #tpu.memory_space<vmem>>) offsets(%dma_start3A_598 : memref<128xi32, #tpu.memory_space<vmem>>) semaphore(%arg16 : memref<!tpu.dma_semaphore, #tpu.memory_space<semaphore_mem>>)
    %dma_start3A_601 = arith.constant 73 : i32
    %dma_start3A_602 = arith.constant 9344 : i32
    %dma_start3A_603 = tpu.memref_slice %arg10[%dma_start3A_602] : memref<10240xf32, #tpu.memory_space<vmem>> -> memref<128xf32, #tpu.memory_space<vmem>>
    %dma_start3A_604 = arith.constant 0 : i32
    %dma_start3A_605 = tpu.memref_slice %arg8[%dma_start3A_601, %dma_start3A_604] : memref<80x128xi32, #tpu.memory_space<vmem>> -> memref<1x128xi32, #tpu.memory_space<vmem>>
    %dma_start3A_606 = tpu.memref_squeeze %dma_start3A_605 : memref<1x128xi32, #tpu.memory_space<vmem>> -> memref<128xi32, #tpu.memory_space<vmem>>
    %dma_start3A_607 = arith.constant 0 : i32
    %dma_start3A_608 = tpu.memref_slice %arg4[%dma_start3A_607] : memref<1000010xf32, #tpu.memory_space<hbm>> -> memref<1000010xf32, #tpu.memory_space<hbm>>
    tpu.enqueue_indirect_dma source(%dma_start3A_608 : memref<1000010xf32, #tpu.memory_space<hbm>>) target(%dma_start3A_603 : memref<128xf32, #tpu.memory_space<vmem>>) offsets(%dma_start3A_606 : memref<128xi32, #tpu.memory_space<vmem>>) semaphore(%arg16 : memref<!tpu.dma_semaphore, #tpu.memory_space<semaphore_mem>>)
    %dma_start3A_609 = arith.constant 74 : i32
    %dma_start3A_610 = arith.constant 9472 : i32
    %dma_start3A_611 = tpu.memref_slice %arg10[%dma_start3A_610] : memref<10240xf32, #tpu.memory_space<vmem>> -> memref<128xf32, #tpu.memory_space<vmem>>
    %dma_start3A_612 = arith.constant 0 : i32
    %dma_start3A_613 = tpu.memref_slice %arg8[%dma_start3A_609, %dma_start3A_612] : memref<80x128xi32, #tpu.memory_space<vmem>> -> memref<1x128xi32, #tpu.memory_space<vmem>>
    %dma_start3A_614 = tpu.memref_squeeze %dma_start3A_613 : memref<1x128xi32, #tpu.memory_space<vmem>> -> memref<128xi32, #tpu.memory_space<vmem>>
    %dma_start3A_615 = arith.constant 0 : i32
    %dma_start3A_616 = tpu.memref_slice %arg4[%dma_start3A_615] : memref<1000010xf32, #tpu.memory_space<hbm>> -> memref<1000010xf32, #tpu.memory_space<hbm>>
    tpu.enqueue_indirect_dma source(%dma_start3A_616 : memref<1000010xf32, #tpu.memory_space<hbm>>) target(%dma_start3A_611 : memref<128xf32, #tpu.memory_space<vmem>>) offsets(%dma_start3A_614 : memref<128xi32, #tpu.memory_space<vmem>>) semaphore(%arg16 : memref<!tpu.dma_semaphore, #tpu.memory_space<semaphore_mem>>)
    %dma_start3A_617 = arith.constant 75 : i32
    %dma_start3A_618 = arith.constant 9600 : i32
    %dma_start3A_619 = tpu.memref_slice %arg10[%dma_start3A_618] : memref<10240xf32, #tpu.memory_space<vmem>> -> memref<128xf32, #tpu.memory_space<vmem>>
    %dma_start3A_620 = arith.constant 0 : i32
    %dma_start3A_621 = tpu.memref_slice %arg8[%dma_start3A_617, %dma_start3A_620] : memref<80x128xi32, #tpu.memory_space<vmem>> -> memref<1x128xi32, #tpu.memory_space<vmem>>
    %dma_start3A_622 = tpu.memref_squeeze %dma_start3A_621 : memref<1x128xi32, #tpu.memory_space<vmem>> -> memref<128xi32, #tpu.memory_space<vmem>>
    %dma_start3A_623 = arith.constant 0 : i32
    %dma_start3A_624 = tpu.memref_slice %arg4[%dma_start3A_623] : memref<1000010xf32, #tpu.memory_space<hbm>> -> memref<1000010xf32, #tpu.memory_space<hbm>>
    tpu.enqueue_indirect_dma source(%dma_start3A_624 : memref<1000010xf32, #tpu.memory_space<hbm>>) target(%dma_start3A_619 : memref<128xf32, #tpu.memory_space<vmem>>) offsets(%dma_start3A_622 : memref<128xi32, #tpu.memory_space<vmem>>) semaphore(%arg16 : memref<!tpu.dma_semaphore, #tpu.memory_space<semaphore_mem>>)
    %dma_start3A_625 = arith.constant 76 : i32
    %dma_start3A_626 = arith.constant 9728 : i32
    %dma_start3A_627 = tpu.memref_slice %arg10[%dma_start3A_626] : memref<10240xf32, #tpu.memory_space<vmem>> -> memref<128xf32, #tpu.memory_space<vmem>>
    %dma_start3A_628 = arith.constant 0 : i32
    %dma_start3A_629 = tpu.memref_slice %arg8[%dma_start3A_625, %dma_start3A_628] : memref<80x128xi32, #tpu.memory_space<vmem>> -> memref<1x128xi32, #tpu.memory_space<vmem>>
    %dma_start3A_630 = tpu.memref_squeeze %dma_start3A_629 : memref<1x128xi32, #tpu.memory_space<vmem>> -> memref<128xi32, #tpu.memory_space<vmem>>
    %dma_start3A_631 = arith.constant 0 : i32
    %dma_start3A_632 = tpu.memref_slice %arg4[%dma_start3A_631] : memref<1000010xf32, #tpu.memory_space<hbm>> -> memref<1000010xf32, #tpu.memory_space<hbm>>
    tpu.enqueue_indirect_dma source(%dma_start3A_632 : memref<1000010xf32, #tpu.memory_space<hbm>>) target(%dma_start3A_627 : memref<128xf32, #tpu.memory_space<vmem>>) offsets(%dma_start3A_630 : memref<128xi32, #tpu.memory_space<vmem>>) semaphore(%arg16 : memref<!tpu.dma_semaphore, #tpu.memory_space<semaphore_mem>>)
    %dma_start3A_633 = arith.constant 77 : i32
    %dma_start3A_634 = arith.constant 9856 : i32
    %dma_start3A_635 = tpu.memref_slice %arg10[%dma_start3A_634] : memref<10240xf32, #tpu.memory_space<vmem>> -> memref<128xf32, #tpu.memory_space<vmem>>
    %dma_start3A_636 = arith.constant 0 : i32
    %dma_start3A_637 = tpu.memref_slice %arg8[%dma_start3A_633, %dma_start3A_636] : memref<80x128xi32, #tpu.memory_space<vmem>> -> memref<1x128xi32, #tpu.memory_space<vmem>>
    %dma_start3A_638 = tpu.memref_squeeze %dma_start3A_637 : memref<1x128xi32, #tpu.memory_space<vmem>> -> memref<128xi32, #tpu.memory_space<vmem>>
    %dma_start3A_639 = arith.constant 0 : i32
    %dma_start3A_640 = tpu.memref_slice %arg4[%dma_start3A_639] : memref<1000010xf32, #tpu.memory_space<hbm>> -> memref<1000010xf32, #tpu.memory_space<hbm>>
    tpu.enqueue_indirect_dma source(%dma_start3A_640 : memref<1000010xf32, #tpu.memory_space<hbm>>) target(%dma_start3A_635 : memref<128xf32, #tpu.memory_space<vmem>>) offsets(%dma_start3A_638 : memref<128xi32, #tpu.memory_space<vmem>>) semaphore(%arg16 : memref<!tpu.dma_semaphore, #tpu.memory_space<semaphore_mem>>)
    %dma_start3A_641 = arith.constant 78 : i32
    %dma_start3A_642 = arith.constant 9984 : i32
    %dma_start3A_643 = tpu.memref_slice %arg10[%dma_start3A_642] : memref<10240xf32, #tpu.memory_space<vmem>> -> memref<128xf32, #tpu.memory_space<vmem>>
    %dma_start3A_644 = arith.constant 0 : i32
    %dma_start3A_645 = tpu.memref_slice %arg8[%dma_start3A_641, %dma_start3A_644] : memref<80x128xi32, #tpu.memory_space<vmem>> -> memref<1x128xi32, #tpu.memory_space<vmem>>
    %dma_start3A_646 = tpu.memref_squeeze %dma_start3A_645 : memref<1x128xi32, #tpu.memory_space<vmem>> -> memref<128xi32, #tpu.memory_space<vmem>>
    %dma_start3A_647 = arith.constant 0 : i32
    %dma_start3A_648 = tpu.memref_slice %arg4[%dma_start3A_647] : memref<1000010xf32, #tpu.memory_space<hbm>> -> memref<1000010xf32, #tpu.memory_space<hbm>>
    tpu.enqueue_indirect_dma source(%dma_start3A_648 : memref<1000010xf32, #tpu.memory_space<hbm>>) target(%dma_start3A_643 : memref<128xf32, #tpu.memory_space<vmem>>) offsets(%dma_start3A_646 : memref<128xi32, #tpu.memory_space<vmem>>) semaphore(%arg16 : memref<!tpu.dma_semaphore, #tpu.memory_space<semaphore_mem>>)
    %dma_start3A_649 = arith.constant 79 : i32
    %dma_start3A_650 = arith.constant 10112 : i32
    %dma_start3A_651 = tpu.memref_slice %arg10[%dma_start3A_650] : memref<10240xf32, #tpu.memory_space<vmem>> -> memref<128xf32, #tpu.memory_space<vmem>>
    %dma_start3A_652 = arith.constant 0 : i32
    %dma_start3A_653 = tpu.memref_slice %arg8[%dma_start3A_649, %dma_start3A_652] : memref<80x128xi32, #tpu.memory_space<vmem>> -> memref<1x128xi32, #tpu.memory_space<vmem>>
    %dma_start3A_654 = tpu.memref_squeeze %dma_start3A_653 : memref<1x128xi32, #tpu.memory_space<vmem>> -> memref<128xi32, #tpu.memory_space<vmem>>
    %dma_start3A_655 = arith.constant 0 : i32
    %dma_start3A_656 = tpu.memref_slice %arg4[%dma_start3A_655] : memref<1000010xf32, #tpu.memory_space<hbm>> -> memref<1000010xf32, #tpu.memory_space<hbm>>
    tpu.enqueue_indirect_dma source(%dma_start3A_656 : memref<1000010xf32, #tpu.memory_space<hbm>>) target(%dma_start3A_651 : memref<128xf32, #tpu.memory_space<vmem>>) offsets(%dma_start3A_654 : memref<128xi32, #tpu.memory_space<vmem>>) semaphore(%arg16 : memref<!tpu.dma_semaphore, #tpu.memory_space<semaphore_mem>>)
    %dma_wait3A_657 = arith.constant 0 : i32
    %dma_wait3A_658 = tpu.memref_slice %arg3[%mul3A_5, %dma_wait3A_657] : memref<128x128xi32, #tpu.memory_space<hbm>> -> memref<8x128xi32, #tpu.memory_space<hbm>>
    %dma_wait3A_659 = arith.constant 0 : i32
    %dma_wait3A_660 = tpu.memref_slice %arg3[%mul3A_5, %dma_wait3A_659] : memref<128x128xi32, #tpu.memory_space<hbm>> -> memref<8x128xi32, #tpu.memory_space<hbm>>
    tpu.wait_dma2 semaphore(%arg14 : memref<!tpu.dma_semaphore, #tpu.memory_space<semaphore_mem>>) src(%dma_wait3A_660 : memref<8x128xi32, #tpu.memory_space<hbm>>) dst(%arg9 : memref<8x128xi32, #tpu.memory_space<vmem>>)
    %dma_wait3A_661 = arith.constant 0 : i32
    %dma_wait3A_662 = tpu.memref_slice %arg12[%mul3A_11, %dma_wait3A_661] : memref<240x16xf32, #tpu.memory_space<vmem_shared>> -> memref<15x16xf32, #tpu.memory_space<vmem_shared>>
    tpu.wait_dma2 semaphore(%arg15 : memref<!tpu.dma_semaphore, #tpu.memory_space<semaphore_mem>>) src(%arg5 : memref<15x16xf32, #tpu.memory_space<hbm>>) dst(%dma_wait3A_662 : memref<15x16xf32, #tpu.memory_space<vmem_shared>>)
    %dma_start3A_663 = arith.constant 0 : i32
    %dma_start3A_664 = arith.constant 0 : i32
    %dma_start3A_665 = arith.constant 0 : i32
    %dma_start3A_666 = tpu.memref_slice %arg11[%dma_start3A_664, %dma_start3A_665] : memref<1024x16xf32, #tpu.memory_space<vmem>> -> memref<128x16xf32, #tpu.memory_space<vmem>>
    %dma_start3A_667 = arith.constant 0 : i32
    %dma_start3A_668 = tpu.memref_slice %arg9[%dma_start3A_663, %dma_start3A_667] : memref<8x128xi32, #tpu.memory_space<vmem>> -> memref<1x128xi32, #tpu.memory_space<vmem>>
    %dma_start3A_669 = tpu.memref_squeeze %dma_start3A_668 : memref<1x128xi32, #tpu.memory_space<vmem>> -> memref<128xi32, #tpu.memory_space<vmem>>
    %dma_start3A_670 = arith.constant 0 : i32
    %dma_start3A_671 = arith.constant 0 : i32
    %dma_start3A_672 = tpu.memref_slice %arg12[%dma_start3A_670, %dma_start3A_671] : memref<240x16xf32, #tpu.memory_space<vmem_shared>> -> memref<240x16xf32, #tpu.memory_space<vmem_shared>>
    tpu.enqueue_indirect_dma source(%dma_start3A_672 : memref<240x16xf32, #tpu.memory_space<vmem_shared>>) target(%dma_start3A_666 : memref<128x16xf32, #tpu.memory_space<vmem>>) offsets(%dma_start3A_669 : memref<128xi32, #tpu.memory_space<vmem>>) semaphore(%arg17 : memref<!tpu.dma_semaphore, #tpu.memory_space<semaphore_mem>>)
    %dma_start3A_673 = arith.constant 1 : i32
    %dma_start3A_674 = arith.constant 128 : i32
    %dma_start3A_675 = arith.constant 0 : i32
    %dma_start3A_676 = tpu.memref_slice %arg11[%dma_start3A_674, %dma_start3A_675] : memref<1024x16xf32, #tpu.memory_space<vmem>> -> memref<128x16xf32, #tpu.memory_space<vmem>>
    %dma_start3A_677 = arith.constant 0 : i32
    %dma_start3A_678 = tpu.memref_slice %arg9[%dma_start3A_673, %dma_start3A_677] : memref<8x128xi32, #tpu.memory_space<vmem>> -> memref<1x128xi32, #tpu.memory_space<vmem>>
    %dma_start3A_679 = tpu.memref_squeeze %dma_start3A_678 : memref<1x128xi32, #tpu.memory_space<vmem>> -> memref<128xi32, #tpu.memory_space<vmem>>
    %dma_start3A_680 = arith.constant 0 : i32
    %dma_start3A_681 = arith.constant 0 : i32
    %dma_start3A_682 = tpu.memref_slice %arg12[%dma_start3A_680, %dma_start3A_681] : memref<240x16xf32, #tpu.memory_space<vmem_shared>> -> memref<240x16xf32, #tpu.memory_space<vmem_shared>>
    tpu.enqueue_indirect_dma source(%dma_start3A_682 : memref<240x16xf32, #tpu.memory_space<vmem_shared>>) target(%dma_start3A_676 : memref<128x16xf32, #tpu.memory_space<vmem>>) offsets(%dma_start3A_679 : memref<128xi32, #tpu.memory_space<vmem>>) semaphore(%arg17 : memref<!tpu.dma_semaphore, #tpu.memory_space<semaphore_mem>>)
    %dma_start3A_683 = arith.constant 2 : i32
    %dma_start3A_684 = arith.constant 256 : i32
    %dma_start3A_685 = arith.constant 0 : i32
    %dma_start3A_686 = tpu.memref_slice %arg11[%dma_start3A_684, %dma_start3A_685] : memref<1024x16xf32, #tpu.memory_space<vmem>> -> memref<128x16xf32, #tpu.memory_space<vmem>>
    %dma_start3A_687 = arith.constant 0 : i32
    %dma_start3A_688 = tpu.memref_slice %arg9[%dma_start3A_683, %dma_start3A_687] : memref<8x128xi32, #tpu.memory_space<vmem>> -> memref<1x128xi32, #tpu.memory_space<vmem>>
    %dma_start3A_689 = tpu.memref_squeeze %dma_start3A_688 : memref<1x128xi32, #tpu.memory_space<vmem>> -> memref<128xi32, #tpu.memory_space<vmem>>
    %dma_start3A_690 = arith.constant 0 : i32
    %dma_start3A_691 = arith.constant 0 : i32
    %dma_start3A_692 = tpu.memref_slice %arg12[%dma_start3A_690, %dma_start3A_691] : memref<240x16xf32, #tpu.memory_space<vmem_shared>> -> memref<240x16xf32, #tpu.memory_space<vmem_shared>>
    tpu.enqueue_indirect_dma source(%dma_start3A_692 : memref<240x16xf32, #tpu.memory_space<vmem_shared>>) target(%dma_start3A_686 : memref<128x16xf32, #tpu.memory_space<vmem>>) offsets(%dma_start3A_689 : memref<128xi32, #tpu.memory_space<vmem>>) semaphore(%arg17 : memref<!tpu.dma_semaphore, #tpu.memory_space<semaphore_mem>>)
    %dma_start3A_693 = arith.constant 3 : i32
    %dma_start3A_694 = arith.constant 384 : i32
    %dma_start3A_695 = arith.constant 0 : i32
    %dma_start3A_696 = tpu.memref_slice %arg11[%dma_start3A_694, %dma_start3A_695] : memref<1024x16xf32, #tpu.memory_space<vmem>> -> memref<128x16xf32, #tpu.memory_space<vmem>>
    %dma_start3A_697 = arith.constant 0 : i32
    %dma_start3A_698 = tpu.memref_slice %arg9[%dma_start3A_693, %dma_start3A_697] : memref<8x128xi32, #tpu.memory_space<vmem>> -> memref<1x128xi32, #tpu.memory_space<vmem>>
    %dma_start3A_699 = tpu.memref_squeeze %dma_start3A_698 : memref<1x128xi32, #tpu.memory_space<vmem>> -> memref<128xi32, #tpu.memory_space<vmem>>
    %dma_start3A_700 = arith.constant 0 : i32
    %dma_start3A_701 = arith.constant 0 : i32
    %dma_start3A_702 = tpu.memref_slice %arg12[%dma_start3A_700, %dma_start3A_701] : memref<240x16xf32, #tpu.memory_space<vmem_shared>> -> memref<240x16xf32, #tpu.memory_space<vmem_shared>>
    tpu.enqueue_indirect_dma source(%dma_start3A_702 : memref<240x16xf32, #tpu.memory_space<vmem_shared>>) target(%dma_start3A_696 : memref<128x16xf32, #tpu.memory_space<vmem>>) offsets(%dma_start3A_699 : memref<128xi32, #tpu.memory_space<vmem>>) semaphore(%arg17 : memref<!tpu.dma_semaphore, #tpu.memory_space<semaphore_mem>>)
    %dma_start3A_703 = arith.constant 4 : i32
    %dma_start3A_704 = arith.constant 512 : i32
    %dma_start3A_705 = arith.constant 0 : i32
    %dma_start3A_706 = tpu.memref_slice %arg11[%dma_start3A_704, %dma_start3A_705] : memref<1024x16xf32, #tpu.memory_space<vmem>> -> memref<128x16xf32, #tpu.memory_space<vmem>>
    %dma_start3A_707 = arith.constant 0 : i32
    %dma_start3A_708 = tpu.memref_slice %arg9[%dma_start3A_703, %dma_start3A_707] : memref<8x128xi32, #tpu.memory_space<vmem>> -> memref<1x128xi32, #tpu.memory_space<vmem>>
    %dma_start3A_709 = tpu.memref_squeeze %dma_start3A_708 : memref<1x128xi32, #tpu.memory_space<vmem>> -> memref<128xi32, #tpu.memory_space<vmem>>
    %dma_start3A_710 = arith.constant 0 : i32
    %dma_start3A_711 = arith.constant 0 : i32
    %dma_start3A_712 = tpu.memref_slice %arg12[%dma_start3A_710, %dma_start3A_711] : memref<240x16xf32, #tpu.memory_space<vmem_shared>> -> memref<240x16xf32, #tpu.memory_space<vmem_shared>>
    tpu.enqueue_indirect_dma source(%dma_start3A_712 : memref<240x16xf32, #tpu.memory_space<vmem_shared>>) target(%dma_start3A_706 : memref<128x16xf32, #tpu.memory_space<vmem>>) offsets(%dma_start3A_709 : memref<128xi32, #tpu.memory_space<vmem>>) semaphore(%arg17 : memref<!tpu.dma_semaphore, #tpu.memory_space<semaphore_mem>>)
    %dma_start3A_713 = arith.constant 5 : i32
    %dma_start3A_714 = arith.constant 640 : i32
    %dma_start3A_715 = arith.constant 0 : i32
    %dma_start3A_716 = tpu.memref_slice %arg11[%dma_start3A_714, %dma_start3A_715] : memref<1024x16xf32, #tpu.memory_space<vmem>> -> memref<128x16xf32, #tpu.memory_space<vmem>>
    %dma_start3A_717 = arith.constant 0 : i32
    %dma_start3A_718 = tpu.memref_slice %arg9[%dma_start3A_713, %dma_start3A_717] : memref<8x128xi32, #tpu.memory_space<vmem>> -> memref<1x128xi32, #tpu.memory_space<vmem>>
    %dma_start3A_719 = tpu.memref_squeeze %dma_start3A_718 : memref<1x128xi32, #tpu.memory_space<vmem>> -> memref<128xi32, #tpu.memory_space<vmem>>
    %dma_start3A_720 = arith.constant 0 : i32
    %dma_start3A_721 = arith.constant 0 : i32
    %dma_start3A_722 = tpu.memref_slice %arg12[%dma_start3A_720, %dma_start3A_721] : memref<240x16xf32, #tpu.memory_space<vmem_shared>> -> memref<240x16xf32, #tpu.memory_space<vmem_shared>>
    tpu.enqueue_indirect_dma source(%dma_start3A_722 : memref<240x16xf32, #tpu.memory_space<vmem_shared>>) target(%dma_start3A_716 : memref<128x16xf32, #tpu.memory_space<vmem>>) offsets(%dma_start3A_719 : memref<128xi32, #tpu.memory_space<vmem>>) semaphore(%arg17 : memref<!tpu.dma_semaphore, #tpu.memory_space<semaphore_mem>>)
    %dma_start3A_723 = arith.constant 6 : i32
    %dma_start3A_724 = arith.constant 768 : i32
    %dma_start3A_725 = arith.constant 0 : i32
    %dma_start3A_726 = tpu.memref_slice %arg11[%dma_start3A_724, %dma_start3A_725] : memref<1024x16xf32, #tpu.memory_space<vmem>> -> memref<128x16xf32, #tpu.memory_space<vmem>>
    %dma_start3A_727 = arith.constant 0 : i32
    %dma_start3A_728 = tpu.memref_slice %arg9[%dma_start3A_723, %dma_start3A_727] : memref<8x128xi32, #tpu.memory_space<vmem>> -> memref<1x128xi32, #tpu.memory_space<vmem>>
    %dma_start3A_729 = tpu.memref_squeeze %dma_start3A_728 : memref<1x128xi32, #tpu.memory_space<vmem>> -> memref<128xi32, #tpu.memory_space<vmem>>
    %dma_start3A_730 = arith.constant 0 : i32
    %dma_start3A_731 = arith.constant 0 : i32
    %dma_start3A_732 = tpu.memref_slice %arg12[%dma_start3A_730, %dma_start3A_731] : memref<240x16xf32, #tpu.memory_space<vmem_shared>> -> memref<240x16xf32, #tpu.memory_space<vmem_shared>>
    tpu.enqueue_indirect_dma source(%dma_start3A_732 : memref<240x16xf32, #tpu.memory_space<vmem_shared>>) target(%dma_start3A_726 : memref<128x16xf32, #tpu.memory_space<vmem>>) offsets(%dma_start3A_729 : memref<128xi32, #tpu.memory_space<vmem>>) semaphore(%arg17 : memref<!tpu.dma_semaphore, #tpu.memory_space<semaphore_mem>>)
    %dma_start3A_733 = arith.constant 7 : i32
    %dma_start3A_734 = arith.constant 896 : i32
    %dma_start3A_735 = arith.constant 0 : i32
    %dma_start3A_736 = tpu.memref_slice %arg11[%dma_start3A_734, %dma_start3A_735] : memref<1024x16xf32, #tpu.memory_space<vmem>> -> memref<128x16xf32, #tpu.memory_space<vmem>>
    %dma_start3A_737 = arith.constant 0 : i32
    %dma_start3A_738 = tpu.memref_slice %arg9[%dma_start3A_733, %dma_start3A_737] : memref<8x128xi32, #tpu.memory_space<vmem>> -> memref<1x128xi32, #tpu.memory_space<vmem>>
    %dma_start3A_739 = tpu.memref_squeeze %dma_start3A_738 : memref<1x128xi32, #tpu.memory_space<vmem>> -> memref<128xi32, #tpu.memory_space<vmem>>
    %dma_start3A_740 = arith.constant 0 : i32
    %dma_start3A_741 = arith.constant 0 : i32
    %dma_start3A_742 = tpu.memref_slice %arg12[%dma_start3A_740, %dma_start3A_741] : memref<240x16xf32, #tpu.memory_space<vmem_shared>> -> memref<240x16xf32, #tpu.memory_space<vmem_shared>>
    tpu.enqueue_indirect_dma source(%dma_start3A_742 : memref<240x16xf32, #tpu.memory_space<vmem_shared>>) target(%dma_start3A_736 : memref<128x16xf32, #tpu.memory_space<vmem>>) offsets(%dma_start3A_739 : memref<128xi32, #tpu.memory_space<vmem>>) semaphore(%arg17 : memref<!tpu.dma_semaphore, #tpu.memory_space<semaphore_mem>>)
    %dma_wait3A_743 = arith.constant 0 : i32
    %dma_wait3A_744 = arith.constant 0 : i32
    %dma_wait3A_745 = tpu.memref_slice %arg10[%dma_wait3A_744] : memref<10240xf32, #tpu.memory_space<vmem>> -> memref<128xf32, #tpu.memory_space<vmem>>
    %dma_wait3A_746 = arith.constant 0 : i32
    %dma_wait3A_747 = tpu.memref_slice %arg8[%dma_wait3A_743, %dma_wait3A_746] : memref<80x128xi32, #tpu.memory_space<vmem>> -> memref<1x128xi32, #tpu.memory_space<vmem>>
    %dma_wait3A_748 = tpu.memref_squeeze %dma_wait3A_747 : memref<1x128xi32, #tpu.memory_space<vmem>> -> memref<128xi32, #tpu.memory_space<vmem>>
    %dma_wait3A_749 = arith.constant 0 : i32
    %dma_wait3A_750 = tpu.memref_slice %arg4[%dma_wait3A_749] : memref<1000010xf32, #tpu.memory_space<hbm>> -> memref<1000010xf32, #tpu.memory_space<hbm>>
    tpu.wait_indirect_dma semaphore(%arg16 : memref<!tpu.dma_semaphore, #tpu.memory_space<semaphore_mem>>) src(%dma_wait3A_750 : memref<1000010xf32, #tpu.memory_space<hbm>>) dst(%dma_wait3A_745 : memref<128xf32, #tpu.memory_space<vmem>>)
    %dma_wait3A_751 = arith.constant 1 : i32
    %dma_wait3A_752 = arith.constant 128 : i32
    %dma_wait3A_753 = tpu.memref_slice %arg10[%dma_wait3A_752] : memref<10240xf32, #tpu.memory_space<vmem>> -> memref<128xf32, #tpu.memory_space<vmem>>
    %dma_wait3A_754 = arith.constant 0 : i32
    %dma_wait3A_755 = tpu.memref_slice %arg8[%dma_wait3A_751, %dma_wait3A_754] : memref<80x128xi32, #tpu.memory_space<vmem>> -> memref<1x128xi32, #tpu.memory_space<vmem>>
    %dma_wait3A_756 = tpu.memref_squeeze %dma_wait3A_755 : memref<1x128xi32, #tpu.memory_space<vmem>> -> memref<128xi32, #tpu.memory_space<vmem>>
    %dma_wait3A_757 = arith.constant 0 : i32
    %dma_wait3A_758 = tpu.memref_slice %arg4[%dma_wait3A_757] : memref<1000010xf32, #tpu.memory_space<hbm>> -> memref<1000010xf32, #tpu.memory_space<hbm>>
    tpu.wait_indirect_dma semaphore(%arg16 : memref<!tpu.dma_semaphore, #tpu.memory_space<semaphore_mem>>) src(%dma_wait3A_758 : memref<1000010xf32, #tpu.memory_space<hbm>>) dst(%dma_wait3A_753 : memref<128xf32, #tpu.memory_space<vmem>>)
    %dma_wait3A_759 = arith.constant 2 : i32
    %dma_wait3A_760 = arith.constant 256 : i32
    %dma_wait3A_761 = tpu.memref_slice %arg10[%dma_wait3A_760] : memref<10240xf32, #tpu.memory_space<vmem>> -> memref<128xf32, #tpu.memory_space<vmem>>
    %dma_wait3A_762 = arith.constant 0 : i32
    %dma_wait3A_763 = tpu.memref_slice %arg8[%dma_wait3A_759, %dma_wait3A_762] : memref<80x128xi32, #tpu.memory_space<vmem>> -> memref<1x128xi32, #tpu.memory_space<vmem>>
    %dma_wait3A_764 = tpu.memref_squeeze %dma_wait3A_763 : memref<1x128xi32, #tpu.memory_space<vmem>> -> memref<128xi32, #tpu.memory_space<vmem>>
    %dma_wait3A_765 = arith.constant 0 : i32
    %dma_wait3A_766 = tpu.memref_slice %arg4[%dma_wait3A_765] : memref<1000010xf32, #tpu.memory_space<hbm>> -> memref<1000010xf32, #tpu.memory_space<hbm>>
    tpu.wait_indirect_dma semaphore(%arg16 : memref<!tpu.dma_semaphore, #tpu.memory_space<semaphore_mem>>) src(%dma_wait3A_766 : memref<1000010xf32, #tpu.memory_space<hbm>>) dst(%dma_wait3A_761 : memref<128xf32, #tpu.memory_space<vmem>>)
    %dma_wait3A_767 = arith.constant 3 : i32
    %dma_wait3A_768 = arith.constant 384 : i32
    %dma_wait3A_769 = tpu.memref_slice %arg10[%dma_wait3A_768] : memref<10240xf32, #tpu.memory_space<vmem>> -> memref<128xf32, #tpu.memory_space<vmem>>
    %dma_wait3A_770 = arith.constant 0 : i32
    %dma_wait3A_771 = tpu.memref_slice %arg8[%dma_wait3A_767, %dma_wait3A_770] : memref<80x128xi32, #tpu.memory_space<vmem>> -> memref<1x128xi32, #tpu.memory_space<vmem>>
    %dma_wait3A_772 = tpu.memref_squeeze %dma_wait3A_771 : memref<1x128xi32, #tpu.memory_space<vmem>> -> memref<128xi32, #tpu.memory_space<vmem>>
    %dma_wait3A_773 = arith.constant 0 : i32
    %dma_wait3A_774 = tpu.memref_slice %arg4[%dma_wait3A_773] : memref<1000010xf32, #tpu.memory_space<hbm>> -> memref<1000010xf32, #tpu.memory_space<hbm>>
    tpu.wait_indirect_dma semaphore(%arg16 : memref<!tpu.dma_semaphore, #tpu.memory_space<semaphore_mem>>) src(%dma_wait3A_774 : memref<1000010xf32, #tpu.memory_space<hbm>>) dst(%dma_wait3A_769 : memref<128xf32, #tpu.memory_space<vmem>>)
    %dma_wait3A_775 = arith.constant 4 : i32
    %dma_wait3A_776 = arith.constant 512 : i32
    %dma_wait3A_777 = tpu.memref_slice %arg10[%dma_wait3A_776] : memref<10240xf32, #tpu.memory_space<vmem>> -> memref<128xf32, #tpu.memory_space<vmem>>
    %dma_wait3A_778 = arith.constant 0 : i32
    %dma_wait3A_779 = tpu.memref_slice %arg8[%dma_wait3A_775, %dma_wait3A_778] : memref<80x128xi32, #tpu.memory_space<vmem>> -> memref<1x128xi32, #tpu.memory_space<vmem>>
    %dma_wait3A_780 = tpu.memref_squeeze %dma_wait3A_779 : memref<1x128xi32, #tpu.memory_space<vmem>> -> memref<128xi32, #tpu.memory_space<vmem>>
    %dma_wait3A_781 = arith.constant 0 : i32
    %dma_wait3A_782 = tpu.memref_slice %arg4[%dma_wait3A_781] : memref<1000010xf32, #tpu.memory_space<hbm>> -> memref<1000010xf32, #tpu.memory_space<hbm>>
    tpu.wait_indirect_dma semaphore(%arg16 : memref<!tpu.dma_semaphore, #tpu.memory_space<semaphore_mem>>) src(%dma_wait3A_782 : memref<1000010xf32, #tpu.memory_space<hbm>>) dst(%dma_wait3A_777 : memref<128xf32, #tpu.memory_space<vmem>>)
    %dma_wait3A_783 = arith.constant 5 : i32
    %dma_wait3A_784 = arith.constant 640 : i32
    %dma_wait3A_785 = tpu.memref_slice %arg10[%dma_wait3A_784] : memref<10240xf32, #tpu.memory_space<vmem>> -> memref<128xf32, #tpu.memory_space<vmem>>
    %dma_wait3A_786 = arith.constant 0 : i32
    %dma_wait3A_787 = tpu.memref_slice %arg8[%dma_wait3A_783, %dma_wait3A_786] : memref<80x128xi32, #tpu.memory_space<vmem>> -> memref<1x128xi32, #tpu.memory_space<vmem>>
    %dma_wait3A_788 = tpu.memref_squeeze %dma_wait3A_787 : memref<1x128xi32, #tpu.memory_space<vmem>> -> memref<128xi32, #tpu.memory_space<vmem>>
    %dma_wait3A_789 = arith.constant 0 : i32
    %dma_wait3A_790 = tpu.memref_slice %arg4[%dma_wait3A_789] : memref<1000010xf32, #tpu.memory_space<hbm>> -> memref<1000010xf32, #tpu.memory_space<hbm>>
    tpu.wait_indirect_dma semaphore(%arg16 : memref<!tpu.dma_semaphore, #tpu.memory_space<semaphore_mem>>) src(%dma_wait3A_790 : memref<1000010xf32, #tpu.memory_space<hbm>>) dst(%dma_wait3A_785 : memref<128xf32, #tpu.memory_space<vmem>>)
    %dma_wait3A_791 = arith.constant 6 : i32
    %dma_wait3A_792 = arith.constant 768 : i32
    %dma_wait3A_793 = tpu.memref_slice %arg10[%dma_wait3A_792] : memref<10240xf32, #tpu.memory_space<vmem>> -> memref<128xf32, #tpu.memory_space<vmem>>
    %dma_wait3A_794 = arith.constant 0 : i32
    %dma_wait3A_795 = tpu.memref_slice %arg8[%dma_wait3A_791, %dma_wait3A_794] : memref<80x128xi32, #tpu.memory_space<vmem>> -> memref<1x128xi32, #tpu.memory_space<vmem>>
    %dma_wait3A_796 = tpu.memref_squeeze %dma_wait3A_795 : memref<1x128xi32, #tpu.memory_space<vmem>> -> memref<128xi32, #tpu.memory_space<vmem>>
    %dma_wait3A_797 = arith.constant 0 : i32
    %dma_wait3A_798 = tpu.memref_slice %arg4[%dma_wait3A_797] : memref<1000010xf32, #tpu.memory_space<hbm>> -> memref<1000010xf32, #tpu.memory_space<hbm>>
    tpu.wait_indirect_dma semaphore(%arg16 : memref<!tpu.dma_semaphore, #tpu.memory_space<semaphore_mem>>) src(%dma_wait3A_798 : memref<1000010xf32, #tpu.memory_space<hbm>>) dst(%dma_wait3A_793 : memref<128xf32, #tpu.memory_space<vmem>>)
    %dma_wait3A_799 = arith.constant 7 : i32
    %dma_wait3A_800 = arith.constant 896 : i32
    %dma_wait3A_801 = tpu.memref_slice %arg10[%dma_wait3A_800] : memref<10240xf32, #tpu.memory_space<vmem>> -> memref<128xf32, #tpu.memory_space<vmem>>
    %dma_wait3A_802 = arith.constant 0 : i32
    %dma_wait3A_803 = tpu.memref_slice %arg8[%dma_wait3A_799, %dma_wait3A_802] : memref<80x128xi32, #tpu.memory_space<vmem>> -> memref<1x128xi32, #tpu.memory_space<vmem>>
    %dma_wait3A_804 = tpu.memref_squeeze %dma_wait3A_803 : memref<1x128xi32, #tpu.memory_space<vmem>> -> memref<128xi32, #tpu.memory_space<vmem>>
    %dma_wait3A_805 = arith.constant 0 : i32
    %dma_wait3A_806 = tpu.memref_slice %arg4[%dma_wait3A_805] : memref<1000010xf32, #tpu.memory_space<hbm>> -> memref<1000010xf32, #tpu.memory_space<hbm>>
    tpu.wait_indirect_dma semaphore(%arg16 : memref<!tpu.dma_semaphore, #tpu.memory_space<semaphore_mem>>) src(%dma_wait3A_806 : memref<1000010xf32, #tpu.memory_space<hbm>>) dst(%dma_wait3A_801 : memref<128xf32, #tpu.memory_space<vmem>>)
    %dma_wait3A_807 = arith.constant 8 : i32
    %dma_wait3A_808 = arith.constant 1024 : i32
    %dma_wait3A_809 = tpu.memref_slice %arg10[%dma_wait3A_808] : memref<10240xf32, #tpu.memory_space<vmem>> -> memref<128xf32, #tpu.memory_space<vmem>>
    %dma_wait3A_810 = arith.constant 0 : i32
    %dma_wait3A_811 = tpu.memref_slice %arg8[%dma_wait3A_807, %dma_wait3A_810] : memref<80x128xi32, #tpu.memory_space<vmem>> -> memref<1x128xi32, #tpu.memory_space<vmem>>
    %dma_wait3A_812 = tpu.memref_squeeze %dma_wait3A_811 : memref<1x128xi32, #tpu.memory_space<vmem>> -> memref<128xi32, #tpu.memory_space<vmem>>
    %dma_wait3A_813 = arith.constant 0 : i32
    %dma_wait3A_814 = tpu.memref_slice %arg4[%dma_wait3A_813] : memref<1000010xf32, #tpu.memory_space<hbm>> -> memref<1000010xf32, #tpu.memory_space<hbm>>
    tpu.wait_indirect_dma semaphore(%arg16 : memref<!tpu.dma_semaphore, #tpu.memory_space<semaphore_mem>>) src(%dma_wait3A_814 : memref<1000010xf32, #tpu.memory_space<hbm>>) dst(%dma_wait3A_809 : memref<128xf32, #tpu.memory_space<vmem>>)
    %dma_wait3A_815 = arith.constant 9 : i32
    %dma_wait3A_816 = arith.constant 1152 : i32
    %dma_wait3A_817 = tpu.memref_slice %arg10[%dma_wait3A_816] : memref<10240xf32, #tpu.memory_space<vmem>> -> memref<128xf32, #tpu.memory_space<vmem>>
    %dma_wait3A_818 = arith.constant 0 : i32
    %dma_wait3A_819 = tpu.memref_slice %arg8[%dma_wait3A_815, %dma_wait3A_818] : memref<80x128xi32, #tpu.memory_space<vmem>> -> memref<1x128xi32, #tpu.memory_space<vmem>>
    %dma_wait3A_820 = tpu.memref_squeeze %dma_wait3A_819 : memref<1x128xi32, #tpu.memory_space<vmem>> -> memref<128xi32, #tpu.memory_space<vmem>>
    %dma_wait3A_821 = arith.constant 0 : i32
    %dma_wait3A_822 = tpu.memref_slice %arg4[%dma_wait3A_821] : memref<1000010xf32, #tpu.memory_space<hbm>> -> memref<1000010xf32, #tpu.memory_space<hbm>>
    tpu.wait_indirect_dma semaphore(%arg16 : memref<!tpu.dma_semaphore, #tpu.memory_space<semaphore_mem>>) src(%dma_wait3A_822 : memref<1000010xf32, #tpu.memory_space<hbm>>) dst(%dma_wait3A_817 : memref<128xf32, #tpu.memory_space<vmem>>)
    %dma_wait3A_823 = arith.constant 10 : i32
    %dma_wait3A_824 = arith.constant 1280 : i32
    %dma_wait3A_825 = tpu.memref_slice %arg10[%dma_wait3A_824] : memref<10240xf32, #tpu.memory_space<vmem>> -> memref<128xf32, #tpu.memory_space<vmem>>
    %dma_wait3A_826 = arith.constant 0 : i32
    %dma_wait3A_827 = tpu.memref_slice %arg8[%dma_wait3A_823, %dma_wait3A_826] : memref<80x128xi32, #tpu.memory_space<vmem>> -> memref<1x128xi32, #tpu.memory_space<vmem>>
    %dma_wait3A_828 = tpu.memref_squeeze %dma_wait3A_827 : memref<1x128xi32, #tpu.memory_space<vmem>> -> memref<128xi32, #tpu.memory_space<vmem>>
    %dma_wait3A_829 = arith.constant 0 : i32
    %dma_wait3A_830 = tpu.memref_slice %arg4[%dma_wait3A_829] : memref<1000010xf32, #tpu.memory_space<hbm>> -> memref<1000010xf32, #tpu.memory_space<hbm>>
    tpu.wait_indirect_dma semaphore(%arg16 : memref<!tpu.dma_semaphore, #tpu.memory_space<semaphore_mem>>) src(%dma_wait3A_830 : memref<1000010xf32, #tpu.memory_space<hbm>>) dst(%dma_wait3A_825 : memref<128xf32, #tpu.memory_space<vmem>>)
    %dma_wait3A_831 = arith.constant 11 : i32
    %dma_wait3A_832 = arith.constant 1408 : i32
    %dma_wait3A_833 = tpu.memref_slice %arg10[%dma_wait3A_832] : memref<10240xf32, #tpu.memory_space<vmem>> -> memref<128xf32, #tpu.memory_space<vmem>>
    %dma_wait3A_834 = arith.constant 0 : i32
    %dma_wait3A_835 = tpu.memref_slice %arg8[%dma_wait3A_831, %dma_wait3A_834] : memref<80x128xi32, #tpu.memory_space<vmem>> -> memref<1x128xi32, #tpu.memory_space<vmem>>
    %dma_wait3A_836 = tpu.memref_squeeze %dma_wait3A_835 : memref<1x128xi32, #tpu.memory_space<vmem>> -> memref<128xi32, #tpu.memory_space<vmem>>
    %dma_wait3A_837 = arith.constant 0 : i32
    %dma_wait3A_838 = tpu.memref_slice %arg4[%dma_wait3A_837] : memref<1000010xf32, #tpu.memory_space<hbm>> -> memref<1000010xf32, #tpu.memory_space<hbm>>
    tpu.wait_indirect_dma semaphore(%arg16 : memref<!tpu.dma_semaphore, #tpu.memory_space<semaphore_mem>>) src(%dma_wait3A_838 : memref<1000010xf32, #tpu.memory_space<hbm>>) dst(%dma_wait3A_833 : memref<128xf32, #tpu.memory_space<vmem>>)
    %dma_wait3A_839 = arith.constant 12 : i32
    %dma_wait3A_840 = arith.constant 1536 : i32
    %dma_wait3A_841 = tpu.memref_slice %arg10[%dma_wait3A_840] : memref<10240xf32, #tpu.memory_space<vmem>> -> memref<128xf32, #tpu.memory_space<vmem>>
    %dma_wait3A_842 = arith.constant 0 : i32
    %dma_wait3A_843 = tpu.memref_slice %arg8[%dma_wait3A_839, %dma_wait3A_842] : memref<80x128xi32, #tpu.memory_space<vmem>> -> memref<1x128xi32, #tpu.memory_space<vmem>>
    %dma_wait3A_844 = tpu.memref_squeeze %dma_wait3A_843 : memref<1x128xi32, #tpu.memory_space<vmem>> -> memref<128xi32, #tpu.memory_space<vmem>>
    %dma_wait3A_845 = arith.constant 0 : i32
    %dma_wait3A_846 = tpu.memref_slice %arg4[%dma_wait3A_845] : memref<1000010xf32, #tpu.memory_space<hbm>> -> memref<1000010xf32, #tpu.memory_space<hbm>>
    tpu.wait_indirect_dma semaphore(%arg16 : memref<!tpu.dma_semaphore, #tpu.memory_space<semaphore_mem>>) src(%dma_wait3A_846 : memref<1000010xf32, #tpu.memory_space<hbm>>) dst(%dma_wait3A_841 : memref<128xf32, #tpu.memory_space<vmem>>)
    %dma_wait3A_847 = arith.constant 13 : i32
    %dma_wait3A_848 = arith.constant 1664 : i32
    %dma_wait3A_849 = tpu.memref_slice %arg10[%dma_wait3A_848] : memref<10240xf32, #tpu.memory_space<vmem>> -> memref<128xf32, #tpu.memory_space<vmem>>
    %dma_wait3A_850 = arith.constant 0 : i32
    %dma_wait3A_851 = tpu.memref_slice %arg8[%dma_wait3A_847, %dma_wait3A_850] : memref<80x128xi32, #tpu.memory_space<vmem>> -> memref<1x128xi32, #tpu.memory_space<vmem>>
    %dma_wait3A_852 = tpu.memref_squeeze %dma_wait3A_851 : memref<1x128xi32, #tpu.memory_space<vmem>> -> memref<128xi32, #tpu.memory_space<vmem>>
    %dma_wait3A_853 = arith.constant 0 : i32
    %dma_wait3A_854 = tpu.memref_slice %arg4[%dma_wait3A_853] : memref<1000010xf32, #tpu.memory_space<hbm>> -> memref<1000010xf32, #tpu.memory_space<hbm>>
    tpu.wait_indirect_dma semaphore(%arg16 : memref<!tpu.dma_semaphore, #tpu.memory_space<semaphore_mem>>) src(%dma_wait3A_854 : memref<1000010xf32, #tpu.memory_space<hbm>>) dst(%dma_wait3A_849 : memref<128xf32, #tpu.memory_space<vmem>>)
    %dma_wait3A_855 = arith.constant 14 : i32
    %dma_wait3A_856 = arith.constant 1792 : i32
    %dma_wait3A_857 = tpu.memref_slice %arg10[%dma_wait3A_856] : memref<10240xf32, #tpu.memory_space<vmem>> -> memref<128xf32, #tpu.memory_space<vmem>>
    %dma_wait3A_858 = arith.constant 0 : i32
    %dma_wait3A_859 = tpu.memref_slice %arg8[%dma_wait3A_855, %dma_wait3A_858] : memref<80x128xi32, #tpu.memory_space<vmem>> -> memref<1x128xi32, #tpu.memory_space<vmem>>
    %dma_wait3A_860 = tpu.memref_squeeze %dma_wait3A_859 : memref<1x128xi32, #tpu.memory_space<vmem>> -> memref<128xi32, #tpu.memory_space<vmem>>
    %dma_wait3A_861 = arith.constant 0 : i32
    %dma_wait3A_862 = tpu.memref_slice %arg4[%dma_wait3A_861] : memref<1000010xf32, #tpu.memory_space<hbm>> -> memref<1000010xf32, #tpu.memory_space<hbm>>
    tpu.wait_indirect_dma semaphore(%arg16 : memref<!tpu.dma_semaphore, #tpu.memory_space<semaphore_mem>>) src(%dma_wait3A_862 : memref<1000010xf32, #tpu.memory_space<hbm>>) dst(%dma_wait3A_857 : memref<128xf32, #tpu.memory_space<vmem>>)
    %dma_wait3A_863 = arith.constant 15 : i32
    %dma_wait3A_864 = arith.constant 1920 : i32
    %dma_wait3A_865 = tpu.memref_slice %arg10[%dma_wait3A_864] : memref<10240xf32, #tpu.memory_space<vmem>> -> memref<128xf32, #tpu.memory_space<vmem>>
    %dma_wait3A_866 = arith.constant 0 : i32
    %dma_wait3A_867 = tpu.memref_slice %arg8[%dma_wait3A_863, %dma_wait3A_866] : memref<80x128xi32, #tpu.memory_space<vmem>> -> memref<1x128xi32, #tpu.memory_space<vmem>>
    %dma_wait3A_868 = tpu.memref_squeeze %dma_wait3A_867 : memref<1x128xi32, #tpu.memory_space<vmem>> -> memref<128xi32, #tpu.memory_space<vmem>>
    %dma_wait3A_869 = arith.constant 0 : i32
    %dma_wait3A_870 = tpu.memref_slice %arg4[%dma_wait3A_869] : memref<1000010xf32, #tpu.memory_space<hbm>> -> memref<1000010xf32, #tpu.memory_space<hbm>>
    tpu.wait_indirect_dma semaphore(%arg16 : memref<!tpu.dma_semaphore, #tpu.memory_space<semaphore_mem>>) src(%dma_wait3A_870 : memref<1000010xf32, #tpu.memory_space<hbm>>) dst(%dma_wait3A_865 : memref<128xf32, #tpu.memory_space<vmem>>)
    %dma_wait3A_871 = arith.constant 16 : i32
    %dma_wait3A_872 = arith.constant 2048 : i32
    %dma_wait3A_873 = tpu.memref_slice %arg10[%dma_wait3A_872] : memref<10240xf32, #tpu.memory_space<vmem>> -> memref<128xf32, #tpu.memory_space<vmem>>
    %dma_wait3A_874 = arith.constant 0 : i32
    %dma_wait3A_875 = tpu.memref_slice %arg8[%dma_wait3A_871, %dma_wait3A_874] : memref<80x128xi32, #tpu.memory_space<vmem>> -> memref<1x128xi32, #tpu.memory_space<vmem>>
    %dma_wait3A_876 = tpu.memref_squeeze %dma_wait3A_875 : memref<1x128xi32, #tpu.memory_space<vmem>> -> memref<128xi32, #tpu.memory_space<vmem>>
    %dma_wait3A_877 = arith.constant 0 : i32
    %dma_wait3A_878 = tpu.memref_slice %arg4[%dma_wait3A_877] : memref<1000010xf32, #tpu.memory_space<hbm>> -> memref<1000010xf32, #tpu.memory_space<hbm>>
    tpu.wait_indirect_dma semaphore(%arg16 : memref<!tpu.dma_semaphore, #tpu.memory_space<semaphore_mem>>) src(%dma_wait3A_878 : memref<1000010xf32, #tpu.memory_space<hbm>>) dst(%dma_wait3A_873 : memref<128xf32, #tpu.memory_space<vmem>>)
    %dma_wait3A_879 = arith.constant 17 : i32
    %dma_wait3A_880 = arith.constant 2176 : i32
    %dma_wait3A_881 = tpu.memref_slice %arg10[%dma_wait3A_880] : memref<10240xf32, #tpu.memory_space<vmem>> -> memref<128xf32, #tpu.memory_space<vmem>>
    %dma_wait3A_882 = arith.constant 0 : i32
    %dma_wait3A_883 = tpu.memref_slice %arg8[%dma_wait3A_879, %dma_wait3A_882] : memref<80x128xi32, #tpu.memory_space<vmem>> -> memref<1x128xi32, #tpu.memory_space<vmem>>
    %dma_wait3A_884 = tpu.memref_squeeze %dma_wait3A_883 : memref<1x128xi32, #tpu.memory_space<vmem>> -> memref<128xi32, #tpu.memory_space<vmem>>
    %dma_wait3A_885 = arith.constant 0 : i32
    %dma_wait3A_886 = tpu.memref_slice %arg4[%dma_wait3A_885] : memref<1000010xf32, #tpu.memory_space<hbm>> -> memref<1000010xf32, #tpu.memory_space<hbm>>
    tpu.wait_indirect_dma semaphore(%arg16 : memref<!tpu.dma_semaphore, #tpu.memory_space<semaphore_mem>>) src(%dma_wait3A_886 : memref<1000010xf32, #tpu.memory_space<hbm>>) dst(%dma_wait3A_881 : memref<128xf32, #tpu.memory_space<vmem>>)
    %dma_wait3A_887 = arith.constant 18 : i32
    %dma_wait3A_888 = arith.constant 2304 : i32
    %dma_wait3A_889 = tpu.memref_slice %arg10[%dma_wait3A_888] : memref<10240xf32, #tpu.memory_space<vmem>> -> memref<128xf32, #tpu.memory_space<vmem>>
    %dma_wait3A_890 = arith.constant 0 : i32
    %dma_wait3A_891 = tpu.memref_slice %arg8[%dma_wait3A_887, %dma_wait3A_890] : memref<80x128xi32, #tpu.memory_space<vmem>> -> memref<1x128xi32, #tpu.memory_space<vmem>>
    %dma_wait3A_892 = tpu.memref_squeeze %dma_wait3A_891 : memref<1x128xi32, #tpu.memory_space<vmem>> -> memref<128xi32, #tpu.memory_space<vmem>>
    %dma_wait3A_893 = arith.constant 0 : i32
    %dma_wait3A_894 = tpu.memref_slice %arg4[%dma_wait3A_893] : memref<1000010xf32, #tpu.memory_space<hbm>> -> memref<1000010xf32, #tpu.memory_space<hbm>>
    tpu.wait_indirect_dma semaphore(%arg16 : memref<!tpu.dma_semaphore, #tpu.memory_space<semaphore_mem>>) src(%dma_wait3A_894 : memref<1000010xf32, #tpu.memory_space<hbm>>) dst(%dma_wait3A_889 : memref<128xf32, #tpu.memory_space<vmem>>)
    %dma_wait3A_895 = arith.constant 19 : i32
    %dma_wait3A_896 = arith.constant 2432 : i32
    %dma_wait3A_897 = tpu.memref_slice %arg10[%dma_wait3A_896] : memref<10240xf32, #tpu.memory_space<vmem>> -> memref<128xf32, #tpu.memory_space<vmem>>
    %dma_wait3A_898 = arith.constant 0 : i32
    %dma_wait3A_899 = tpu.memref_slice %arg8[%dma_wait3A_895, %dma_wait3A_898] : memref<80x128xi32, #tpu.memory_space<vmem>> -> memref<1x128xi32, #tpu.memory_space<vmem>>
    %dma_wait3A_900 = tpu.memref_squeeze %dma_wait3A_899 : memref<1x128xi32, #tpu.memory_space<vmem>> -> memref<128xi32, #tpu.memory_space<vmem>>
    %dma_wait3A_901 = arith.constant 0 : i32
    %dma_wait3A_902 = tpu.memref_slice %arg4[%dma_wait3A_901] : memref<1000010xf32, #tpu.memory_space<hbm>> -> memref<1000010xf32, #tpu.memory_space<hbm>>
    tpu.wait_indirect_dma semaphore(%arg16 : memref<!tpu.dma_semaphore, #tpu.memory_space<semaphore_mem>>) src(%dma_wait3A_902 : memref<1000010xf32, #tpu.memory_space<hbm>>) dst(%dma_wait3A_897 : memref<128xf32, #tpu.memory_space<vmem>>)
    %dma_wait3A_903 = arith.constant 20 : i32
    %dma_wait3A_904 = arith.constant 2560 : i32
    %dma_wait3A_905 = tpu.memref_slice %arg10[%dma_wait3A_904] : memref<10240xf32, #tpu.memory_space<vmem>> -> memref<128xf32, #tpu.memory_space<vmem>>
    %dma_wait3A_906 = arith.constant 0 : i32
    %dma_wait3A_907 = tpu.memref_slice %arg8[%dma_wait3A_903, %dma_wait3A_906] : memref<80x128xi32, #tpu.memory_space<vmem>> -> memref<1x128xi32, #tpu.memory_space<vmem>>
    %dma_wait3A_908 = tpu.memref_squeeze %dma_wait3A_907 : memref<1x128xi32, #tpu.memory_space<vmem>> -> memref<128xi32, #tpu.memory_space<vmem>>
    %dma_wait3A_909 = arith.constant 0 : i32
    %dma_wait3A_910 = tpu.memref_slice %arg4[%dma_wait3A_909] : memref<1000010xf32, #tpu.memory_space<hbm>> -> memref<1000010xf32, #tpu.memory_space<hbm>>
    tpu.wait_indirect_dma semaphore(%arg16 : memref<!tpu.dma_semaphore, #tpu.memory_space<semaphore_mem>>) src(%dma_wait3A_910 : memref<1000010xf32, #tpu.memory_space<hbm>>) dst(%dma_wait3A_905 : memref<128xf32, #tpu.memory_space<vmem>>)
    %dma_wait3A_911 = arith.constant 21 : i32
    %dma_wait3A_912 = arith.constant 2688 : i32
    %dma_wait3A_913 = tpu.memref_slice %arg10[%dma_wait3A_912] : memref<10240xf32, #tpu.memory_space<vmem>> -> memref<128xf32, #tpu.memory_space<vmem>>
    %dma_wait3A_914 = arith.constant 0 : i32
    %dma_wait3A_915 = tpu.memref_slice %arg8[%dma_wait3A_911, %dma_wait3A_914] : memref<80x128xi32, #tpu.memory_space<vmem>> -> memref<1x128xi32, #tpu.memory_space<vmem>>
    %dma_wait3A_916 = tpu.memref_squeeze %dma_wait3A_915 : memref<1x128xi32, #tpu.memory_space<vmem>> -> memref<128xi32, #tpu.memory_space<vmem>>
    %dma_wait3A_917 = arith.constant 0 : i32
    %dma_wait3A_918 = tpu.memref_slice %arg4[%dma_wait3A_917] : memref<1000010xf32, #tpu.memory_space<hbm>> -> memref<1000010xf32, #tpu.memory_space<hbm>>
    tpu.wait_indirect_dma semaphore(%arg16 : memref<!tpu.dma_semaphore, #tpu.memory_space<semaphore_mem>>) src(%dma_wait3A_918 : memref<1000010xf32, #tpu.memory_space<hbm>>) dst(%dma_wait3A_913 : memref<128xf32, #tpu.memory_space<vmem>>)
    %dma_wait3A_919 = arith.constant 22 : i32
    %dma_wait3A_920 = arith.constant 2816 : i32
    %dma_wait3A_921 = tpu.memref_slice %arg10[%dma_wait3A_920] : memref<10240xf32, #tpu.memory_space<vmem>> -> memref<128xf32, #tpu.memory_space<vmem>>
    %dma_wait3A_922 = arith.constant 0 : i32
    %dma_wait3A_923 = tpu.memref_slice %arg8[%dma_wait3A_919, %dma_wait3A_922] : memref<80x128xi32, #tpu.memory_space<vmem>> -> memref<1x128xi32, #tpu.memory_space<vmem>>
    %dma_wait3A_924 = tpu.memref_squeeze %dma_wait3A_923 : memref<1x128xi32, #tpu.memory_space<vmem>> -> memref<128xi32, #tpu.memory_space<vmem>>
    %dma_wait3A_925 = arith.constant 0 : i32
    %dma_wait3A_926 = tpu.memref_slice %arg4[%dma_wait3A_925] : memref<1000010xf32, #tpu.memory_space<hbm>> -> memref<1000010xf32, #tpu.memory_space<hbm>>
    tpu.wait_indirect_dma semaphore(%arg16 : memref<!tpu.dma_semaphore, #tpu.memory_space<semaphore_mem>>) src(%dma_wait3A_926 : memref<1000010xf32, #tpu.memory_space<hbm>>) dst(%dma_wait3A_921 : memref<128xf32, #tpu.memory_space<vmem>>)
    %dma_wait3A_927 = arith.constant 23 : i32
    %dma_wait3A_928 = arith.constant 2944 : i32
    %dma_wait3A_929 = tpu.memref_slice %arg10[%dma_wait3A_928] : memref<10240xf32, #tpu.memory_space<vmem>> -> memref<128xf32, #tpu.memory_space<vmem>>
    %dma_wait3A_930 = arith.constant 0 : i32
    %dma_wait3A_931 = tpu.memref_slice %arg8[%dma_wait3A_927, %dma_wait3A_930] : memref<80x128xi32, #tpu.memory_space<vmem>> -> memref<1x128xi32, #tpu.memory_space<vmem>>
    %dma_wait3A_932 = tpu.memref_squeeze %dma_wait3A_931 : memref<1x128xi32, #tpu.memory_space<vmem>> -> memref<128xi32, #tpu.memory_space<vmem>>
    %dma_wait3A_933 = arith.constant 0 : i32
    %dma_wait3A_934 = tpu.memref_slice %arg4[%dma_wait3A_933] : memref<1000010xf32, #tpu.memory_space<hbm>> -> memref<1000010xf32, #tpu.memory_space<hbm>>
    tpu.wait_indirect_dma semaphore(%arg16 : memref<!tpu.dma_semaphore, #tpu.memory_space<semaphore_mem>>) src(%dma_wait3A_934 : memref<1000010xf32, #tpu.memory_space<hbm>>) dst(%dma_wait3A_929 : memref<128xf32, #tpu.memory_space<vmem>>)
    %dma_wait3A_935 = arith.constant 24 : i32
    %dma_wait3A_936 = arith.constant 3072 : i32
    %dma_wait3A_937 = tpu.memref_slice %arg10[%dma_wait3A_936] : memref<10240xf32, #tpu.memory_space<vmem>> -> memref<128xf32, #tpu.memory_space<vmem>>
    %dma_wait3A_938 = arith.constant 0 : i32
    %dma_wait3A_939 = tpu.memref_slice %arg8[%dma_wait3A_935, %dma_wait3A_938] : memref<80x128xi32, #tpu.memory_space<vmem>> -> memref<1x128xi32, #tpu.memory_space<vmem>>
    %dma_wait3A_940 = tpu.memref_squeeze %dma_wait3A_939 : memref<1x128xi32, #tpu.memory_space<vmem>> -> memref<128xi32, #tpu.memory_space<vmem>>
    %dma_wait3A_941 = arith.constant 0 : i32
    %dma_wait3A_942 = tpu.memref_slice %arg4[%dma_wait3A_941] : memref<1000010xf32, #tpu.memory_space<hbm>> -> memref<1000010xf32, #tpu.memory_space<hbm>>
    tpu.wait_indirect_dma semaphore(%arg16 : memref<!tpu.dma_semaphore, #tpu.memory_space<semaphore_mem>>) src(%dma_wait3A_942 : memref<1000010xf32, #tpu.memory_space<hbm>>) dst(%dma_wait3A_937 : memref<128xf32, #tpu.memory_space<vmem>>)
    %dma_wait3A_943 = arith.constant 25 : i32
    %dma_wait3A_944 = arith.constant 3200 : i32
    %dma_wait3A_945 = tpu.memref_slice %arg10[%dma_wait3A_944] : memref<10240xf32, #tpu.memory_space<vmem>> -> memref<128xf32, #tpu.memory_space<vmem>>
    %dma_wait3A_946 = arith.constant 0 : i32
    %dma_wait3A_947 = tpu.memref_slice %arg8[%dma_wait3A_943, %dma_wait3A_946] : memref<80x128xi32, #tpu.memory_space<vmem>> -> memref<1x128xi32, #tpu.memory_space<vmem>>
    %dma_wait3A_948 = tpu.memref_squeeze %dma_wait3A_947 : memref<1x128xi32, #tpu.memory_space<vmem>> -> memref<128xi32, #tpu.memory_space<vmem>>
    %dma_wait3A_949 = arith.constant 0 : i32
    %dma_wait3A_950 = tpu.memref_slice %arg4[%dma_wait3A_949] : memref<1000010xf32, #tpu.memory_space<hbm>> -> memref<1000010xf32, #tpu.memory_space<hbm>>
    tpu.wait_indirect_dma semaphore(%arg16 : memref<!tpu.dma_semaphore, #tpu.memory_space<semaphore_mem>>) src(%dma_wait3A_950 : memref<1000010xf32, #tpu.memory_space<hbm>>) dst(%dma_wait3A_945 : memref<128xf32, #tpu.memory_space<vmem>>)
    %dma_wait3A_951 = arith.constant 26 : i32
    %dma_wait3A_952 = arith.constant 3328 : i32
    %dma_wait3A_953 = tpu.memref_slice %arg10[%dma_wait3A_952] : memref<10240xf32, #tpu.memory_space<vmem>> -> memref<128xf32, #tpu.memory_space<vmem>>
    %dma_wait3A_954 = arith.constant 0 : i32
    %dma_wait3A_955 = tpu.memref_slice %arg8[%dma_wait3A_951, %dma_wait3A_954] : memref<80x128xi32, #tpu.memory_space<vmem>> -> memref<1x128xi32, #tpu.memory_space<vmem>>
    %dma_wait3A_956 = tpu.memref_squeeze %dma_wait3A_955 : memref<1x128xi32, #tpu.memory_space<vmem>> -> memref<128xi32, #tpu.memory_space<vmem>>
    %dma_wait3A_957 = arith.constant 0 : i32
    %dma_wait3A_958 = tpu.memref_slice %arg4[%dma_wait3A_957] : memref<1000010xf32, #tpu.memory_space<hbm>> -> memref<1000010xf32, #tpu.memory_space<hbm>>
    tpu.wait_indirect_dma semaphore(%arg16 : memref<!tpu.dma_semaphore, #tpu.memory_space<semaphore_mem>>) src(%dma_wait3A_958 : memref<1000010xf32, #tpu.memory_space<hbm>>) dst(%dma_wait3A_953 : memref<128xf32, #tpu.memory_space<vmem>>)
    %dma_wait3A_959 = arith.constant 27 : i32
    %dma_wait3A_960 = arith.constant 3456 : i32
    %dma_wait3A_961 = tpu.memref_slice %arg10[%dma_wait3A_960] : memref<10240xf32, #tpu.memory_space<vmem>> -> memref<128xf32, #tpu.memory_space<vmem>>
    %dma_wait3A_962 = arith.constant 0 : i32
    %dma_wait3A_963 = tpu.memref_slice %arg8[%dma_wait3A_959, %dma_wait3A_962] : memref<80x128xi32, #tpu.memory_space<vmem>> -> memref<1x128xi32, #tpu.memory_space<vmem>>
    %dma_wait3A_964 = tpu.memref_squeeze %dma_wait3A_963 : memref<1x128xi32, #tpu.memory_space<vmem>> -> memref<128xi32, #tpu.memory_space<vmem>>
    %dma_wait3A_965 = arith.constant 0 : i32
    %dma_wait3A_966 = tpu.memref_slice %arg4[%dma_wait3A_965] : memref<1000010xf32, #tpu.memory_space<hbm>> -> memref<1000010xf32, #tpu.memory_space<hbm>>
    tpu.wait_indirect_dma semaphore(%arg16 : memref<!tpu.dma_semaphore, #tpu.memory_space<semaphore_mem>>) src(%dma_wait3A_966 : memref<1000010xf32, #tpu.memory_space<hbm>>) dst(%dma_wait3A_961 : memref<128xf32, #tpu.memory_space<vmem>>)
    %dma_wait3A_967 = arith.constant 28 : i32
    %dma_wait3A_968 = arith.constant 3584 : i32
    %dma_wait3A_969 = tpu.memref_slice %arg10[%dma_wait3A_968] : memref<10240xf32, #tpu.memory_space<vmem>> -> memref<128xf32, #tpu.memory_space<vmem>>
    %dma_wait3A_970 = arith.constant 0 : i32
    %dma_wait3A_971 = tpu.memref_slice %arg8[%dma_wait3A_967, %dma_wait3A_970] : memref<80x128xi32, #tpu.memory_space<vmem>> -> memref<1x128xi32, #tpu.memory_space<vmem>>
    %dma_wait3A_972 = tpu.memref_squeeze %dma_wait3A_971 : memref<1x128xi32, #tpu.memory_space<vmem>> -> memref<128xi32, #tpu.memory_space<vmem>>
    %dma_wait3A_973 = arith.constant 0 : i32
    %dma_wait3A_974 = tpu.memref_slice %arg4[%dma_wait3A_973] : memref<1000010xf32, #tpu.memory_space<hbm>> -> memref<1000010xf32, #tpu.memory_space<hbm>>
    tpu.wait_indirect_dma semaphore(%arg16 : memref<!tpu.dma_semaphore, #tpu.memory_space<semaphore_mem>>) src(%dma_wait3A_974 : memref<1000010xf32, #tpu.memory_space<hbm>>) dst(%dma_wait3A_969 : memref<128xf32, #tpu.memory_space<vmem>>)
    %dma_wait3A_975 = arith.constant 29 : i32
    %dma_wait3A_976 = arith.constant 3712 : i32
    %dma_wait3A_977 = tpu.memref_slice %arg10[%dma_wait3A_976] : memref<10240xf32, #tpu.memory_space<vmem>> -> memref<128xf32, #tpu.memory_space<vmem>>
    %dma_wait3A_978 = arith.constant 0 : i32
    %dma_wait3A_979 = tpu.memref_slice %arg8[%dma_wait3A_975, %dma_wait3A_978] : memref<80x128xi32, #tpu.memory_space<vmem>> -> memref<1x128xi32, #tpu.memory_space<vmem>>
    %dma_wait3A_980 = tpu.memref_squeeze %dma_wait3A_979 : memref<1x128xi32, #tpu.memory_space<vmem>> -> memref<128xi32, #tpu.memory_space<vmem>>
    %dma_wait3A_981 = arith.constant 0 : i32
    %dma_wait3A_982 = tpu.memref_slice %arg4[%dma_wait3A_981] : memref<1000010xf32, #tpu.memory_space<hbm>> -> memref<1000010xf32, #tpu.memory_space<hbm>>
    tpu.wait_indirect_dma semaphore(%arg16 : memref<!tpu.dma_semaphore, #tpu.memory_space<semaphore_mem>>) src(%dma_wait3A_982 : memref<1000010xf32, #tpu.memory_space<hbm>>) dst(%dma_wait3A_977 : memref<128xf32, #tpu.memory_space<vmem>>)
    %dma_wait3A_983 = arith.constant 30 : i32
    %dma_wait3A_984 = arith.constant 3840 : i32
    %dma_wait3A_985 = tpu.memref_slice %arg10[%dma_wait3A_984] : memref<10240xf32, #tpu.memory_space<vmem>> -> memref<128xf32, #tpu.memory_space<vmem>>
    %dma_wait3A_986 = arith.constant 0 : i32
    %dma_wait3A_987 = tpu.memref_slice %arg8[%dma_wait3A_983, %dma_wait3A_986] : memref<80x128xi32, #tpu.memory_space<vmem>> -> memref<1x128xi32, #tpu.memory_space<vmem>>
    %dma_wait3A_988 = tpu.memref_squeeze %dma_wait3A_987 : memref<1x128xi32, #tpu.memory_space<vmem>> -> memref<128xi32, #tpu.memory_space<vmem>>
    %dma_wait3A_989 = arith.constant 0 : i32
    %dma_wait3A_990 = tpu.memref_slice %arg4[%dma_wait3A_989] : memref<1000010xf32, #tpu.memory_space<hbm>> -> memref<1000010xf32, #tpu.memory_space<hbm>>
    tpu.wait_indirect_dma semaphore(%arg16 : memref<!tpu.dma_semaphore, #tpu.memory_space<semaphore_mem>>) src(%dma_wait3A_990 : memref<1000010xf32, #tpu.memory_space<hbm>>) dst(%dma_wait3A_985 : memref<128xf32, #tpu.memory_space<vmem>>)
    %dma_wait3A_991 = arith.constant 31 : i32
    %dma_wait3A_992 = arith.constant 3968 : i32
    %dma_wait3A_993 = tpu.memref_slice %arg10[%dma_wait3A_992] : memref<10240xf32, #tpu.memory_space<vmem>> -> memref<128xf32, #tpu.memory_space<vmem>>
    %dma_wait3A_994 = arith.constant 0 : i32
    %dma_wait3A_995 = tpu.memref_slice %arg8[%dma_wait3A_991, %dma_wait3A_994] : memref<80x128xi32, #tpu.memory_space<vmem>> -> memref<1x128xi32, #tpu.memory_space<vmem>>
    %dma_wait3A_996 = tpu.memref_squeeze %dma_wait3A_995 : memref<1x128xi32, #tpu.memory_space<vmem>> -> memref<128xi32, #tpu.memory_space<vmem>>
    %dma_wait3A_997 = arith.constant 0 : i32
    %dma_wait3A_998 = tpu.memref_slice %arg4[%dma_wait3A_997] : memref<1000010xf32, #tpu.memory_space<hbm>> -> memref<1000010xf32, #tpu.memory_space<hbm>>
    tpu.wait_indirect_dma semaphore(%arg16 : memref<!tpu.dma_semaphore, #tpu.memory_space<semaphore_mem>>) src(%dma_wait3A_998 : memref<1000010xf32, #tpu.memory_space<hbm>>) dst(%dma_wait3A_993 : memref<128xf32, #tpu.memory_space<vmem>>)
    %dma_wait3A_999 = arith.constant 32 : i32
    %dma_wait3A_1000 = arith.constant 4096 : i32
    %dma_wait3A_1001 = tpu.memref_slice %arg10[%dma_wait3A_1000] : memref<10240xf32, #tpu.memory_space<vmem>> -> memref<128xf32, #tpu.memory_space<vmem>>
    %dma_wait3A_1002 = arith.constant 0 : i32
    %dma_wait3A_1003 = tpu.memref_slice %arg8[%dma_wait3A_999, %dma_wait3A_1002] : memref<80x128xi32, #tpu.memory_space<vmem>> -> memref<1x128xi32, #tpu.memory_space<vmem>>
    %dma_wait3A_1004 = tpu.memref_squeeze %dma_wait3A_1003 : memref<1x128xi32, #tpu.memory_space<vmem>> -> memref<128xi32, #tpu.memory_space<vmem>>
    %dma_wait3A_1005 = arith.constant 0 : i32
    %dma_wait3A_1006 = tpu.memref_slice %arg4[%dma_wait3A_1005] : memref<1000010xf32, #tpu.memory_space<hbm>> -> memref<1000010xf32, #tpu.memory_space<hbm>>
    tpu.wait_indirect_dma semaphore(%arg16 : memref<!tpu.dma_semaphore, #tpu.memory_space<semaphore_mem>>) src(%dma_wait3A_1006 : memref<1000010xf32, #tpu.memory_space<hbm>>) dst(%dma_wait3A_1001 : memref<128xf32, #tpu.memory_space<vmem>>)
    %dma_wait3A_1007 = arith.constant 33 : i32
    %dma_wait3A_1008 = arith.constant 4224 : i32
    %dma_wait3A_1009 = tpu.memref_slice %arg10[%dma_wait3A_1008] : memref<10240xf32, #tpu.memory_space<vmem>> -> memref<128xf32, #tpu.memory_space<vmem>>
    %dma_wait3A_1010 = arith.constant 0 : i32
    %dma_wait3A_1011 = tpu.memref_slice %arg8[%dma_wait3A_1007, %dma_wait3A_1010] : memref<80x128xi32, #tpu.memory_space<vmem>> -> memref<1x128xi32, #tpu.memory_space<vmem>>
    %dma_wait3A_1012 = tpu.memref_squeeze %dma_wait3A_1011 : memref<1x128xi32, #tpu.memory_space<vmem>> -> memref<128xi32, #tpu.memory_space<vmem>>
    %dma_wait3A_1013 = arith.constant 0 : i32
    %dma_wait3A_1014 = tpu.memref_slice %arg4[%dma_wait3A_1013] : memref<1000010xf32, #tpu.memory_space<hbm>> -> memref<1000010xf32, #tpu.memory_space<hbm>>
    tpu.wait_indirect_dma semaphore(%arg16 : memref<!tpu.dma_semaphore, #tpu.memory_space<semaphore_mem>>) src(%dma_wait3A_1014 : memref<1000010xf32, #tpu.memory_space<hbm>>) dst(%dma_wait3A_1009 : memref<128xf32, #tpu.memory_space<vmem>>)
    %dma_wait3A_1015 = arith.constant 34 : i32
    %dma_wait3A_1016 = arith.constant 4352 : i32
    %dma_wait3A_1017 = tpu.memref_slice %arg10[%dma_wait3A_1016] : memref<10240xf32, #tpu.memory_space<vmem>> -> memref<128xf32, #tpu.memory_space<vmem>>
    %dma_wait3A_1018 = arith.constant 0 : i32
    %dma_wait3A_1019 = tpu.memref_slice %arg8[%dma_wait3A_1015, %dma_wait3A_1018] : memref<80x128xi32, #tpu.memory_space<vmem>> -> memref<1x128xi32, #tpu.memory_space<vmem>>
    %dma_wait3A_1020 = tpu.memref_squeeze %dma_wait3A_1019 : memref<1x128xi32, #tpu.memory_space<vmem>> -> memref<128xi32, #tpu.memory_space<vmem>>
    %dma_wait3A_1021 = arith.constant 0 : i32
    %dma_wait3A_1022 = tpu.memref_slice %arg4[%dma_wait3A_1021] : memref<1000010xf32, #tpu.memory_space<hbm>> -> memref<1000010xf32, #tpu.memory_space<hbm>>
    tpu.wait_indirect_dma semaphore(%arg16 : memref<!tpu.dma_semaphore, #tpu.memory_space<semaphore_mem>>) src(%dma_wait3A_1022 : memref<1000010xf32, #tpu.memory_space<hbm>>) dst(%dma_wait3A_1017 : memref<128xf32, #tpu.memory_space<vmem>>)
    %dma_wait3A_1023 = arith.constant 35 : i32
    %dma_wait3A_1024 = arith.constant 4480 : i32
    %dma_wait3A_1025 = tpu.memref_slice %arg10[%dma_wait3A_1024] : memref<10240xf32, #tpu.memory_space<vmem>> -> memref<128xf32, #tpu.memory_space<vmem>>
    %dma_wait3A_1026 = arith.constant 0 : i32
    %dma_wait3A_1027 = tpu.memref_slice %arg8[%dma_wait3A_1023, %dma_wait3A_1026] : memref<80x128xi32, #tpu.memory_space<vmem>> -> memref<1x128xi32, #tpu.memory_space<vmem>>
    %dma_wait3A_1028 = tpu.memref_squeeze %dma_wait3A_1027 : memref<1x128xi32, #tpu.memory_space<vmem>> -> memref<128xi32, #tpu.memory_space<vmem>>
    %dma_wait3A_1029 = arith.constant 0 : i32
    %dma_wait3A_1030 = tpu.memref_slice %arg4[%dma_wait3A_1029] : memref<1000010xf32, #tpu.memory_space<hbm>> -> memref<1000010xf32, #tpu.memory_space<hbm>>
    tpu.wait_indirect_dma semaphore(%arg16 : memref<!tpu.dma_semaphore, #tpu.memory_space<semaphore_mem>>) src(%dma_wait3A_1030 : memref<1000010xf32, #tpu.memory_space<hbm>>) dst(%dma_wait3A_1025 : memref<128xf32, #tpu.memory_space<vmem>>)
    %dma_wait3A_1031 = arith.constant 36 : i32
    %dma_wait3A_1032 = arith.constant 4608 : i32
    %dma_wait3A_1033 = tpu.memref_slice %arg10[%dma_wait3A_1032] : memref<10240xf32, #tpu.memory_space<vmem>> -> memref<128xf32, #tpu.memory_space<vmem>>
    %dma_wait3A_1034 = arith.constant 0 : i32
    %dma_wait3A_1035 = tpu.memref_slice %arg8[%dma_wait3A_1031, %dma_wait3A_1034] : memref<80x128xi32, #tpu.memory_space<vmem>> -> memref<1x128xi32, #tpu.memory_space<vmem>>
    %dma_wait3A_1036 = tpu.memref_squeeze %dma_wait3A_1035 : memref<1x128xi32, #tpu.memory_space<vmem>> -> memref<128xi32, #tpu.memory_space<vmem>>
    %dma_wait3A_1037 = arith.constant 0 : i32
    %dma_wait3A_1038 = tpu.memref_slice %arg4[%dma_wait3A_1037] : memref<1000010xf32, #tpu.memory_space<hbm>> -> memref<1000010xf32, #tpu.memory_space<hbm>>
    tpu.wait_indirect_dma semaphore(%arg16 : memref<!tpu.dma_semaphore, #tpu.memory_space<semaphore_mem>>) src(%dma_wait3A_1038 : memref<1000010xf32, #tpu.memory_space<hbm>>) dst(%dma_wait3A_1033 : memref<128xf32, #tpu.memory_space<vmem>>)
    %dma_wait3A_1039 = arith.constant 37 : i32
    %dma_wait3A_1040 = arith.constant 4736 : i32
    %dma_wait3A_1041 = tpu.memref_slice %arg10[%dma_wait3A_1040] : memref<10240xf32, #tpu.memory_space<vmem>> -> memref<128xf32, #tpu.memory_space<vmem>>
    %dma_wait3A_1042 = arith.constant 0 : i32
    %dma_wait3A_1043 = tpu.memref_slice %arg8[%dma_wait3A_1039, %dma_wait3A_1042] : memref<80x128xi32, #tpu.memory_space<vmem>> -> memref<1x128xi32, #tpu.memory_space<vmem>>
    %dma_wait3A_1044 = tpu.memref_squeeze %dma_wait3A_1043 : memref<1x128xi32, #tpu.memory_space<vmem>> -> memref<128xi32, #tpu.memory_space<vmem>>
    %dma_wait3A_1045 = arith.constant 0 : i32
    %dma_wait3A_1046 = tpu.memref_slice %arg4[%dma_wait3A_1045] : memref<1000010xf32, #tpu.memory_space<hbm>> -> memref<1000010xf32, #tpu.memory_space<hbm>>
    tpu.wait_indirect_dma semaphore(%arg16 : memref<!tpu.dma_semaphore, #tpu.memory_space<semaphore_mem>>) src(%dma_wait3A_1046 : memref<1000010xf32, #tpu.memory_space<hbm>>) dst(%dma_wait3A_1041 : memref<128xf32, #tpu.memory_space<vmem>>)
    %dma_wait3A_1047 = arith.constant 38 : i32
    %dma_wait3A_1048 = arith.constant 4864 : i32
    %dma_wait3A_1049 = tpu.memref_slice %arg10[%dma_wait3A_1048] : memref<10240xf32, #tpu.memory_space<vmem>> -> memref<128xf32, #tpu.memory_space<vmem>>
    %dma_wait3A_1050 = arith.constant 0 : i32
    %dma_wait3A_1051 = tpu.memref_slice %arg8[%dma_wait3A_1047, %dma_wait3A_1050] : memref<80x128xi32, #tpu.memory_space<vmem>> -> memref<1x128xi32, #tpu.memory_space<vmem>>
    %dma_wait3A_1052 = tpu.memref_squeeze %dma_wait3A_1051 : memref<1x128xi32, #tpu.memory_space<vmem>> -> memref<128xi32, #tpu.memory_space<vmem>>
    %dma_wait3A_1053 = arith.constant 0 : i32
    %dma_wait3A_1054 = tpu.memref_slice %arg4[%dma_wait3A_1053] : memref<1000010xf32, #tpu.memory_space<hbm>> -> memref<1000010xf32, #tpu.memory_space<hbm>>
    tpu.wait_indirect_dma semaphore(%arg16 : memref<!tpu.dma_semaphore, #tpu.memory_space<semaphore_mem>>) src(%dma_wait3A_1054 : memref<1000010xf32, #tpu.memory_space<hbm>>) dst(%dma_wait3A_1049 : memref<128xf32, #tpu.memory_space<vmem>>)
    %dma_wait3A_1055 = arith.constant 39 : i32
    %dma_wait3A_1056 = arith.constant 4992 : i32
    %dma_wait3A_1057 = tpu.memref_slice %arg10[%dma_wait3A_1056] : memref<10240xf32, #tpu.memory_space<vmem>> -> memref<128xf32, #tpu.memory_space<vmem>>
    %dma_wait3A_1058 = arith.constant 0 : i32
    %dma_wait3A_1059 = tpu.memref_slice %arg8[%dma_wait3A_1055, %dma_wait3A_1058] : memref<80x128xi32, #tpu.memory_space<vmem>> -> memref<1x128xi32, #tpu.memory_space<vmem>>
    %dma_wait3A_1060 = tpu.memref_squeeze %dma_wait3A_1059 : memref<1x128xi32, #tpu.memory_space<vmem>> -> memref<128xi32, #tpu.memory_space<vmem>>
    %dma_wait3A_1061 = arith.constant 0 : i32
    %dma_wait3A_1062 = tpu.memref_slice %arg4[%dma_wait3A_1061] : memref<1000010xf32, #tpu.memory_space<hbm>> -> memref<1000010xf32, #tpu.memory_space<hbm>>
    tpu.wait_indirect_dma semaphore(%arg16 : memref<!tpu.dma_semaphore, #tpu.memory_space<semaphore_mem>>) src(%dma_wait3A_1062 : memref<1000010xf32, #tpu.memory_space<hbm>>) dst(%dma_wait3A_1057 : memref<128xf32, #tpu.memory_space<vmem>>)
    %dma_wait3A_1063 = arith.constant 40 : i32
    %dma_wait3A_1064 = arith.constant 5120 : i32
    %dma_wait3A_1065 = tpu.memref_slice %arg10[%dma_wait3A_1064] : memref<10240xf32, #tpu.memory_space<vmem>> -> memref<128xf32, #tpu.memory_space<vmem>>
    %dma_wait3A_1066 = arith.constant 0 : i32
    %dma_wait3A_1067 = tpu.memref_slice %arg8[%dma_wait3A_1063, %dma_wait3A_1066] : memref<80x128xi32, #tpu.memory_space<vmem>> -> memref<1x128xi32, #tpu.memory_space<vmem>>
    %dma_wait3A_1068 = tpu.memref_squeeze %dma_wait3A_1067 : memref<1x128xi32, #tpu.memory_space<vmem>> -> memref<128xi32, #tpu.memory_space<vmem>>
    %dma_wait3A_1069 = arith.constant 0 : i32
    %dma_wait3A_1070 = tpu.memref_slice %arg4[%dma_wait3A_1069] : memref<1000010xf32, #tpu.memory_space<hbm>> -> memref<1000010xf32, #tpu.memory_space<hbm>>
    tpu.wait_indirect_dma semaphore(%arg16 : memref<!tpu.dma_semaphore, #tpu.memory_space<semaphore_mem>>) src(%dma_wait3A_1070 : memref<1000010xf32, #tpu.memory_space<hbm>>) dst(%dma_wait3A_1065 : memref<128xf32, #tpu.memory_space<vmem>>)
    %dma_wait3A_1071 = arith.constant 41 : i32
    %dma_wait3A_1072 = arith.constant 5248 : i32
    %dma_wait3A_1073 = tpu.memref_slice %arg10[%dma_wait3A_1072] : memref<10240xf32, #tpu.memory_space<vmem>> -> memref<128xf32, #tpu.memory_space<vmem>>
    %dma_wait3A_1074 = arith.constant 0 : i32
    %dma_wait3A_1075 = tpu.memref_slice %arg8[%dma_wait3A_1071, %dma_wait3A_1074] : memref<80x128xi32, #tpu.memory_space<vmem>> -> memref<1x128xi32, #tpu.memory_space<vmem>>
    %dma_wait3A_1076 = tpu.memref_squeeze %dma_wait3A_1075 : memref<1x128xi32, #tpu.memory_space<vmem>> -> memref<128xi32, #tpu.memory_space<vmem>>
    %dma_wait3A_1077 = arith.constant 0 : i32
    %dma_wait3A_1078 = tpu.memref_slice %arg4[%dma_wait3A_1077] : memref<1000010xf32, #tpu.memory_space<hbm>> -> memref<1000010xf32, #tpu.memory_space<hbm>>
    tpu.wait_indirect_dma semaphore(%arg16 : memref<!tpu.dma_semaphore, #tpu.memory_space<semaphore_mem>>) src(%dma_wait3A_1078 : memref<1000010xf32, #tpu.memory_space<hbm>>) dst(%dma_wait3A_1073 : memref<128xf32, #tpu.memory_space<vmem>>)
    %dma_wait3A_1079 = arith.constant 42 : i32
    %dma_wait3A_1080 = arith.constant 5376 : i32
    %dma_wait3A_1081 = tpu.memref_slice %arg10[%dma_wait3A_1080] : memref<10240xf32, #tpu.memory_space<vmem>> -> memref<128xf32, #tpu.memory_space<vmem>>
    %dma_wait3A_1082 = arith.constant 0 : i32
    %dma_wait3A_1083 = tpu.memref_slice %arg8[%dma_wait3A_1079, %dma_wait3A_1082] : memref<80x128xi32, #tpu.memory_space<vmem>> -> memref<1x128xi32, #tpu.memory_space<vmem>>
    %dma_wait3A_1084 = tpu.memref_squeeze %dma_wait3A_1083 : memref<1x128xi32, #tpu.memory_space<vmem>> -> memref<128xi32, #tpu.memory_space<vmem>>
    %dma_wait3A_1085 = arith.constant 0 : i32
    %dma_wait3A_1086 = tpu.memref_slice %arg4[%dma_wait3A_1085] : memref<1000010xf32, #tpu.memory_space<hbm>> -> memref<1000010xf32, #tpu.memory_space<hbm>>
    tpu.wait_indirect_dma semaphore(%arg16 : memref<!tpu.dma_semaphore, #tpu.memory_space<semaphore_mem>>) src(%dma_wait3A_1086 : memref<1000010xf32, #tpu.memory_space<hbm>>) dst(%dma_wait3A_1081 : memref<128xf32, #tpu.memory_space<vmem>>)
    %dma_wait3A_1087 = arith.constant 43 : i32
    %dma_wait3A_1088 = arith.constant 5504 : i32
    %dma_wait3A_1089 = tpu.memref_slice %arg10[%dma_wait3A_1088] : memref<10240xf32, #tpu.memory_space<vmem>> -> memref<128xf32, #tpu.memory_space<vmem>>
    %dma_wait3A_1090 = arith.constant 0 : i32
    %dma_wait3A_1091 = tpu.memref_slice %arg8[%dma_wait3A_1087, %dma_wait3A_1090] : memref<80x128xi32, #tpu.memory_space<vmem>> -> memref<1x128xi32, #tpu.memory_space<vmem>>
    %dma_wait3A_1092 = tpu.memref_squeeze %dma_wait3A_1091 : memref<1x128xi32, #tpu.memory_space<vmem>> -> memref<128xi32, #tpu.memory_space<vmem>>
    %dma_wait3A_1093 = arith.constant 0 : i32
    %dma_wait3A_1094 = tpu.memref_slice %arg4[%dma_wait3A_1093] : memref<1000010xf32, #tpu.memory_space<hbm>> -> memref<1000010xf32, #tpu.memory_space<hbm>>
    tpu.wait_indirect_dma semaphore(%arg16 : memref<!tpu.dma_semaphore, #tpu.memory_space<semaphore_mem>>) src(%dma_wait3A_1094 : memref<1000010xf32, #tpu.memory_space<hbm>>) dst(%dma_wait3A_1089 : memref<128xf32, #tpu.memory_space<vmem>>)
    %dma_wait3A_1095 = arith.constant 44 : i32
    %dma_wait3A_1096 = arith.constant 5632 : i32
    %dma_wait3A_1097 = tpu.memref_slice %arg10[%dma_wait3A_1096] : memref<10240xf32, #tpu.memory_space<vmem>> -> memref<128xf32, #tpu.memory_space<vmem>>
    %dma_wait3A_1098 = arith.constant 0 : i32
    %dma_wait3A_1099 = tpu.memref_slice %arg8[%dma_wait3A_1095, %dma_wait3A_1098] : memref<80x128xi32, #tpu.memory_space<vmem>> -> memref<1x128xi32, #tpu.memory_space<vmem>>
    %dma_wait3A_1100 = tpu.memref_squeeze %dma_wait3A_1099 : memref<1x128xi32, #tpu.memory_space<vmem>> -> memref<128xi32, #tpu.memory_space<vmem>>
    %dma_wait3A_1101 = arith.constant 0 : i32
    %dma_wait3A_1102 = tpu.memref_slice %arg4[%dma_wait3A_1101] : memref<1000010xf32, #tpu.memory_space<hbm>> -> memref<1000010xf32, #tpu.memory_space<hbm>>
    tpu.wait_indirect_dma semaphore(%arg16 : memref<!tpu.dma_semaphore, #tpu.memory_space<semaphore_mem>>) src(%dma_wait3A_1102 : memref<1000010xf32, #tpu.memory_space<hbm>>) dst(%dma_wait3A_1097 : memref<128xf32, #tpu.memory_space<vmem>>)
    %dma_wait3A_1103 = arith.constant 45 : i32
    %dma_wait3A_1104 = arith.constant 5760 : i32
    %dma_wait3A_1105 = tpu.memref_slice %arg10[%dma_wait3A_1104] : memref<10240xf32, #tpu.memory_space<vmem>> -> memref<128xf32, #tpu.memory_space<vmem>>
    %dma_wait3A_1106 = arith.constant 0 : i32
    %dma_wait3A_1107 = tpu.memref_slice %arg8[%dma_wait3A_1103, %dma_wait3A_1106] : memref<80x128xi32, #tpu.memory_space<vmem>> -> memref<1x128xi32, #tpu.memory_space<vmem>>
    %dma_wait3A_1108 = tpu.memref_squeeze %dma_wait3A_1107 : memref<1x128xi32, #tpu.memory_space<vmem>> -> memref<128xi32, #tpu.memory_space<vmem>>
    %dma_wait3A_1109 = arith.constant 0 : i32
    %dma_wait3A_1110 = tpu.memref_slice %arg4[%dma_wait3A_1109] : memref<1000010xf32, #tpu.memory_space<hbm>> -> memref<1000010xf32, #tpu.memory_space<hbm>>
    tpu.wait_indirect_dma semaphore(%arg16 : memref<!tpu.dma_semaphore, #tpu.memory_space<semaphore_mem>>) src(%dma_wait3A_1110 : memref<1000010xf32, #tpu.memory_space<hbm>>) dst(%dma_wait3A_1105 : memref<128xf32, #tpu.memory_space<vmem>>)
    %dma_wait3A_1111 = arith.constant 46 : i32
    %dma_wait3A_1112 = arith.constant 5888 : i32
    %dma_wait3A_1113 = tpu.memref_slice %arg10[%dma_wait3A_1112] : memref<10240xf32, #tpu.memory_space<vmem>> -> memref<128xf32, #tpu.memory_space<vmem>>
    %dma_wait3A_1114 = arith.constant 0 : i32
    %dma_wait3A_1115 = tpu.memref_slice %arg8[%dma_wait3A_1111, %dma_wait3A_1114] : memref<80x128xi32, #tpu.memory_space<vmem>> -> memref<1x128xi32, #tpu.memory_space<vmem>>
    %dma_wait3A_1116 = tpu.memref_squeeze %dma_wait3A_1115 : memref<1x128xi32, #tpu.memory_space<vmem>> -> memref<128xi32, #tpu.memory_space<vmem>>
    %dma_wait3A_1117 = arith.constant 0 : i32
    %dma_wait3A_1118 = tpu.memref_slice %arg4[%dma_wait3A_1117] : memref<1000010xf32, #tpu.memory_space<hbm>> -> memref<1000010xf32, #tpu.memory_space<hbm>>
    tpu.wait_indirect_dma semaphore(%arg16 : memref<!tpu.dma_semaphore, #tpu.memory_space<semaphore_mem>>) src(%dma_wait3A_1118 : memref<1000010xf32, #tpu.memory_space<hbm>>) dst(%dma_wait3A_1113 : memref<128xf32, #tpu.memory_space<vmem>>)
    %dma_wait3A_1119 = arith.constant 47 : i32
    %dma_wait3A_1120 = arith.constant 6016 : i32
    %dma_wait3A_1121 = tpu.memref_slice %arg10[%dma_wait3A_1120] : memref<10240xf32, #tpu.memory_space<vmem>> -> memref<128xf32, #tpu.memory_space<vmem>>
    %dma_wait3A_1122 = arith.constant 0 : i32
    %dma_wait3A_1123 = tpu.memref_slice %arg8[%dma_wait3A_1119, %dma_wait3A_1122] : memref<80x128xi32, #tpu.memory_space<vmem>> -> memref<1x128xi32, #tpu.memory_space<vmem>>
    %dma_wait3A_1124 = tpu.memref_squeeze %dma_wait3A_1123 : memref<1x128xi32, #tpu.memory_space<vmem>> -> memref<128xi32, #tpu.memory_space<vmem>>
    %dma_wait3A_1125 = arith.constant 0 : i32
    %dma_wait3A_1126 = tpu.memref_slice %arg4[%dma_wait3A_1125] : memref<1000010xf32, #tpu.memory_space<hbm>> -> memref<1000010xf32, #tpu.memory_space<hbm>>
    tpu.wait_indirect_dma semaphore(%arg16 : memref<!tpu.dma_semaphore, #tpu.memory_space<semaphore_mem>>) src(%dma_wait3A_1126 : memref<1000010xf32, #tpu.memory_space<hbm>>) dst(%dma_wait3A_1121 : memref<128xf32, #tpu.memory_space<vmem>>)
    %dma_wait3A_1127 = arith.constant 48 : i32
    %dma_wait3A_1128 = arith.constant 6144 : i32
    %dma_wait3A_1129 = tpu.memref_slice %arg10[%dma_wait3A_1128] : memref<10240xf32, #tpu.memory_space<vmem>> -> memref<128xf32, #tpu.memory_space<vmem>>
    %dma_wait3A_1130 = arith.constant 0 : i32
    %dma_wait3A_1131 = tpu.memref_slice %arg8[%dma_wait3A_1127, %dma_wait3A_1130] : memref<80x128xi32, #tpu.memory_space<vmem>> -> memref<1x128xi32, #tpu.memory_space<vmem>>
    %dma_wait3A_1132 = tpu.memref_squeeze %dma_wait3A_1131 : memref<1x128xi32, #tpu.memory_space<vmem>> -> memref<128xi32, #tpu.memory_space<vmem>>
    %dma_wait3A_1133 = arith.constant 0 : i32
    %dma_wait3A_1134 = tpu.memref_slice %arg4[%dma_wait3A_1133] : memref<1000010xf32, #tpu.memory_space<hbm>> -> memref<1000010xf32, #tpu.memory_space<hbm>>
    tpu.wait_indirect_dma semaphore(%arg16 : memref<!tpu.dma_semaphore, #tpu.memory_space<semaphore_mem>>) src(%dma_wait3A_1134 : memref<1000010xf32, #tpu.memory_space<hbm>>) dst(%dma_wait3A_1129 : memref<128xf32, #tpu.memory_space<vmem>>)
    %dma_wait3A_1135 = arith.constant 49 : i32
    %dma_wait3A_1136 = arith.constant 6272 : i32
    %dma_wait3A_1137 = tpu.memref_slice %arg10[%dma_wait3A_1136] : memref<10240xf32, #tpu.memory_space<vmem>> -> memref<128xf32, #tpu.memory_space<vmem>>
    %dma_wait3A_1138 = arith.constant 0 : i32
    %dma_wait3A_1139 = tpu.memref_slice %arg8[%dma_wait3A_1135, %dma_wait3A_1138] : memref<80x128xi32, #tpu.memory_space<vmem>> -> memref<1x128xi32, #tpu.memory_space<vmem>>
    %dma_wait3A_1140 = tpu.memref_squeeze %dma_wait3A_1139 : memref<1x128xi32, #tpu.memory_space<vmem>> -> memref<128xi32, #tpu.memory_space<vmem>>
    %dma_wait3A_1141 = arith.constant 0 : i32
    %dma_wait3A_1142 = tpu.memref_slice %arg4[%dma_wait3A_1141] : memref<1000010xf32, #tpu.memory_space<hbm>> -> memref<1000010xf32, #tpu.memory_space<hbm>>
    tpu.wait_indirect_dma semaphore(%arg16 : memref<!tpu.dma_semaphore, #tpu.memory_space<semaphore_mem>>) src(%dma_wait3A_1142 : memref<1000010xf32, #tpu.memory_space<hbm>>) dst(%dma_wait3A_1137 : memref<128xf32, #tpu.memory_space<vmem>>)
    %dma_wait3A_1143 = arith.constant 50 : i32
    %dma_wait3A_1144 = arith.constant 6400 : i32
    %dma_wait3A_1145 = tpu.memref_slice %arg10[%dma_wait3A_1144] : memref<10240xf32, #tpu.memory_space<vmem>> -> memref<128xf32, #tpu.memory_space<vmem>>
    %dma_wait3A_1146 = arith.constant 0 : i32
    %dma_wait3A_1147 = tpu.memref_slice %arg8[%dma_wait3A_1143, %dma_wait3A_1146] : memref<80x128xi32, #tpu.memory_space<vmem>> -> memref<1x128xi32, #tpu.memory_space<vmem>>
    %dma_wait3A_1148 = tpu.memref_squeeze %dma_wait3A_1147 : memref<1x128xi32, #tpu.memory_space<vmem>> -> memref<128xi32, #tpu.memory_space<vmem>>
    %dma_wait3A_1149 = arith.constant 0 : i32
    %dma_wait3A_1150 = tpu.memref_slice %arg4[%dma_wait3A_1149] : memref<1000010xf32, #tpu.memory_space<hbm>> -> memref<1000010xf32, #tpu.memory_space<hbm>>
    tpu.wait_indirect_dma semaphore(%arg16 : memref<!tpu.dma_semaphore, #tpu.memory_space<semaphore_mem>>) src(%dma_wait3A_1150 : memref<1000010xf32, #tpu.memory_space<hbm>>) dst(%dma_wait3A_1145 : memref<128xf32, #tpu.memory_space<vmem>>)
    %dma_wait3A_1151 = arith.constant 51 : i32
    %dma_wait3A_1152 = arith.constant 6528 : i32
    %dma_wait3A_1153 = tpu.memref_slice %arg10[%dma_wait3A_1152] : memref<10240xf32, #tpu.memory_space<vmem>> -> memref<128xf32, #tpu.memory_space<vmem>>
    %dma_wait3A_1154 = arith.constant 0 : i32
    %dma_wait3A_1155 = tpu.memref_slice %arg8[%dma_wait3A_1151, %dma_wait3A_1154] : memref<80x128xi32, #tpu.memory_space<vmem>> -> memref<1x128xi32, #tpu.memory_space<vmem>>
    %dma_wait3A_1156 = tpu.memref_squeeze %dma_wait3A_1155 : memref<1x128xi32, #tpu.memory_space<vmem>> -> memref<128xi32, #tpu.memory_space<vmem>>
    %dma_wait3A_1157 = arith.constant 0 : i32
    %dma_wait3A_1158 = tpu.memref_slice %arg4[%dma_wait3A_1157] : memref<1000010xf32, #tpu.memory_space<hbm>> -> memref<1000010xf32, #tpu.memory_space<hbm>>
    tpu.wait_indirect_dma semaphore(%arg16 : memref<!tpu.dma_semaphore, #tpu.memory_space<semaphore_mem>>) src(%dma_wait3A_1158 : memref<1000010xf32, #tpu.memory_space<hbm>>) dst(%dma_wait3A_1153 : memref<128xf32, #tpu.memory_space<vmem>>)
    %dma_wait3A_1159 = arith.constant 52 : i32
    %dma_wait3A_1160 = arith.constant 6656 : i32
    %dma_wait3A_1161 = tpu.memref_slice %arg10[%dma_wait3A_1160] : memref<10240xf32, #tpu.memory_space<vmem>> -> memref<128xf32, #tpu.memory_space<vmem>>
    %dma_wait3A_1162 = arith.constant 0 : i32
    %dma_wait3A_1163 = tpu.memref_slice %arg8[%dma_wait3A_1159, %dma_wait3A_1162] : memref<80x128xi32, #tpu.memory_space<vmem>> -> memref<1x128xi32, #tpu.memory_space<vmem>>
    %dma_wait3A_1164 = tpu.memref_squeeze %dma_wait3A_1163 : memref<1x128xi32, #tpu.memory_space<vmem>> -> memref<128xi32, #tpu.memory_space<vmem>>
    %dma_wait3A_1165 = arith.constant 0 : i32
    %dma_wait3A_1166 = tpu.memref_slice %arg4[%dma_wait3A_1165] : memref<1000010xf32, #tpu.memory_space<hbm>> -> memref<1000010xf32, #tpu.memory_space<hbm>>
    tpu.wait_indirect_dma semaphore(%arg16 : memref<!tpu.dma_semaphore, #tpu.memory_space<semaphore_mem>>) src(%dma_wait3A_1166 : memref<1000010xf32, #tpu.memory_space<hbm>>) dst(%dma_wait3A_1161 : memref<128xf32, #tpu.memory_space<vmem>>)
    %dma_wait3A_1167 = arith.constant 53 : i32
    %dma_wait3A_1168 = arith.constant 6784 : i32
    %dma_wait3A_1169 = tpu.memref_slice %arg10[%dma_wait3A_1168] : memref<10240xf32, #tpu.memory_space<vmem>> -> memref<128xf32, #tpu.memory_space<vmem>>
    %dma_wait3A_1170 = arith.constant 0 : i32
    %dma_wait3A_1171 = tpu.memref_slice %arg8[%dma_wait3A_1167, %dma_wait3A_1170] : memref<80x128xi32, #tpu.memory_space<vmem>> -> memref<1x128xi32, #tpu.memory_space<vmem>>
    %dma_wait3A_1172 = tpu.memref_squeeze %dma_wait3A_1171 : memref<1x128xi32, #tpu.memory_space<vmem>> -> memref<128xi32, #tpu.memory_space<vmem>>
    %dma_wait3A_1173 = arith.constant 0 : i32
    %dma_wait3A_1174 = tpu.memref_slice %arg4[%dma_wait3A_1173] : memref<1000010xf32, #tpu.memory_space<hbm>> -> memref<1000010xf32, #tpu.memory_space<hbm>>
    tpu.wait_indirect_dma semaphore(%arg16 : memref<!tpu.dma_semaphore, #tpu.memory_space<semaphore_mem>>) src(%dma_wait3A_1174 : memref<1000010xf32, #tpu.memory_space<hbm>>) dst(%dma_wait3A_1169 : memref<128xf32, #tpu.memory_space<vmem>>)
    %dma_wait3A_1175 = arith.constant 54 : i32
    %dma_wait3A_1176 = arith.constant 6912 : i32
    %dma_wait3A_1177 = tpu.memref_slice %arg10[%dma_wait3A_1176] : memref<10240xf32, #tpu.memory_space<vmem>> -> memref<128xf32, #tpu.memory_space<vmem>>
    %dma_wait3A_1178 = arith.constant 0 : i32
    %dma_wait3A_1179 = tpu.memref_slice %arg8[%dma_wait3A_1175, %dma_wait3A_1178] : memref<80x128xi32, #tpu.memory_space<vmem>> -> memref<1x128xi32, #tpu.memory_space<vmem>>
    %dma_wait3A_1180 = tpu.memref_squeeze %dma_wait3A_1179 : memref<1x128xi32, #tpu.memory_space<vmem>> -> memref<128xi32, #tpu.memory_space<vmem>>
    %dma_wait3A_1181 = arith.constant 0 : i32
    %dma_wait3A_1182 = tpu.memref_slice %arg4[%dma_wait3A_1181] : memref<1000010xf32, #tpu.memory_space<hbm>> -> memref<1000010xf32, #tpu.memory_space<hbm>>
    tpu.wait_indirect_dma semaphore(%arg16 : memref<!tpu.dma_semaphore, #tpu.memory_space<semaphore_mem>>) src(%dma_wait3A_1182 : memref<1000010xf32, #tpu.memory_space<hbm>>) dst(%dma_wait3A_1177 : memref<128xf32, #tpu.memory_space<vmem>>)
    %dma_wait3A_1183 = arith.constant 55 : i32
    %dma_wait3A_1184 = arith.constant 7040 : i32
    %dma_wait3A_1185 = tpu.memref_slice %arg10[%dma_wait3A_1184] : memref<10240xf32, #tpu.memory_space<vmem>> -> memref<128xf32, #tpu.memory_space<vmem>>
    %dma_wait3A_1186 = arith.constant 0 : i32
    %dma_wait3A_1187 = tpu.memref_slice %arg8[%dma_wait3A_1183, %dma_wait3A_1186] : memref<80x128xi32, #tpu.memory_space<vmem>> -> memref<1x128xi32, #tpu.memory_space<vmem>>
    %dma_wait3A_1188 = tpu.memref_squeeze %dma_wait3A_1187 : memref<1x128xi32, #tpu.memory_space<vmem>> -> memref<128xi32, #tpu.memory_space<vmem>>
    %dma_wait3A_1189 = arith.constant 0 : i32
    %dma_wait3A_1190 = tpu.memref_slice %arg4[%dma_wait3A_1189] : memref<1000010xf32, #tpu.memory_space<hbm>> -> memref<1000010xf32, #tpu.memory_space<hbm>>
    tpu.wait_indirect_dma semaphore(%arg16 : memref<!tpu.dma_semaphore, #tpu.memory_space<semaphore_mem>>) src(%dma_wait3A_1190 : memref<1000010xf32, #tpu.memory_space<hbm>>) dst(%dma_wait3A_1185 : memref<128xf32, #tpu.memory_space<vmem>>)
    %dma_wait3A_1191 = arith.constant 56 : i32
    %dma_wait3A_1192 = arith.constant 7168 : i32
    %dma_wait3A_1193 = tpu.memref_slice %arg10[%dma_wait3A_1192] : memref<10240xf32, #tpu.memory_space<vmem>> -> memref<128xf32, #tpu.memory_space<vmem>>
    %dma_wait3A_1194 = arith.constant 0 : i32
    %dma_wait3A_1195 = tpu.memref_slice %arg8[%dma_wait3A_1191, %dma_wait3A_1194] : memref<80x128xi32, #tpu.memory_space<vmem>> -> memref<1x128xi32, #tpu.memory_space<vmem>>
    %dma_wait3A_1196 = tpu.memref_squeeze %dma_wait3A_1195 : memref<1x128xi32, #tpu.memory_space<vmem>> -> memref<128xi32, #tpu.memory_space<vmem>>
    %dma_wait3A_1197 = arith.constant 0 : i32
    %dma_wait3A_1198 = tpu.memref_slice %arg4[%dma_wait3A_1197] : memref<1000010xf32, #tpu.memory_space<hbm>> -> memref<1000010xf32, #tpu.memory_space<hbm>>
    tpu.wait_indirect_dma semaphore(%arg16 : memref<!tpu.dma_semaphore, #tpu.memory_space<semaphore_mem>>) src(%dma_wait3A_1198 : memref<1000010xf32, #tpu.memory_space<hbm>>) dst(%dma_wait3A_1193 : memref<128xf32, #tpu.memory_space<vmem>>)
    %dma_wait3A_1199 = arith.constant 57 : i32
    %dma_wait3A_1200 = arith.constant 7296 : i32
    %dma_wait3A_1201 = tpu.memref_slice %arg10[%dma_wait3A_1200] : memref<10240xf32, #tpu.memory_space<vmem>> -> memref<128xf32, #tpu.memory_space<vmem>>
    %dma_wait3A_1202 = arith.constant 0 : i32
    %dma_wait3A_1203 = tpu.memref_slice %arg8[%dma_wait3A_1199, %dma_wait3A_1202] : memref<80x128xi32, #tpu.memory_space<vmem>> -> memref<1x128xi32, #tpu.memory_space<vmem>>
    %dma_wait3A_1204 = tpu.memref_squeeze %dma_wait3A_1203 : memref<1x128xi32, #tpu.memory_space<vmem>> -> memref<128xi32, #tpu.memory_space<vmem>>
    %dma_wait3A_1205 = arith.constant 0 : i32
    %dma_wait3A_1206 = tpu.memref_slice %arg4[%dma_wait3A_1205] : memref<1000010xf32, #tpu.memory_space<hbm>> -> memref<1000010xf32, #tpu.memory_space<hbm>>
    tpu.wait_indirect_dma semaphore(%arg16 : memref<!tpu.dma_semaphore, #tpu.memory_space<semaphore_mem>>) src(%dma_wait3A_1206 : memref<1000010xf32, #tpu.memory_space<hbm>>) dst(%dma_wait3A_1201 : memref<128xf32, #tpu.memory_space<vmem>>)
    %dma_wait3A_1207 = arith.constant 58 : i32
    %dma_wait3A_1208 = arith.constant 7424 : i32
    %dma_wait3A_1209 = tpu.memref_slice %arg10[%dma_wait3A_1208] : memref<10240xf32, #tpu.memory_space<vmem>> -> memref<128xf32, #tpu.memory_space<vmem>>
    %dma_wait3A_1210 = arith.constant 0 : i32
    %dma_wait3A_1211 = tpu.memref_slice %arg8[%dma_wait3A_1207, %dma_wait3A_1210] : memref<80x128xi32, #tpu.memory_space<vmem>> -> memref<1x128xi32, #tpu.memory_space<vmem>>
    %dma_wait3A_1212 = tpu.memref_squeeze %dma_wait3A_1211 : memref<1x128xi32, #tpu.memory_space<vmem>> -> memref<128xi32, #tpu.memory_space<vmem>>
    %dma_wait3A_1213 = arith.constant 0 : i32
    %dma_wait3A_1214 = tpu.memref_slice %arg4[%dma_wait3A_1213] : memref<1000010xf32, #tpu.memory_space<hbm>> -> memref<1000010xf32, #tpu.memory_space<hbm>>
    tpu.wait_indirect_dma semaphore(%arg16 : memref<!tpu.dma_semaphore, #tpu.memory_space<semaphore_mem>>) src(%dma_wait3A_1214 : memref<1000010xf32, #tpu.memory_space<hbm>>) dst(%dma_wait3A_1209 : memref<128xf32, #tpu.memory_space<vmem>>)
    %dma_wait3A_1215 = arith.constant 59 : i32
    %dma_wait3A_1216 = arith.constant 7552 : i32
    %dma_wait3A_1217 = tpu.memref_slice %arg10[%dma_wait3A_1216] : memref<10240xf32, #tpu.memory_space<vmem>> -> memref<128xf32, #tpu.memory_space<vmem>>
    %dma_wait3A_1218 = arith.constant 0 : i32
    %dma_wait3A_1219 = tpu.memref_slice %arg8[%dma_wait3A_1215, %dma_wait3A_1218] : memref<80x128xi32, #tpu.memory_space<vmem>> -> memref<1x128xi32, #tpu.memory_space<vmem>>
    %dma_wait3A_1220 = tpu.memref_squeeze %dma_wait3A_1219 : memref<1x128xi32, #tpu.memory_space<vmem>> -> memref<128xi32, #tpu.memory_space<vmem>>
    %dma_wait3A_1221 = arith.constant 0 : i32
    %dma_wait3A_1222 = tpu.memref_slice %arg4[%dma_wait3A_1221] : memref<1000010xf32, #tpu.memory_space<hbm>> -> memref<1000010xf32, #tpu.memory_space<hbm>>
    tpu.wait_indirect_dma semaphore(%arg16 : memref<!tpu.dma_semaphore, #tpu.memory_space<semaphore_mem>>) src(%dma_wait3A_1222 : memref<1000010xf32, #tpu.memory_space<hbm>>) dst(%dma_wait3A_1217 : memref<128xf32, #tpu.memory_space<vmem>>)
    %dma_wait3A_1223 = arith.constant 60 : i32
    %dma_wait3A_1224 = arith.constant 7680 : i32
    %dma_wait3A_1225 = tpu.memref_slice %arg10[%dma_wait3A_1224] : memref<10240xf32, #tpu.memory_space<vmem>> -> memref<128xf32, #tpu.memory_space<vmem>>
    %dma_wait3A_1226 = arith.constant 0 : i32
    %dma_wait3A_1227 = tpu.memref_slice %arg8[%dma_wait3A_1223, %dma_wait3A_1226] : memref<80x128xi32, #tpu.memory_space<vmem>> -> memref<1x128xi32, #tpu.memory_space<vmem>>
    %dma_wait3A_1228 = tpu.memref_squeeze %dma_wait3A_1227 : memref<1x128xi32, #tpu.memory_space<vmem>> -> memref<128xi32, #tpu.memory_space<vmem>>
    %dma_wait3A_1229 = arith.constant 0 : i32
    %dma_wait3A_1230 = tpu.memref_slice %arg4[%dma_wait3A_1229] : memref<1000010xf32, #tpu.memory_space<hbm>> -> memref<1000010xf32, #tpu.memory_space<hbm>>
    tpu.wait_indirect_dma semaphore(%arg16 : memref<!tpu.dma_semaphore, #tpu.memory_space<semaphore_mem>>) src(%dma_wait3A_1230 : memref<1000010xf32, #tpu.memory_space<hbm>>) dst(%dma_wait3A_1225 : memref<128xf32, #tpu.memory_space<vmem>>)
    %dma_wait3A_1231 = arith.constant 61 : i32
    %dma_wait3A_1232 = arith.constant 7808 : i32
    %dma_wait3A_1233 = tpu.memref_slice %arg10[%dma_wait3A_1232] : memref<10240xf32, #tpu.memory_space<vmem>> -> memref<128xf32, #tpu.memory_space<vmem>>
    %dma_wait3A_1234 = arith.constant 0 : i32
    %dma_wait3A_1235 = tpu.memref_slice %arg8[%dma_wait3A_1231, %dma_wait3A_1234] : memref<80x128xi32, #tpu.memory_space<vmem>> -> memref<1x128xi32, #tpu.memory_space<vmem>>
    %dma_wait3A_1236 = tpu.memref_squeeze %dma_wait3A_1235 : memref<1x128xi32, #tpu.memory_space<vmem>> -> memref<128xi32, #tpu.memory_space<vmem>>
    %dma_wait3A_1237 = arith.constant 0 : i32
    %dma_wait3A_1238 = tpu.memref_slice %arg4[%dma_wait3A_1237] : memref<1000010xf32, #tpu.memory_space<hbm>> -> memref<1000010xf32, #tpu.memory_space<hbm>>
    tpu.wait_indirect_dma semaphore(%arg16 : memref<!tpu.dma_semaphore, #tpu.memory_space<semaphore_mem>>) src(%dma_wait3A_1238 : memref<1000010xf32, #tpu.memory_space<hbm>>) dst(%dma_wait3A_1233 : memref<128xf32, #tpu.memory_space<vmem>>)
    %dma_wait3A_1239 = arith.constant 62 : i32
    %dma_wait3A_1240 = arith.constant 7936 : i32
    %dma_wait3A_1241 = tpu.memref_slice %arg10[%dma_wait3A_1240] : memref<10240xf32, #tpu.memory_space<vmem>> -> memref<128xf32, #tpu.memory_space<vmem>>
    %dma_wait3A_1242 = arith.constant 0 : i32
    %dma_wait3A_1243 = tpu.memref_slice %arg8[%dma_wait3A_1239, %dma_wait3A_1242] : memref<80x128xi32, #tpu.memory_space<vmem>> -> memref<1x128xi32, #tpu.memory_space<vmem>>
    %dma_wait3A_1244 = tpu.memref_squeeze %dma_wait3A_1243 : memref<1x128xi32, #tpu.memory_space<vmem>> -> memref<128xi32, #tpu.memory_space<vmem>>
    %dma_wait3A_1245 = arith.constant 0 : i32
    %dma_wait3A_1246 = tpu.memref_slice %arg4[%dma_wait3A_1245] : memref<1000010xf32, #tpu.memory_space<hbm>> -> memref<1000010xf32, #tpu.memory_space<hbm>>
    tpu.wait_indirect_dma semaphore(%arg16 : memref<!tpu.dma_semaphore, #tpu.memory_space<semaphore_mem>>) src(%dma_wait3A_1246 : memref<1000010xf32, #tpu.memory_space<hbm>>) dst(%dma_wait3A_1241 : memref<128xf32, #tpu.memory_space<vmem>>)
    %dma_wait3A_1247 = arith.constant 63 : i32
    %dma_wait3A_1248 = arith.constant 8064 : i32
    %dma_wait3A_1249 = tpu.memref_slice %arg10[%dma_wait3A_1248] : memref<10240xf32, #tpu.memory_space<vmem>> -> memref<128xf32, #tpu.memory_space<vmem>>
    %dma_wait3A_1250 = arith.constant 0 : i32
    %dma_wait3A_1251 = tpu.memref_slice %arg8[%dma_wait3A_1247, %dma_wait3A_1250] : memref<80x128xi32, #tpu.memory_space<vmem>> -> memref<1x128xi32, #tpu.memory_space<vmem>>
    %dma_wait3A_1252 = tpu.memref_squeeze %dma_wait3A_1251 : memref<1x128xi32, #tpu.memory_space<vmem>> -> memref<128xi32, #tpu.memory_space<vmem>>
    %dma_wait3A_1253 = arith.constant 0 : i32
    %dma_wait3A_1254 = tpu.memref_slice %arg4[%dma_wait3A_1253] : memref<1000010xf32, #tpu.memory_space<hbm>> -> memref<1000010xf32, #tpu.memory_space<hbm>>
    tpu.wait_indirect_dma semaphore(%arg16 : memref<!tpu.dma_semaphore, #tpu.memory_space<semaphore_mem>>) src(%dma_wait3A_1254 : memref<1000010xf32, #tpu.memory_space<hbm>>) dst(%dma_wait3A_1249 : memref<128xf32, #tpu.memory_space<vmem>>)
    %dma_wait3A_1255 = arith.constant 64 : i32
    %dma_wait3A_1256 = arith.constant 8192 : i32
    %dma_wait3A_1257 = tpu.memref_slice %arg10[%dma_wait3A_1256] : memref<10240xf32, #tpu.memory_space<vmem>> -> memref<128xf32, #tpu.memory_space<vmem>>
    %dma_wait3A_1258 = arith.constant 0 : i32
    %dma_wait3A_1259 = tpu.memref_slice %arg8[%dma_wait3A_1255, %dma_wait3A_1258] : memref<80x128xi32, #tpu.memory_space<vmem>> -> memref<1x128xi32, #tpu.memory_space<vmem>>
    %dma_wait3A_1260 = tpu.memref_squeeze %dma_wait3A_1259 : memref<1x128xi32, #tpu.memory_space<vmem>> -> memref<128xi32, #tpu.memory_space<vmem>>
    %dma_wait3A_1261 = arith.constant 0 : i32
    %dma_wait3A_1262 = tpu.memref_slice %arg4[%dma_wait3A_1261] : memref<1000010xf32, #tpu.memory_space<hbm>> -> memref<1000010xf32, #tpu.memory_space<hbm>>
    tpu.wait_indirect_dma semaphore(%arg16 : memref<!tpu.dma_semaphore, #tpu.memory_space<semaphore_mem>>) src(%dma_wait3A_1262 : memref<1000010xf32, #tpu.memory_space<hbm>>) dst(%dma_wait3A_1257 : memref<128xf32, #tpu.memory_space<vmem>>)
    %dma_wait3A_1263 = arith.constant 65 : i32
    %dma_wait3A_1264 = arith.constant 8320 : i32
    %dma_wait3A_1265 = tpu.memref_slice %arg10[%dma_wait3A_1264] : memref<10240xf32, #tpu.memory_space<vmem>> -> memref<128xf32, #tpu.memory_space<vmem>>
    %dma_wait3A_1266 = arith.constant 0 : i32
    %dma_wait3A_1267 = tpu.memref_slice %arg8[%dma_wait3A_1263, %dma_wait3A_1266] : memref<80x128xi32, #tpu.memory_space<vmem>> -> memref<1x128xi32, #tpu.memory_space<vmem>>
    %dma_wait3A_1268 = tpu.memref_squeeze %dma_wait3A_1267 : memref<1x128xi32, #tpu.memory_space<vmem>> -> memref<128xi32, #tpu.memory_space<vmem>>
    %dma_wait3A_1269 = arith.constant 0 : i32
    %dma_wait3A_1270 = tpu.memref_slice %arg4[%dma_wait3A_1269] : memref<1000010xf32, #tpu.memory_space<hbm>> -> memref<1000010xf32, #tpu.memory_space<hbm>>
    tpu.wait_indirect_dma semaphore(%arg16 : memref<!tpu.dma_semaphore, #tpu.memory_space<semaphore_mem>>) src(%dma_wait3A_1270 : memref<1000010xf32, #tpu.memory_space<hbm>>) dst(%dma_wait3A_1265 : memref<128xf32, #tpu.memory_space<vmem>>)
    %dma_wait3A_1271 = arith.constant 66 : i32
    %dma_wait3A_1272 = arith.constant 8448 : i32
    %dma_wait3A_1273 = tpu.memref_slice %arg10[%dma_wait3A_1272] : memref<10240xf32, #tpu.memory_space<vmem>> -> memref<128xf32, #tpu.memory_space<vmem>>
    %dma_wait3A_1274 = arith.constant 0 : i32
    %dma_wait3A_1275 = tpu.memref_slice %arg8[%dma_wait3A_1271, %dma_wait3A_1274] : memref<80x128xi32, #tpu.memory_space<vmem>> -> memref<1x128xi32, #tpu.memory_space<vmem>>
    %dma_wait3A_1276 = tpu.memref_squeeze %dma_wait3A_1275 : memref<1x128xi32, #tpu.memory_space<vmem>> -> memref<128xi32, #tpu.memory_space<vmem>>
    %dma_wait3A_1277 = arith.constant 0 : i32
    %dma_wait3A_1278 = tpu.memref_slice %arg4[%dma_wait3A_1277] : memref<1000010xf32, #tpu.memory_space<hbm>> -> memref<1000010xf32, #tpu.memory_space<hbm>>
    tpu.wait_indirect_dma semaphore(%arg16 : memref<!tpu.dma_semaphore, #tpu.memory_space<semaphore_mem>>) src(%dma_wait3A_1278 : memref<1000010xf32, #tpu.memory_space<hbm>>) dst(%dma_wait3A_1273 : memref<128xf32, #tpu.memory_space<vmem>>)
    %dma_wait3A_1279 = arith.constant 67 : i32
    %dma_wait3A_1280 = arith.constant 8576 : i32
    %dma_wait3A_1281 = tpu.memref_slice %arg10[%dma_wait3A_1280] : memref<10240xf32, #tpu.memory_space<vmem>> -> memref<128xf32, #tpu.memory_space<vmem>>
    %dma_wait3A_1282 = arith.constant 0 : i32
    %dma_wait3A_1283 = tpu.memref_slice %arg8[%dma_wait3A_1279, %dma_wait3A_1282] : memref<80x128xi32, #tpu.memory_space<vmem>> -> memref<1x128xi32, #tpu.memory_space<vmem>>
    %dma_wait3A_1284 = tpu.memref_squeeze %dma_wait3A_1283 : memref<1x128xi32, #tpu.memory_space<vmem>> -> memref<128xi32, #tpu.memory_space<vmem>>
    %dma_wait3A_1285 = arith.constant 0 : i32
    %dma_wait3A_1286 = tpu.memref_slice %arg4[%dma_wait3A_1285] : memref<1000010xf32, #tpu.memory_space<hbm>> -> memref<1000010xf32, #tpu.memory_space<hbm>>
    tpu.wait_indirect_dma semaphore(%arg16 : memref<!tpu.dma_semaphore, #tpu.memory_space<semaphore_mem>>) src(%dma_wait3A_1286 : memref<1000010xf32, #tpu.memory_space<hbm>>) dst(%dma_wait3A_1281 : memref<128xf32, #tpu.memory_space<vmem>>)
    %dma_wait3A_1287 = arith.constant 68 : i32
    %dma_wait3A_1288 = arith.constant 8704 : i32
    %dma_wait3A_1289 = tpu.memref_slice %arg10[%dma_wait3A_1288] : memref<10240xf32, #tpu.memory_space<vmem>> -> memref<128xf32, #tpu.memory_space<vmem>>
    %dma_wait3A_1290 = arith.constant 0 : i32
    %dma_wait3A_1291 = tpu.memref_slice %arg8[%dma_wait3A_1287, %dma_wait3A_1290] : memref<80x128xi32, #tpu.memory_space<vmem>> -> memref<1x128xi32, #tpu.memory_space<vmem>>
    %dma_wait3A_1292 = tpu.memref_squeeze %dma_wait3A_1291 : memref<1x128xi32, #tpu.memory_space<vmem>> -> memref<128xi32, #tpu.memory_space<vmem>>
    %dma_wait3A_1293 = arith.constant 0 : i32
    %dma_wait3A_1294 = tpu.memref_slice %arg4[%dma_wait3A_1293] : memref<1000010xf32, #tpu.memory_space<hbm>> -> memref<1000010xf32, #tpu.memory_space<hbm>>
    tpu.wait_indirect_dma semaphore(%arg16 : memref<!tpu.dma_semaphore, #tpu.memory_space<semaphore_mem>>) src(%dma_wait3A_1294 : memref<1000010xf32, #tpu.memory_space<hbm>>) dst(%dma_wait3A_1289 : memref<128xf32, #tpu.memory_space<vmem>>)
    %dma_wait3A_1295 = arith.constant 69 : i32
    %dma_wait3A_1296 = arith.constant 8832 : i32
    %dma_wait3A_1297 = tpu.memref_slice %arg10[%dma_wait3A_1296] : memref<10240xf32, #tpu.memory_space<vmem>> -> memref<128xf32, #tpu.memory_space<vmem>>
    %dma_wait3A_1298 = arith.constant 0 : i32
    %dma_wait3A_1299 = tpu.memref_slice %arg8[%dma_wait3A_1295, %dma_wait3A_1298] : memref<80x128xi32, #tpu.memory_space<vmem>> -> memref<1x128xi32, #tpu.memory_space<vmem>>
    %dma_wait3A_1300 = tpu.memref_squeeze %dma_wait3A_1299 : memref<1x128xi32, #tpu.memory_space<vmem>> -> memref<128xi32, #tpu.memory_space<vmem>>
    %dma_wait3A_1301 = arith.constant 0 : i32
    %dma_wait3A_1302 = tpu.memref_slice %arg4[%dma_wait3A_1301] : memref<1000010xf32, #tpu.memory_space<hbm>> -> memref<1000010xf32, #tpu.memory_space<hbm>>
    tpu.wait_indirect_dma semaphore(%arg16 : memref<!tpu.dma_semaphore, #tpu.memory_space<semaphore_mem>>) src(%dma_wait3A_1302 : memref<1000010xf32, #tpu.memory_space<hbm>>) dst(%dma_wait3A_1297 : memref<128xf32, #tpu.memory_space<vmem>>)
    %dma_wait3A_1303 = arith.constant 70 : i32
    %dma_wait3A_1304 = arith.constant 8960 : i32
    %dma_wait3A_1305 = tpu.memref_slice %arg10[%dma_wait3A_1304] : memref<10240xf32, #tpu.memory_space<vmem>> -> memref<128xf32, #tpu.memory_space<vmem>>
    %dma_wait3A_1306 = arith.constant 0 : i32
    %dma_wait3A_1307 = tpu.memref_slice %arg8[%dma_wait3A_1303, %dma_wait3A_1306] : memref<80x128xi32, #tpu.memory_space<vmem>> -> memref<1x128xi32, #tpu.memory_space<vmem>>
    %dma_wait3A_1308 = tpu.memref_squeeze %dma_wait3A_1307 : memref<1x128xi32, #tpu.memory_space<vmem>> -> memref<128xi32, #tpu.memory_space<vmem>>
    %dma_wait3A_1309 = arith.constant 0 : i32
    %dma_wait3A_1310 = tpu.memref_slice %arg4[%dma_wait3A_1309] : memref<1000010xf32, #tpu.memory_space<hbm>> -> memref<1000010xf32, #tpu.memory_space<hbm>>
    tpu.wait_indirect_dma semaphore(%arg16 : memref<!tpu.dma_semaphore, #tpu.memory_space<semaphore_mem>>) src(%dma_wait3A_1310 : memref<1000010xf32, #tpu.memory_space<hbm>>) dst(%dma_wait3A_1305 : memref<128xf32, #tpu.memory_space<vmem>>)
    %dma_wait3A_1311 = arith.constant 71 : i32
    %dma_wait3A_1312 = arith.constant 9088 : i32
    %dma_wait3A_1313 = tpu.memref_slice %arg10[%dma_wait3A_1312] : memref<10240xf32, #tpu.memory_space<vmem>> -> memref<128xf32, #tpu.memory_space<vmem>>
    %dma_wait3A_1314 = arith.constant 0 : i32
    %dma_wait3A_1315 = tpu.memref_slice %arg8[%dma_wait3A_1311, %dma_wait3A_1314] : memref<80x128xi32, #tpu.memory_space<vmem>> -> memref<1x128xi32, #tpu.memory_space<vmem>>
    %dma_wait3A_1316 = tpu.memref_squeeze %dma_wait3A_1315 : memref<1x128xi32, #tpu.memory_space<vmem>> -> memref<128xi32, #tpu.memory_space<vmem>>
    %dma_wait3A_1317 = arith.constant 0 : i32
    %dma_wait3A_1318 = tpu.memref_slice %arg4[%dma_wait3A_1317] : memref<1000010xf32, #tpu.memory_space<hbm>> -> memref<1000010xf32, #tpu.memory_space<hbm>>
    tpu.wait_indirect_dma semaphore(%arg16 : memref<!tpu.dma_semaphore, #tpu.memory_space<semaphore_mem>>) src(%dma_wait3A_1318 : memref<1000010xf32, #tpu.memory_space<hbm>>) dst(%dma_wait3A_1313 : memref<128xf32, #tpu.memory_space<vmem>>)
    %dma_wait3A_1319 = arith.constant 72 : i32
    %dma_wait3A_1320 = arith.constant 9216 : i32
    %dma_wait3A_1321 = tpu.memref_slice %arg10[%dma_wait3A_1320] : memref<10240xf32, #tpu.memory_space<vmem>> -> memref<128xf32, #tpu.memory_space<vmem>>
    %dma_wait3A_1322 = arith.constant 0 : i32
    %dma_wait3A_1323 = tpu.memref_slice %arg8[%dma_wait3A_1319, %dma_wait3A_1322] : memref<80x128xi32, #tpu.memory_space<vmem>> -> memref<1x128xi32, #tpu.memory_space<vmem>>
    %dma_wait3A_1324 = tpu.memref_squeeze %dma_wait3A_1323 : memref<1x128xi32, #tpu.memory_space<vmem>> -> memref<128xi32, #tpu.memory_space<vmem>>
    %dma_wait3A_1325 = arith.constant 0 : i32
    %dma_wait3A_1326 = tpu.memref_slice %arg4[%dma_wait3A_1325] : memref<1000010xf32, #tpu.memory_space<hbm>> -> memref<1000010xf32, #tpu.memory_space<hbm>>
    tpu.wait_indirect_dma semaphore(%arg16 : memref<!tpu.dma_semaphore, #tpu.memory_space<semaphore_mem>>) src(%dma_wait3A_1326 : memref<1000010xf32, #tpu.memory_space<hbm>>) dst(%dma_wait3A_1321 : memref<128xf32, #tpu.memory_space<vmem>>)
    %dma_wait3A_1327 = arith.constant 73 : i32
    %dma_wait3A_1328 = arith.constant 9344 : i32
    %dma_wait3A_1329 = tpu.memref_slice %arg10[%dma_wait3A_1328] : memref<10240xf32, #tpu.memory_space<vmem>> -> memref<128xf32, #tpu.memory_space<vmem>>
    %dma_wait3A_1330 = arith.constant 0 : i32
    %dma_wait3A_1331 = tpu.memref_slice %arg8[%dma_wait3A_1327, %dma_wait3A_1330] : memref<80x128xi32, #tpu.memory_space<vmem>> -> memref<1x128xi32, #tpu.memory_space<vmem>>
    %dma_wait3A_1332 = tpu.memref_squeeze %dma_wait3A_1331 : memref<1x128xi32, #tpu.memory_space<vmem>> -> memref<128xi32, #tpu.memory_space<vmem>>
    %dma_wait3A_1333 = arith.constant 0 : i32
    %dma_wait3A_1334 = tpu.memref_slice %arg4[%dma_wait3A_1333] : memref<1000010xf32, #tpu.memory_space<hbm>> -> memref<1000010xf32, #tpu.memory_space<hbm>>
    tpu.wait_indirect_dma semaphore(%arg16 : memref<!tpu.dma_semaphore, #tpu.memory_space<semaphore_mem>>) src(%dma_wait3A_1334 : memref<1000010xf32, #tpu.memory_space<hbm>>) dst(%dma_wait3A_1329 : memref<128xf32, #tpu.memory_space<vmem>>)
    %dma_wait3A_1335 = arith.constant 74 : i32
    %dma_wait3A_1336 = arith.constant 9472 : i32
    %dma_wait3A_1337 = tpu.memref_slice %arg10[%dma_wait3A_1336] : memref<10240xf32, #tpu.memory_space<vmem>> -> memref<128xf32, #tpu.memory_space<vmem>>
    %dma_wait3A_1338 = arith.constant 0 : i32
    %dma_wait3A_1339 = tpu.memref_slice %arg8[%dma_wait3A_1335, %dma_wait3A_1338] : memref<80x128xi32, #tpu.memory_space<vmem>> -> memref<1x128xi32, #tpu.memory_space<vmem>>
    %dma_wait3A_1340 = tpu.memref_squeeze %dma_wait3A_1339 : memref<1x128xi32, #tpu.memory_space<vmem>> -> memref<128xi32, #tpu.memory_space<vmem>>
    %dma_wait3A_1341 = arith.constant 0 : i32
    %dma_wait3A_1342 = tpu.memref_slice %arg4[%dma_wait3A_1341] : memref<1000010xf32, #tpu.memory_space<hbm>> -> memref<1000010xf32, #tpu.memory_space<hbm>>
    tpu.wait_indirect_dma semaphore(%arg16 : memref<!tpu.dma_semaphore, #tpu.memory_space<semaphore_mem>>) src(%dma_wait3A_1342 : memref<1000010xf32, #tpu.memory_space<hbm>>) dst(%dma_wait3A_1337 : memref<128xf32, #tpu.memory_space<vmem>>)
    %dma_wait3A_1343 = arith.constant 75 : i32
    %dma_wait3A_1344 = arith.constant 9600 : i32
    %dma_wait3A_1345 = tpu.memref_slice %arg10[%dma_wait3A_1344] : memref<10240xf32, #tpu.memory_space<vmem>> -> memref<128xf32, #tpu.memory_space<vmem>>
    %dma_wait3A_1346 = arith.constant 0 : i32
    %dma_wait3A_1347 = tpu.memref_slice %arg8[%dma_wait3A_1343, %dma_wait3A_1346] : memref<80x128xi32, #tpu.memory_space<vmem>> -> memref<1x128xi32, #tpu.memory_space<vmem>>
    %dma_wait3A_1348 = tpu.memref_squeeze %dma_wait3A_1347 : memref<1x128xi32, #tpu.memory_space<vmem>> -> memref<128xi32, #tpu.memory_space<vmem>>
    %dma_wait3A_1349 = arith.constant 0 : i32
    %dma_wait3A_1350 = tpu.memref_slice %arg4[%dma_wait3A_1349] : memref<1000010xf32, #tpu.memory_space<hbm>> -> memref<1000010xf32, #tpu.memory_space<hbm>>
    tpu.wait_indirect_dma semaphore(%arg16 : memref<!tpu.dma_semaphore, #tpu.memory_space<semaphore_mem>>) src(%dma_wait3A_1350 : memref<1000010xf32, #tpu.memory_space<hbm>>) dst(%dma_wait3A_1345 : memref<128xf32, #tpu.memory_space<vmem>>)
    %dma_wait3A_1351 = arith.constant 76 : i32
    %dma_wait3A_1352 = arith.constant 9728 : i32
    %dma_wait3A_1353 = tpu.memref_slice %arg10[%dma_wait3A_1352] : memref<10240xf32, #tpu.memory_space<vmem>> -> memref<128xf32, #tpu.memory_space<vmem>>
    %dma_wait3A_1354 = arith.constant 0 : i32
    %dma_wait3A_1355 = tpu.memref_slice %arg8[%dma_wait3A_1351, %dma_wait3A_1354] : memref<80x128xi32, #tpu.memory_space<vmem>> -> memref<1x128xi32, #tpu.memory_space<vmem>>
    %dma_wait3A_1356 = tpu.memref_squeeze %dma_wait3A_1355 : memref<1x128xi32, #tpu.memory_space<vmem>> -> memref<128xi32, #tpu.memory_space<vmem>>
    %dma_wait3A_1357 = arith.constant 0 : i32
    %dma_wait3A_1358 = tpu.memref_slice %arg4[%dma_wait3A_1357] : memref<1000010xf32, #tpu.memory_space<hbm>> -> memref<1000010xf32, #tpu.memory_space<hbm>>
    tpu.wait_indirect_dma semaphore(%arg16 : memref<!tpu.dma_semaphore, #tpu.memory_space<semaphore_mem>>) src(%dma_wait3A_1358 : memref<1000010xf32, #tpu.memory_space<hbm>>) dst(%dma_wait3A_1353 : memref<128xf32, #tpu.memory_space<vmem>>)
    %dma_wait3A_1359 = arith.constant 77 : i32
    %dma_wait3A_1360 = arith.constant 9856 : i32
    %dma_wait3A_1361 = tpu.memref_slice %arg10[%dma_wait3A_1360] : memref<10240xf32, #tpu.memory_space<vmem>> -> memref<128xf32, #tpu.memory_space<vmem>>
    %dma_wait3A_1362 = arith.constant 0 : i32
    %dma_wait3A_1363 = tpu.memref_slice %arg8[%dma_wait3A_1359, %dma_wait3A_1362] : memref<80x128xi32, #tpu.memory_space<vmem>> -> memref<1x128xi32, #tpu.memory_space<vmem>>
    %dma_wait3A_1364 = tpu.memref_squeeze %dma_wait3A_1363 : memref<1x128xi32, #tpu.memory_space<vmem>> -> memref<128xi32, #tpu.memory_space<vmem>>
    %dma_wait3A_1365 = arith.constant 0 : i32
    %dma_wait3A_1366 = tpu.memref_slice %arg4[%dma_wait3A_1365] : memref<1000010xf32, #tpu.memory_space<hbm>> -> memref<1000010xf32, #tpu.memory_space<hbm>>
    tpu.wait_indirect_dma semaphore(%arg16 : memref<!tpu.dma_semaphore, #tpu.memory_space<semaphore_mem>>) src(%dma_wait3A_1366 : memref<1000010xf32, #tpu.memory_space<hbm>>) dst(%dma_wait3A_1361 : memref<128xf32, #tpu.memory_space<vmem>>)
    %dma_wait3A_1367 = arith.constant 78 : i32
    %dma_wait3A_1368 = arith.constant 9984 : i32
    %dma_wait3A_1369 = tpu.memref_slice %arg10[%dma_wait3A_1368] : memref<10240xf32, #tpu.memory_space<vmem>> -> memref<128xf32, #tpu.memory_space<vmem>>
    %dma_wait3A_1370 = arith.constant 0 : i32
    %dma_wait3A_1371 = tpu.memref_slice %arg8[%dma_wait3A_1367, %dma_wait3A_1370] : memref<80x128xi32, #tpu.memory_space<vmem>> -> memref<1x128xi32, #tpu.memory_space<vmem>>
    %dma_wait3A_1372 = tpu.memref_squeeze %dma_wait3A_1371 : memref<1x128xi32, #tpu.memory_space<vmem>> -> memref<128xi32, #tpu.memory_space<vmem>>
    %dma_wait3A_1373 = arith.constant 0 : i32
    %dma_wait3A_1374 = tpu.memref_slice %arg4[%dma_wait3A_1373] : memref<1000010xf32, #tpu.memory_space<hbm>> -> memref<1000010xf32, #tpu.memory_space<hbm>>
    tpu.wait_indirect_dma semaphore(%arg16 : memref<!tpu.dma_semaphore, #tpu.memory_space<semaphore_mem>>) src(%dma_wait3A_1374 : memref<1000010xf32, #tpu.memory_space<hbm>>) dst(%dma_wait3A_1369 : memref<128xf32, #tpu.memory_space<vmem>>)
    %dma_wait3A_1375 = arith.constant 79 : i32
    %dma_wait3A_1376 = arith.constant 10112 : i32
    %dma_wait3A_1377 = tpu.memref_slice %arg10[%dma_wait3A_1376] : memref<10240xf32, #tpu.memory_space<vmem>> -> memref<128xf32, #tpu.memory_space<vmem>>
    %dma_wait3A_1378 = arith.constant 0 : i32
    %dma_wait3A_1379 = tpu.memref_slice %arg8[%dma_wait3A_1375, %dma_wait3A_1378] : memref<80x128xi32, #tpu.memory_space<vmem>> -> memref<1x128xi32, #tpu.memory_space<vmem>>
    %dma_wait3A_1380 = tpu.memref_squeeze %dma_wait3A_1379 : memref<1x128xi32, #tpu.memory_space<vmem>> -> memref<128xi32, #tpu.memory_space<vmem>>
    %dma_wait3A_1381 = arith.constant 0 : i32
    %dma_wait3A_1382 = tpu.memref_slice %arg4[%dma_wait3A_1381] : memref<1000010xf32, #tpu.memory_space<hbm>> -> memref<1000010xf32, #tpu.memory_space<hbm>>
    tpu.wait_indirect_dma semaphore(%arg16 : memref<!tpu.dma_semaphore, #tpu.memory_space<semaphore_mem>>) src(%dma_wait3A_1382 : memref<1000010xf32, #tpu.memory_space<hbm>>) dst(%dma_wait3A_1377 : memref<128xf32, #tpu.memory_space<vmem>>)
    %mul3A_1383 = arith.constant 1024 : i32
    %mul3A_1384 = arith.muli %arg1, %mul3A_1383 : i32
    %mul3A_1385 = arith.constant 10 : i32
    %mul3A_1386 = arith.muli %mul3A_1384, %mul3A_1385 : i32
    %dma_start3A_1387 = tpu.memref_slice %arg6[%mul3A_1386] : memref<163840xf32, #tpu.memory_space<hbm>> -> memref<10240xf32, #tpu.memory_space<hbm>>
    %dma_start3A_1388 = tpu.memref_slice %arg6[%mul3A_1386] : memref<163840xf32, #tpu.memory_space<hbm>> -> memref<10240xf32, #tpu.memory_space<hbm>>
    tpu.enqueue_dma source(%arg10 : memref<10240xf32, #tpu.memory_space<vmem>>) target(%dma_start3A_1388 : memref<10240xf32, #tpu.memory_space<hbm>>) target_semaphore(%arg18 : memref<!tpu.dma_semaphore, #tpu.memory_space<semaphore_mem>>)
    %dma_wait3A_1389 = arith.constant 0 : i32
    %dma_wait3A_1390 = arith.constant 0 : i32
    %dma_wait3A_1391 = arith.constant 0 : i32
    %dma_wait3A_1392 = tpu.memref_slice %arg11[%dma_wait3A_1390, %dma_wait3A_1391] : memref<1024x16xf32, #tpu.memory_space<vmem>> -> memref<128x16xf32, #tpu.memory_space<vmem>>
    %dma_wait3A_1393 = arith.constant 0 : i32
    %dma_wait3A_1394 = tpu.memref_slice %arg9[%dma_wait3A_1389, %dma_wait3A_1393] : memref<8x128xi32, #tpu.memory_space<vmem>> -> memref<1x128xi32, #tpu.memory_space<vmem>>
    %dma_wait3A_1395 = tpu.memref_squeeze %dma_wait3A_1394 : memref<1x128xi32, #tpu.memory_space<vmem>> -> memref<128xi32, #tpu.memory_space<vmem>>
    %dma_wait3A_1396 = arith.constant 0 : i32
    %dma_wait3A_1397 = arith.constant 0 : i32
    %dma_wait3A_1398 = tpu.memref_slice %arg12[%dma_wait3A_1396, %dma_wait3A_1397] : memref<240x16xf32, #tpu.memory_space<vmem_shared>> -> memref<240x16xf32, #tpu.memory_space<vmem_shared>>
    tpu.wait_indirect_dma semaphore(%arg17 : memref<!tpu.dma_semaphore, #tpu.memory_space<semaphore_mem>>) src(%dma_wait3A_1398 : memref<240x16xf32, #tpu.memory_space<vmem_shared>>) dst(%dma_wait3A_1392 : memref<128x16xf32, #tpu.memory_space<vmem>>)
    %mul3A_1399 = arith.constant 1024 : i32
    %mul3A_1400 = arith.muli %arg1, %mul3A_1399 : i32
    %add3A = arith.constant 0 : i32
    %add3A_1401 = arith.addi %mul3A_1400, %add3A : i32
    %dma_start3A_1402 = arith.constant 0 : i32
    %dma_start3A_1403 = arith.constant 0 : i32
    %dma_start3A_1404 = tpu.memref_slice %arg11[%dma_start3A_1402, %dma_start3A_1403] : memref<1024x16xf32, #tpu.memory_space<vmem>> -> memref<128x16xf32, #tpu.memory_space<vmem>>
    %dma_start3A_1405 = arith.constant 0 : i32
    %dma_start3A_1406 = tpu.memref_slice %arg7[%add3A_1401, %dma_start3A_1405] : memref<16384x16xf32, #tpu.memory_space<hbm>> -> memref<128x16xf32, #tpu.memory_space<hbm>>
    %dma_start3A_1407 = arith.constant 0 : i32
    %dma_start3A_1408 = tpu.memref_slice %arg7[%add3A_1401, %dma_start3A_1407] : memref<16384x16xf32, #tpu.memory_space<hbm>> -> memref<128x16xf32, #tpu.memory_space<hbm>>
    %dma_start3A_1409 = arith.constant 0 : i32
    %dma_start3A_1410 = arith.constant 0 : i32
    %dma_start3A_1411 = tpu.memref_slice %arg11[%dma_start3A_1409, %dma_start3A_1410] : memref<1024x16xf32, #tpu.memory_space<vmem>> -> memref<128x16xf32, #tpu.memory_space<vmem>>
    tpu.enqueue_dma source(%dma_start3A_1411 : memref<128x16xf32, #tpu.memory_space<vmem>>) target(%dma_start3A_1408 : memref<128x16xf32, #tpu.memory_space<hbm>>) target_semaphore(%arg18 : memref<!tpu.dma_semaphore, #tpu.memory_space<semaphore_mem>>)
    %dma_wait3A_1412 = arith.constant 1 : i32
    %dma_wait3A_1413 = arith.constant 128 : i32
    %dma_wait3A_1414 = arith.constant 0 : i32
    %dma_wait3A_1415 = tpu.memref_slice %arg11[%dma_wait3A_1413, %dma_wait3A_1414] : memref<1024x16xf32, #tpu.memory_space<vmem>> -> memref<128x16xf32, #tpu.memory_space<vmem>>
    %dma_wait3A_1416 = arith.constant 0 : i32
    %dma_wait3A_1417 = tpu.memref_slice %arg9[%dma_wait3A_1412, %dma_wait3A_1416] : memref<8x128xi32, #tpu.memory_space<vmem>> -> memref<1x128xi32, #tpu.memory_space<vmem>>
    %dma_wait3A_1418 = tpu.memref_squeeze %dma_wait3A_1417 : memref<1x128xi32, #tpu.memory_space<vmem>> -> memref<128xi32, #tpu.memory_space<vmem>>
    %dma_wait3A_1419 = arith.constant 0 : i32
    %dma_wait3A_1420 = arith.constant 0 : i32
    %dma_wait3A_1421 = tpu.memref_slice %arg12[%dma_wait3A_1419, %dma_wait3A_1420] : memref<240x16xf32, #tpu.memory_space<vmem_shared>> -> memref<240x16xf32, #tpu.memory_space<vmem_shared>>
    tpu.wait_indirect_dma semaphore(%arg17 : memref<!tpu.dma_semaphore, #tpu.memory_space<semaphore_mem>>) src(%dma_wait3A_1421 : memref<240x16xf32, #tpu.memory_space<vmem_shared>>) dst(%dma_wait3A_1415 : memref<128x16xf32, #tpu.memory_space<vmem>>)
    %mul3A_1422 = arith.constant 1024 : i32
    %mul3A_1423 = arith.muli %arg1, %mul3A_1422 : i32
    %add3A_1424 = arith.constant 128 : i32
    %add3A_1425 = arith.addi %mul3A_1423, %add3A_1424 : i32
    %dma_start3A_1426 = arith.constant 128 : i32
    %dma_start3A_1427 = arith.constant 0 : i32
    %dma_start3A_1428 = tpu.memref_slice %arg11[%dma_start3A_1426, %dma_start3A_1427] : memref<1024x16xf32, #tpu.memory_space<vmem>> -> memref<128x16xf32, #tpu.memory_space<vmem>>
    %dma_start3A_1429 = arith.constant 0 : i32
    %dma_start3A_1430 = tpu.memref_slice %arg7[%add3A_1425, %dma_start3A_1429] : memref<16384x16xf32, #tpu.memory_space<hbm>> -> memref<128x16xf32, #tpu.memory_space<hbm>>
    %dma_start3A_1431 = arith.constant 0 : i32
    %dma_start3A_1432 = tpu.memref_slice %arg7[%add3A_1425, %dma_start3A_1431] : memref<16384x16xf32, #tpu.memory_space<hbm>> -> memref<128x16xf32, #tpu.memory_space<hbm>>
    %dma_start3A_1433 = arith.constant 128 : i32
    %dma_start3A_1434 = arith.constant 0 : i32
    %dma_start3A_1435 = tpu.memref_slice %arg11[%dma_start3A_1433, %dma_start3A_1434] : memref<1024x16xf32, #tpu.memory_space<vmem>> -> memref<128x16xf32, #tpu.memory_space<vmem>>
    tpu.enqueue_dma source(%dma_start3A_1435 : memref<128x16xf32, #tpu.memory_space<vmem>>) target(%dma_start3A_1432 : memref<128x16xf32, #tpu.memory_space<hbm>>) target_semaphore(%arg18 : memref<!tpu.dma_semaphore, #tpu.memory_space<semaphore_mem>>)
    %dma_wait3A_1436 = arith.constant 2 : i32
    %dma_wait3A_1437 = arith.constant 256 : i32
    %dma_wait3A_1438 = arith.constant 0 : i32
    %dma_wait3A_1439 = tpu.memref_slice %arg11[%dma_wait3A_1437, %dma_wait3A_1438] : memref<1024x16xf32, #tpu.memory_space<vmem>> -> memref<128x16xf32, #tpu.memory_space<vmem>>
    %dma_wait3A_1440 = arith.constant 0 : i32
    %dma_wait3A_1441 = tpu.memref_slice %arg9[%dma_wait3A_1436, %dma_wait3A_1440] : memref<8x128xi32, #tpu.memory_space<vmem>> -> memref<1x128xi32, #tpu.memory_space<vmem>>
    %dma_wait3A_1442 = tpu.memref_squeeze %dma_wait3A_1441 : memref<1x128xi32, #tpu.memory_space<vmem>> -> memref<128xi32, #tpu.memory_space<vmem>>
    %dma_wait3A_1443 = arith.constant 0 : i32
    %dma_wait3A_1444 = arith.constant 0 : i32
    %dma_wait3A_1445 = tpu.memref_slice %arg12[%dma_wait3A_1443, %dma_wait3A_1444] : memref<240x16xf32, #tpu.memory_space<vmem_shared>> -> memref<240x16xf32, #tpu.memory_space<vmem_shared>>
    tpu.wait_indirect_dma semaphore(%arg17 : memref<!tpu.dma_semaphore, #tpu.memory_space<semaphore_mem>>) src(%dma_wait3A_1445 : memref<240x16xf32, #tpu.memory_space<vmem_shared>>) dst(%dma_wait3A_1439 : memref<128x16xf32, #tpu.memory_space<vmem>>)
    %mul3A_1446 = arith.constant 1024 : i32
    %mul3A_1447 = arith.muli %arg1, %mul3A_1446 : i32
    %add3A_1448 = arith.constant 256 : i32
    %add3A_1449 = arith.addi %mul3A_1447, %add3A_1448 : i32
    %dma_start3A_1450 = arith.constant 256 : i32
    %dma_start3A_1451 = arith.constant 0 : i32
    %dma_start3A_1452 = tpu.memref_slice %arg11[%dma_start3A_1450, %dma_start3A_1451] : memref<1024x16xf32, #tpu.memory_space<vmem>> -> memref<128x16xf32, #tpu.memory_space<vmem>>
    %dma_start3A_1453 = arith.constant 0 : i32
    %dma_start3A_1454 = tpu.memref_slice %arg7[%add3A_1449, %dma_start3A_1453] : memref<16384x16xf32, #tpu.memory_space<hbm>> -> memref<128x16xf32, #tpu.memory_space<hbm>>
    %dma_start3A_1455 = arith.constant 0 : i32
    %dma_start3A_1456 = tpu.memref_slice %arg7[%add3A_1449, %dma_start3A_1455] : memref<16384x16xf32, #tpu.memory_space<hbm>> -> memref<128x16xf32, #tpu.memory_space<hbm>>
    %dma_start3A_1457 = arith.constant 256 : i32
    %dma_start3A_1458 = arith.constant 0 : i32
    %dma_start3A_1459 = tpu.memref_slice %arg11[%dma_start3A_1457, %dma_start3A_1458] : memref<1024x16xf32, #tpu.memory_space<vmem>> -> memref<128x16xf32, #tpu.memory_space<vmem>>
    tpu.enqueue_dma source(%dma_start3A_1459 : memref<128x16xf32, #tpu.memory_space<vmem>>) target(%dma_start3A_1456 : memref<128x16xf32, #tpu.memory_space<hbm>>) target_semaphore(%arg18 : memref<!tpu.dma_semaphore, #tpu.memory_space<semaphore_mem>>)
    %dma_wait3A_1460 = arith.constant 3 : i32
    %dma_wait3A_1461 = arith.constant 384 : i32
    %dma_wait3A_1462 = arith.constant 0 : i32
    %dma_wait3A_1463 = tpu.memref_slice %arg11[%dma_wait3A_1461, %dma_wait3A_1462] : memref<1024x16xf32, #tpu.memory_space<vmem>> -> memref<128x16xf32, #tpu.memory_space<vmem>>
    %dma_wait3A_1464 = arith.constant 0 : i32
    %dma_wait3A_1465 = tpu.memref_slice %arg9[%dma_wait3A_1460, %dma_wait3A_1464] : memref<8x128xi32, #tpu.memory_space<vmem>> -> memref<1x128xi32, #tpu.memory_space<vmem>>
    %dma_wait3A_1466 = tpu.memref_squeeze %dma_wait3A_1465 : memref<1x128xi32, #tpu.memory_space<vmem>> -> memref<128xi32, #tpu.memory_space<vmem>>
    %dma_wait3A_1467 = arith.constant 0 : i32
    %dma_wait3A_1468 = arith.constant 0 : i32
    %dma_wait3A_1469 = tpu.memref_slice %arg12[%dma_wait3A_1467, %dma_wait3A_1468] : memref<240x16xf32, #tpu.memory_space<vmem_shared>> -> memref<240x16xf32, #tpu.memory_space<vmem_shared>>
    tpu.wait_indirect_dma semaphore(%arg17 : memref<!tpu.dma_semaphore, #tpu.memory_space<semaphore_mem>>) src(%dma_wait3A_1469 : memref<240x16xf32, #tpu.memory_space<vmem_shared>>) dst(%dma_wait3A_1463 : memref<128x16xf32, #tpu.memory_space<vmem>>)
    %mul3A_1470 = arith.constant 1024 : i32
    %mul3A_1471 = arith.muli %arg1, %mul3A_1470 : i32
    %add3A_1472 = arith.constant 384 : i32
    %add3A_1473 = arith.addi %mul3A_1471, %add3A_1472 : i32
    %dma_start3A_1474 = arith.constant 384 : i32
    %dma_start3A_1475 = arith.constant 0 : i32
    %dma_start3A_1476 = tpu.memref_slice %arg11[%dma_start3A_1474, %dma_start3A_1475] : memref<1024x16xf32, #tpu.memory_space<vmem>> -> memref<128x16xf32, #tpu.memory_space<vmem>>
    %dma_start3A_1477 = arith.constant 0 : i32
    %dma_start3A_1478 = tpu.memref_slice %arg7[%add3A_1473, %dma_start3A_1477] : memref<16384x16xf32, #tpu.memory_space<hbm>> -> memref<128x16xf32, #tpu.memory_space<hbm>>
    %dma_start3A_1479 = arith.constant 0 : i32
    %dma_start3A_1480 = tpu.memref_slice %arg7[%add3A_1473, %dma_start3A_1479] : memref<16384x16xf32, #tpu.memory_space<hbm>> -> memref<128x16xf32, #tpu.memory_space<hbm>>
    %dma_start3A_1481 = arith.constant 384 : i32
    %dma_start3A_1482 = arith.constant 0 : i32
    %dma_start3A_1483 = tpu.memref_slice %arg11[%dma_start3A_1481, %dma_start3A_1482] : memref<1024x16xf32, #tpu.memory_space<vmem>> -> memref<128x16xf32, #tpu.memory_space<vmem>>
    tpu.enqueue_dma source(%dma_start3A_1483 : memref<128x16xf32, #tpu.memory_space<vmem>>) target(%dma_start3A_1480 : memref<128x16xf32, #tpu.memory_space<hbm>>) target_semaphore(%arg18 : memref<!tpu.dma_semaphore, #tpu.memory_space<semaphore_mem>>)
    %dma_wait3A_1484 = arith.constant 4 : i32
    %dma_wait3A_1485 = arith.constant 512 : i32
    %dma_wait3A_1486 = arith.constant 0 : i32
    %dma_wait3A_1487 = tpu.memref_slice %arg11[%dma_wait3A_1485, %dma_wait3A_1486] : memref<1024x16xf32, #tpu.memory_space<vmem>> -> memref<128x16xf32, #tpu.memory_space<vmem>>
    %dma_wait3A_1488 = arith.constant 0 : i32
    %dma_wait3A_1489 = tpu.memref_slice %arg9[%dma_wait3A_1484, %dma_wait3A_1488] : memref<8x128xi32, #tpu.memory_space<vmem>> -> memref<1x128xi32, #tpu.memory_space<vmem>>
    %dma_wait3A_1490 = tpu.memref_squeeze %dma_wait3A_1489 : memref<1x128xi32, #tpu.memory_space<vmem>> -> memref<128xi32, #tpu.memory_space<vmem>>
    %dma_wait3A_1491 = arith.constant 0 : i32
    %dma_wait3A_1492 = arith.constant 0 : i32
    %dma_wait3A_1493 = tpu.memref_slice %arg12[%dma_wait3A_1491, %dma_wait3A_1492] : memref<240x16xf32, #tpu.memory_space<vmem_shared>> -> memref<240x16xf32, #tpu.memory_space<vmem_shared>>
    tpu.wait_indirect_dma semaphore(%arg17 : memref<!tpu.dma_semaphore, #tpu.memory_space<semaphore_mem>>) src(%dma_wait3A_1493 : memref<240x16xf32, #tpu.memory_space<vmem_shared>>) dst(%dma_wait3A_1487 : memref<128x16xf32, #tpu.memory_space<vmem>>)
    %mul3A_1494 = arith.constant 1024 : i32
    %mul3A_1495 = arith.muli %arg1, %mul3A_1494 : i32
    %add3A_1496 = arith.constant 512 : i32
    %add3A_1497 = arith.addi %mul3A_1495, %add3A_1496 : i32
    %dma_start3A_1498 = arith.constant 512 : i32
    %dma_start3A_1499 = arith.constant 0 : i32
    %dma_start3A_1500 = tpu.memref_slice %arg11[%dma_start3A_1498, %dma_start3A_1499] : memref<1024x16xf32, #tpu.memory_space<vmem>> -> memref<128x16xf32, #tpu.memory_space<vmem>>
    %dma_start3A_1501 = arith.constant 0 : i32
    %dma_start3A_1502 = tpu.memref_slice %arg7[%add3A_1497, %dma_start3A_1501] : memref<16384x16xf32, #tpu.memory_space<hbm>> -> memref<128x16xf32, #tpu.memory_space<hbm>>
    %dma_start3A_1503 = arith.constant 0 : i32
    %dma_start3A_1504 = tpu.memref_slice %arg7[%add3A_1497, %dma_start3A_1503] : memref<16384x16xf32, #tpu.memory_space<hbm>> -> memref<128x16xf32, #tpu.memory_space<hbm>>
    %dma_start3A_1505 = arith.constant 512 : i32
    %dma_start3A_1506 = arith.constant 0 : i32
    %dma_start3A_1507 = tpu.memref_slice %arg11[%dma_start3A_1505, %dma_start3A_1506] : memref<1024x16xf32, #tpu.memory_space<vmem>> -> memref<128x16xf32, #tpu.memory_space<vmem>>
    tpu.enqueue_dma source(%dma_start3A_1507 : memref<128x16xf32, #tpu.memory_space<vmem>>) target(%dma_start3A_1504 : memref<128x16xf32, #tpu.memory_space<hbm>>) target_semaphore(%arg18 : memref<!tpu.dma_semaphore, #tpu.memory_space<semaphore_mem>>)
    %dma_wait3A_1508 = arith.constant 5 : i32
    %dma_wait3A_1509 = arith.constant 640 : i32
    %dma_wait3A_1510 = arith.constant 0 : i32
    %dma_wait3A_1511 = tpu.memref_slice %arg11[%dma_wait3A_1509, %dma_wait3A_1510] : memref<1024x16xf32, #tpu.memory_space<vmem>> -> memref<128x16xf32, #tpu.memory_space<vmem>>
    %dma_wait3A_1512 = arith.constant 0 : i32
    %dma_wait3A_1513 = tpu.memref_slice %arg9[%dma_wait3A_1508, %dma_wait3A_1512] : memref<8x128xi32, #tpu.memory_space<vmem>> -> memref<1x128xi32, #tpu.memory_space<vmem>>
    %dma_wait3A_1514 = tpu.memref_squeeze %dma_wait3A_1513 : memref<1x128xi32, #tpu.memory_space<vmem>> -> memref<128xi32, #tpu.memory_space<vmem>>
    %dma_wait3A_1515 = arith.constant 0 : i32
    %dma_wait3A_1516 = arith.constant 0 : i32
    %dma_wait3A_1517 = tpu.memref_slice %arg12[%dma_wait3A_1515, %dma_wait3A_1516] : memref<240x16xf32, #tpu.memory_space<vmem_shared>> -> memref<240x16xf32, #tpu.memory_space<vmem_shared>>
    tpu.wait_indirect_dma semaphore(%arg17 : memref<!tpu.dma_semaphore, #tpu.memory_space<semaphore_mem>>) src(%dma_wait3A_1517 : memref<240x16xf32, #tpu.memory_space<vmem_shared>>) dst(%dma_wait3A_1511 : memref<128x16xf32, #tpu.memory_space<vmem>>)
    %mul3A_1518 = arith.constant 1024 : i32
    %mul3A_1519 = arith.muli %arg1, %mul3A_1518 : i32
    %add3A_1520 = arith.constant 640 : i32
    %add3A_1521 = arith.addi %mul3A_1519, %add3A_1520 : i32
    %dma_start3A_1522 = arith.constant 640 : i32
    %dma_start3A_1523 = arith.constant 0 : i32
    %dma_start3A_1524 = tpu.memref_slice %arg11[%dma_start3A_1522, %dma_start3A_1523] : memref<1024x16xf32, #tpu.memory_space<vmem>> -> memref<128x16xf32, #tpu.memory_space<vmem>>
    %dma_start3A_1525 = arith.constant 0 : i32
    %dma_start3A_1526 = tpu.memref_slice %arg7[%add3A_1521, %dma_start3A_1525] : memref<16384x16xf32, #tpu.memory_space<hbm>> -> memref<128x16xf32, #tpu.memory_space<hbm>>
    %dma_start3A_1527 = arith.constant 0 : i32
    %dma_start3A_1528 = tpu.memref_slice %arg7[%add3A_1521, %dma_start3A_1527] : memref<16384x16xf32, #tpu.memory_space<hbm>> -> memref<128x16xf32, #tpu.memory_space<hbm>>
    %dma_start3A_1529 = arith.constant 640 : i32
    %dma_start3A_1530 = arith.constant 0 : i32
    %dma_start3A_1531 = tpu.memref_slice %arg11[%dma_start3A_1529, %dma_start3A_1530] : memref<1024x16xf32, #tpu.memory_space<vmem>> -> memref<128x16xf32, #tpu.memory_space<vmem>>
    tpu.enqueue_dma source(%dma_start3A_1531 : memref<128x16xf32, #tpu.memory_space<vmem>>) target(%dma_start3A_1528 : memref<128x16xf32, #tpu.memory_space<hbm>>) target_semaphore(%arg18 : memref<!tpu.dma_semaphore, #tpu.memory_space<semaphore_mem>>)
    %dma_wait3A_1532 = arith.constant 6 : i32
    %dma_wait3A_1533 = arith.constant 768 : i32
    %dma_wait3A_1534 = arith.constant 0 : i32
    %dma_wait3A_1535 = tpu.memref_slice %arg11[%dma_wait3A_1533, %dma_wait3A_1534] : memref<1024x16xf32, #tpu.memory_space<vmem>> -> memref<128x16xf32, #tpu.memory_space<vmem>>
    %dma_wait3A_1536 = arith.constant 0 : i32
    %dma_wait3A_1537 = tpu.memref_slice %arg9[%dma_wait3A_1532, %dma_wait3A_1536] : memref<8x128xi32, #tpu.memory_space<vmem>> -> memref<1x128xi32, #tpu.memory_space<vmem>>
    %dma_wait3A_1538 = tpu.memref_squeeze %dma_wait3A_1537 : memref<1x128xi32, #tpu.memory_space<vmem>> -> memref<128xi32, #tpu.memory_space<vmem>>
    %dma_wait3A_1539 = arith.constant 0 : i32
    %dma_wait3A_1540 = arith.constant 0 : i32
    %dma_wait3A_1541 = tpu.memref_slice %arg12[%dma_wait3A_1539, %dma_wait3A_1540] : memref<240x16xf32, #tpu.memory_space<vmem_shared>> -> memref<240x16xf32, #tpu.memory_space<vmem_shared>>
    tpu.wait_indirect_dma semaphore(%arg17 : memref<!tpu.dma_semaphore, #tpu.memory_space<semaphore_mem>>) src(%dma_wait3A_1541 : memref<240x16xf32, #tpu.memory_space<vmem_shared>>) dst(%dma_wait3A_1535 : memref<128x16xf32, #tpu.memory_space<vmem>>)
    %mul3A_1542 = arith.constant 1024 : i32
    %mul3A_1543 = arith.muli %arg1, %mul3A_1542 : i32
    %add3A_1544 = arith.constant 768 : i32
    %add3A_1545 = arith.addi %mul3A_1543, %add3A_1544 : i32
    %dma_start3A_1546 = arith.constant 768 : i32
    %dma_start3A_1547 = arith.constant 0 : i32
    %dma_start3A_1548 = tpu.memref_slice %arg11[%dma_start3A_1546, %dma_start3A_1547] : memref<1024x16xf32, #tpu.memory_space<vmem>> -> memref<128x16xf32, #tpu.memory_space<vmem>>
    %dma_start3A_1549 = arith.constant 0 : i32
    %dma_start3A_1550 = tpu.memref_slice %arg7[%add3A_1545, %dma_start3A_1549] : memref<16384x16xf32, #tpu.memory_space<hbm>> -> memref<128x16xf32, #tpu.memory_space<hbm>>
    %dma_start3A_1551 = arith.constant 0 : i32
    %dma_start3A_1552 = tpu.memref_slice %arg7[%add3A_1545, %dma_start3A_1551] : memref<16384x16xf32, #tpu.memory_space<hbm>> -> memref<128x16xf32, #tpu.memory_space<hbm>>
    %dma_start3A_1553 = arith.constant 768 : i32
    %dma_start3A_1554 = arith.constant 0 : i32
    %dma_start3A_1555 = tpu.memref_slice %arg11[%dma_start3A_1553, %dma_start3A_1554] : memref<1024x16xf32, #tpu.memory_space<vmem>> -> memref<128x16xf32, #tpu.memory_space<vmem>>
    tpu.enqueue_dma source(%dma_start3A_1555 : memref<128x16xf32, #tpu.memory_space<vmem>>) target(%dma_start3A_1552 : memref<128x16xf32, #tpu.memory_space<hbm>>) target_semaphore(%arg18 : memref<!tpu.dma_semaphore, #tpu.memory_space<semaphore_mem>>)
    %dma_wait3A_1556 = arith.constant 7 : i32
    %dma_wait3A_1557 = arith.constant 896 : i32
    %dma_wait3A_1558 = arith.constant 0 : i32
    %dma_wait3A_1559 = tpu.memref_slice %arg11[%dma_wait3A_1557, %dma_wait3A_1558] : memref<1024x16xf32, #tpu.memory_space<vmem>> -> memref<128x16xf32, #tpu.memory_space<vmem>>
    %dma_wait3A_1560 = arith.constant 0 : i32
    %dma_wait3A_1561 = tpu.memref_slice %arg9[%dma_wait3A_1556, %dma_wait3A_1560] : memref<8x128xi32, #tpu.memory_space<vmem>> -> memref<1x128xi32, #tpu.memory_space<vmem>>
    %dma_wait3A_1562 = tpu.memref_squeeze %dma_wait3A_1561 : memref<1x128xi32, #tpu.memory_space<vmem>> -> memref<128xi32, #tpu.memory_space<vmem>>
    %dma_wait3A_1563 = arith.constant 0 : i32
    %dma_wait3A_1564 = arith.constant 0 : i32
    %dma_wait3A_1565 = tpu.memref_slice %arg12[%dma_wait3A_1563, %dma_wait3A_1564] : memref<240x16xf32, #tpu.memory_space<vmem_shared>> -> memref<240x16xf32, #tpu.memory_space<vmem_shared>>
    tpu.wait_indirect_dma semaphore(%arg17 : memref<!tpu.dma_semaphore, #tpu.memory_space<semaphore_mem>>) src(%dma_wait3A_1565 : memref<240x16xf32, #tpu.memory_space<vmem_shared>>) dst(%dma_wait3A_1559 : memref<128x16xf32, #tpu.memory_space<vmem>>)
    %mul3A_1566 = arith.constant 1024 : i32
    %mul3A_1567 = arith.muli %arg1, %mul3A_1566 : i32
    %add3A_1568 = arith.constant 896 : i32
    %add3A_1569 = arith.addi %mul3A_1567, %add3A_1568 : i32
    %dma_start3A_1570 = arith.constant 896 : i32
    %dma_start3A_1571 = arith.constant 0 : i32
    %dma_start3A_1572 = tpu.memref_slice %arg11[%dma_start3A_1570, %dma_start3A_1571] : memref<1024x16xf32, #tpu.memory_space<vmem>> -> memref<128x16xf32, #tpu.memory_space<vmem>>
    %dma_start3A_1573 = arith.constant 0 : i32
    %dma_start3A_1574 = tpu.memref_slice %arg7[%add3A_1569, %dma_start3A_1573] : memref<16384x16xf32, #tpu.memory_space<hbm>> -> memref<128x16xf32, #tpu.memory_space<hbm>>
    %dma_start3A_1575 = arith.constant 0 : i32
    %dma_start3A_1576 = tpu.memref_slice %arg7[%add3A_1569, %dma_start3A_1575] : memref<16384x16xf32, #tpu.memory_space<hbm>> -> memref<128x16xf32, #tpu.memory_space<hbm>>
    %dma_start3A_1577 = arith.constant 896 : i32
    %dma_start3A_1578 = arith.constant 0 : i32
    %dma_start3A_1579 = tpu.memref_slice %arg11[%dma_start3A_1577, %dma_start3A_1578] : memref<1024x16xf32, #tpu.memory_space<vmem>> -> memref<128x16xf32, #tpu.memory_space<vmem>>
    tpu.enqueue_dma source(%dma_start3A_1579 : memref<128x16xf32, #tpu.memory_space<vmem>>) target(%dma_start3A_1576 : memref<128x16xf32, #tpu.memory_space<hbm>>) target_semaphore(%arg18 : memref<!tpu.dma_semaphore, #tpu.memory_space<semaphore_mem>>)
    %dma_wait3A_1580 = tpu.memref_slice %arg6[%mul3A_1386] : memref<163840xf32, #tpu.memory_space<hbm>> -> memref<10240xf32, #tpu.memory_space<hbm>>
    %dma_wait3A_1581 = tpu.memref_slice %arg6[%mul3A_1386] : memref<163840xf32, #tpu.memory_space<hbm>> -> memref<10240xf32, #tpu.memory_space<hbm>>
    tpu.wait_dma2 semaphore(%arg18 : memref<!tpu.dma_semaphore, #tpu.memory_space<semaphore_mem>>) src(%arg10 : memref<10240xf32, #tpu.memory_space<vmem>>) dst(%dma_wait3A_1581 : memref<10240xf32, #tpu.memory_space<hbm>>)
    %dma_wait3A_1582 = arith.constant 0 : i32
    %dma_wait3A_1583 = arith.constant 0 : i32
    %dma_wait3A_1584 = tpu.memref_slice %arg11[%dma_wait3A_1582, %dma_wait3A_1583] : memref<1024x16xf32, #tpu.memory_space<vmem>> -> memref<128x16xf32, #tpu.memory_space<vmem>>
    %dma_wait3A_1585 = arith.constant 0 : i32
    %dma_wait3A_1586 = tpu.memref_slice %arg7[%add3A_1401, %dma_wait3A_1585] : memref<16384x16xf32, #tpu.memory_space<hbm>> -> memref<128x16xf32, #tpu.memory_space<hbm>>
    %dma_wait3A_1587 = arith.constant 0 : i32
    %dma_wait3A_1588 = tpu.memref_slice %arg7[%add3A_1401, %dma_wait3A_1587] : memref<16384x16xf32, #tpu.memory_space<hbm>> -> memref<128x16xf32, #tpu.memory_space<hbm>>
    %dma_wait3A_1589 = arith.constant 0 : i32
    %dma_wait3A_1590 = arith.constant 0 : i32
    %dma_wait3A_1591 = tpu.memref_slice %arg11[%dma_wait3A_1589, %dma_wait3A_1590] : memref<1024x16xf32, #tpu.memory_space<vmem>> -> memref<128x16xf32, #tpu.memory_space<vmem>>
    tpu.wait_dma2 semaphore(%arg18 : memref<!tpu.dma_semaphore, #tpu.memory_space<semaphore_mem>>) src(%dma_wait3A_1591 : memref<128x16xf32, #tpu.memory_space<vmem>>) dst(%dma_wait3A_1588 : memref<128x16xf32, #tpu.memory_space<hbm>>)
    %dma_wait3A_1592 = arith.constant 128 : i32
    %dma_wait3A_1593 = arith.constant 0 : i32
    %dma_wait3A_1594 = tpu.memref_slice %arg11[%dma_wait3A_1592, %dma_wait3A_1593] : memref<1024x16xf32, #tpu.memory_space<vmem>> -> memref<128x16xf32, #tpu.memory_space<vmem>>
    %dma_wait3A_1595 = arith.constant 0 : i32
    %dma_wait3A_1596 = tpu.memref_slice %arg7[%add3A_1425, %dma_wait3A_1595] : memref<16384x16xf32, #tpu.memory_space<hbm>> -> memref<128x16xf32, #tpu.memory_space<hbm>>
    %dma_wait3A_1597 = arith.constant 0 : i32
    %dma_wait3A_1598 = tpu.memref_slice %arg7[%add3A_1425, %dma_wait3A_1597] : memref<16384x16xf32, #tpu.memory_space<hbm>> -> memref<128x16xf32, #tpu.memory_space<hbm>>
    %dma_wait3A_1599 = arith.constant 128 : i32
    %dma_wait3A_1600 = arith.constant 0 : i32
    %dma_wait3A_1601 = tpu.memref_slice %arg11[%dma_wait3A_1599, %dma_wait3A_1600] : memref<1024x16xf32, #tpu.memory_space<vmem>> -> memref<128x16xf32, #tpu.memory_space<vmem>>
    tpu.wait_dma2 semaphore(%arg18 : memref<!tpu.dma_semaphore, #tpu.memory_space<semaphore_mem>>) src(%dma_wait3A_1601 : memref<128x16xf32, #tpu.memory_space<vmem>>) dst(%dma_wait3A_1598 : memref<128x16xf32, #tpu.memory_space<hbm>>)
    %dma_wait3A_1602 = arith.constant 256 : i32
    %dma_wait3A_1603 = arith.constant 0 : i32
    %dma_wait3A_1604 = tpu.memref_slice %arg11[%dma_wait3A_1602, %dma_wait3A_1603] : memref<1024x16xf32, #tpu.memory_space<vmem>> -> memref<128x16xf32, #tpu.memory_space<vmem>>
    %dma_wait3A_1605 = arith.constant 0 : i32
    %dma_wait3A_1606 = tpu.memref_slice %arg7[%add3A_1449, %dma_wait3A_1605] : memref<16384x16xf32, #tpu.memory_space<hbm>> -> memref<128x16xf32, #tpu.memory_space<hbm>>
    %dma_wait3A_1607 = arith.constant 0 : i32
    %dma_wait3A_1608 = tpu.memref_slice %arg7[%add3A_1449, %dma_wait3A_1607] : memref<16384x16xf32, #tpu.memory_space<hbm>> -> memref<128x16xf32, #tpu.memory_space<hbm>>
    %dma_wait3A_1609 = arith.constant 256 : i32
    %dma_wait3A_1610 = arith.constant 0 : i32
    %dma_wait3A_1611 = tpu.memref_slice %arg11[%dma_wait3A_1609, %dma_wait3A_1610] : memref<1024x16xf32, #tpu.memory_space<vmem>> -> memref<128x16xf32, #tpu.memory_space<vmem>>
    tpu.wait_dma2 semaphore(%arg18 : memref<!tpu.dma_semaphore, #tpu.memory_space<semaphore_mem>>) src(%dma_wait3A_1611 : memref<128x16xf32, #tpu.memory_space<vmem>>) dst(%dma_wait3A_1608 : memref<128x16xf32, #tpu.memory_space<hbm>>)
    %dma_wait3A_1612 = arith.constant 384 : i32
    %dma_wait3A_1613 = arith.constant 0 : i32
    %dma_wait3A_1614 = tpu.memref_slice %arg11[%dma_wait3A_1612, %dma_wait3A_1613] : memref<1024x16xf32, #tpu.memory_space<vmem>> -> memref<128x16xf32, #tpu.memory_space<vmem>>
    %dma_wait3A_1615 = arith.constant 0 : i32
    %dma_wait3A_1616 = tpu.memref_slice %arg7[%add3A_1473, %dma_wait3A_1615] : memref<16384x16xf32, #tpu.memory_space<hbm>> -> memref<128x16xf32, #tpu.memory_space<hbm>>
    %dma_wait3A_1617 = arith.constant 0 : i32
    %dma_wait3A_1618 = tpu.memref_slice %arg7[%add3A_1473, %dma_wait3A_1617] : memref<16384x16xf32, #tpu.memory_space<hbm>> -> memref<128x16xf32, #tpu.memory_space<hbm>>
    %dma_wait3A_1619 = arith.constant 384 : i32
    %dma_wait3A_1620 = arith.constant 0 : i32
    %dma_wait3A_1621 = tpu.memref_slice %arg11[%dma_wait3A_1619, %dma_wait3A_1620] : memref<1024x16xf32, #tpu.memory_space<vmem>> -> memref<128x16xf32, #tpu.memory_space<vmem>>
    tpu.wait_dma2 semaphore(%arg18 : memref<!tpu.dma_semaphore, #tpu.memory_space<semaphore_mem>>) src(%dma_wait3A_1621 : memref<128x16xf32, #tpu.memory_space<vmem>>) dst(%dma_wait3A_1618 : memref<128x16xf32, #tpu.memory_space<hbm>>)
    %dma_wait3A_1622 = arith.constant 512 : i32
    %dma_wait3A_1623 = arith.constant 0 : i32
    %dma_wait3A_1624 = tpu.memref_slice %arg11[%dma_wait3A_1622, %dma_wait3A_1623] : memref<1024x16xf32, #tpu.memory_space<vmem>> -> memref<128x16xf32, #tpu.memory_space<vmem>>
    %dma_wait3A_1625 = arith.constant 0 : i32
    %dma_wait3A_1626 = tpu.memref_slice %arg7[%add3A_1497, %dma_wait3A_1625] : memref<16384x16xf32, #tpu.memory_space<hbm>> -> memref<128x16xf32, #tpu.memory_space<hbm>>
    %dma_wait3A_1627 = arith.constant 0 : i32
    %dma_wait3A_1628 = tpu.memref_slice %arg7[%add3A_1497, %dma_wait3A_1627] : memref<16384x16xf32, #tpu.memory_space<hbm>> -> memref<128x16xf32, #tpu.memory_space<hbm>>
    %dma_wait3A_1629 = arith.constant 512 : i32
    %dma_wait3A_1630 = arith.constant 0 : i32
    %dma_wait3A_1631 = tpu.memref_slice %arg11[%dma_wait3A_1629, %dma_wait3A_1630] : memref<1024x16xf32, #tpu.memory_space<vmem>> -> memref<128x16xf32, #tpu.memory_space<vmem>>
    tpu.wait_dma2 semaphore(%arg18 : memref<!tpu.dma_semaphore, #tpu.memory_space<semaphore_mem>>) src(%dma_wait3A_1631 : memref<128x16xf32, #tpu.memory_space<vmem>>) dst(%dma_wait3A_1628 : memref<128x16xf32, #tpu.memory_space<hbm>>)
    %dma_wait3A_1632 = arith.constant 640 : i32
    %dma_wait3A_1633 = arith.constant 0 : i32
    %dma_wait3A_1634 = tpu.memref_slice %arg11[%dma_wait3A_1632, %dma_wait3A_1633] : memref<1024x16xf32, #tpu.memory_space<vmem>> -> memref<128x16xf32, #tpu.memory_space<vmem>>
    %dma_wait3A_1635 = arith.constant 0 : i32
    %dma_wait3A_1636 = tpu.memref_slice %arg7[%add3A_1521, %dma_wait3A_1635] : memref<16384x16xf32, #tpu.memory_space<hbm>> -> memref<128x16xf32, #tpu.memory_space<hbm>>
    %dma_wait3A_1637 = arith.constant 0 : i32
    %dma_wait3A_1638 = tpu.memref_slice %arg7[%add3A_1521, %dma_wait3A_1637] : memref<16384x16xf32, #tpu.memory_space<hbm>> -> memref<128x16xf32, #tpu.memory_space<hbm>>
    %dma_wait3A_1639 = arith.constant 640 : i32
    %dma_wait3A_1640 = arith.constant 0 : i32
    %dma_wait3A_1641 = tpu.memref_slice %arg11[%dma_wait3A_1639, %dma_wait3A_1640] : memref<1024x16xf32, #tpu.memory_space<vmem>> -> memref<128x16xf32, #tpu.memory_space<vmem>>
    tpu.wait_dma2 semaphore(%arg18 : memref<!tpu.dma_semaphore, #tpu.memory_space<semaphore_mem>>) src(%dma_wait3A_1641 : memref<128x16xf32, #tpu.memory_space<vmem>>) dst(%dma_wait3A_1638 : memref<128x16xf32, #tpu.memory_space<hbm>>)
    %dma_wait3A_1642 = arith.constant 768 : i32
    %dma_wait3A_1643 = arith.constant 0 : i32
    %dma_wait3A_1644 = tpu.memref_slice %arg11[%dma_wait3A_1642, %dma_wait3A_1643] : memref<1024x16xf32, #tpu.memory_space<vmem>> -> memref<128x16xf32, #tpu.memory_space<vmem>>
    %dma_wait3A_1645 = arith.constant 0 : i32
    %dma_wait3A_1646 = tpu.memref_slice %arg7[%add3A_1545, %dma_wait3A_1645] : memref<16384x16xf32, #tpu.memory_space<hbm>> -> memref<128x16xf32, #tpu.memory_space<hbm>>
    %dma_wait3A_1647 = arith.constant 0 : i32
    %dma_wait3A_1648 = tpu.memref_slice %arg7[%add3A_1545, %dma_wait3A_1647] : memref<16384x16xf32, #tpu.memory_space<hbm>> -> memref<128x16xf32, #tpu.memory_space<hbm>>
    %dma_wait3A_1649 = arith.constant 768 : i32
    %dma_wait3A_1650 = arith.constant 0 : i32
    %dma_wait3A_1651 = tpu.memref_slice %arg11[%dma_wait3A_1649, %dma_wait3A_1650] : memref<1024x16xf32, #tpu.memory_space<vmem>> -> memref<128x16xf32, #tpu.memory_space<vmem>>
    tpu.wait_dma2 semaphore(%arg18 : memref<!tpu.dma_semaphore, #tpu.memory_space<semaphore_mem>>) src(%dma_wait3A_1651 : memref<128x16xf32, #tpu.memory_space<vmem>>) dst(%dma_wait3A_1648 : memref<128x16xf32, #tpu.memory_space<hbm>>)
    %dma_wait3A_1652 = arith.constant 896 : i32
    %dma_wait3A_1653 = arith.constant 0 : i32
    %dma_wait3A_1654 = tpu.memref_slice %arg11[%dma_wait3A_1652, %dma_wait3A_1653] : memref<1024x16xf32, #tpu.memory_space<vmem>> -> memref<128x16xf32, #tpu.memory_space<vmem>>
    %dma_wait3A_1655 = arith.constant 0 : i32
    %dma_wait3A_1656 = tpu.memref_slice %arg7[%add3A_1569, %dma_wait3A_1655] : memref<16384x16xf32, #tpu.memory_space<hbm>> -> memref<128x16xf32, #tpu.memory_space<hbm>>
    %dma_wait3A_1657 = arith.constant 0 : i32
    %dma_wait3A_1658 = tpu.memref_slice %arg7[%add3A_1569, %dma_wait3A_1657] : memref<16384x16xf32, #tpu.memory_space<hbm>> -> memref<128x16xf32, #tpu.memory_space<hbm>>
    %dma_wait3A_1659 = arith.constant 896 : i32
    %dma_wait3A_1660 = arith.constant 0 : i32
    %dma_wait3A_1661 = tpu.memref_slice %arg11[%dma_wait3A_1659, %dma_wait3A_1660] : memref<1024x16xf32, #tpu.memory_space<vmem>> -> memref<128x16xf32, #tpu.memory_space<vmem>>
    tpu.wait_dma2 semaphore(%arg18 : memref<!tpu.dma_semaphore, #tpu.memory_space<semaphore_mem>>) src(%dma_wait3A_1661 : memref<128x16xf32, #tpu.memory_space<vmem>>) dst(%dma_wait3A_1658 : memref<128x16xf32, #tpu.memory_space<hbm>>)
    return
  }
}

module attributes {stable_mosaic.version = 14 : i64} {
  func.func @_tc_prep_body(%arg0: memref<14xf32, #tpu.memory_space<smem>>, %arg1: memref<16384x1xi32, #tpu.memory_space<vmem>>, %arg2: memref<128x128xf32, #tpu.memory_space<vmem>>, %arg3: memref<15x10xf32, #tpu.memory_space<vmem>>, %arg4: memref<16384x10xi32, #tpu.memory_space<vmem>>, %arg5: memref<128x128xi32, #tpu.memory_space<vmem>>, %arg6: memref<15x16xf32, #tpu.memory_space<vmem>>) attributes {dimension_semantics = [], scalar_prefetch = 0 : i64, scratch_operands = 0 : i64, tpu.core_type = #tpu.core_type<tc>} {
    %get3A = arith.constant 0 : index
    %get3A_0 = arith.constant 0 : index
    %get3A_1 = vector.load %arg2[%get3A, %get3A_0] : memref<128x128xf32, #tpu.memory_space<vmem>>, vector<128x128xf32>
    %broadcast_in_dim3A = arith.constant 0 : i32
    %broadcast_in_dim3A_2 = vector.broadcast %broadcast_in_dim3A : i32 to vector<128x128xi32>
    %get3A_3 = arith.constant 0 : index
    %get3A_4 = memref.load %arg0[%get3A_3] : memref<14xf32, #tpu.memory_space<smem>>
    %ge3A = vector.broadcast %get3A_4 : f32 to vector<128x128xf32>
    %ge3A_5 = arith.cmpf oge, %get3A_1, %ge3A : vector<128x128xf32>
    %convert_element_type3A = arith.extui %ge3A_5 : vector<128x128xi1> to vector<128x128xi32>
    %add3A = arith.addi %broadcast_in_dim3A_2, %convert_element_type3A : vector<128x128xi32>
    %get3A_6 = arith.constant 1 : index
    %get3A_7 = memref.load %arg0[%get3A_6] : memref<14xf32, #tpu.memory_space<smem>>
    %ge3A_8 = vector.broadcast %get3A_7 : f32 to vector<128x128xf32>
    %ge3A_9 = arith.cmpf oge, %get3A_1, %ge3A_8 : vector<128x128xf32>
    %convert_element_type3A_10 = arith.extui %ge3A_9 : vector<128x128xi1> to vector<128x128xi32>
    %add3A_11 = arith.addi %add3A, %convert_element_type3A_10 : vector<128x128xi32>
    %get3A_12 = arith.constant 2 : index
    %get3A_13 = memref.load %arg0[%get3A_12] : memref<14xf32, #tpu.memory_space<smem>>
    %ge3A_14 = vector.broadcast %get3A_13 : f32 to vector<128x128xf32>
    %ge3A_15 = arith.cmpf oge, %get3A_1, %ge3A_14 : vector<128x128xf32>
    %convert_element_type3A_16 = arith.extui %ge3A_15 : vector<128x128xi1> to vector<128x128xi32>
    %add3A_17 = arith.addi %add3A_11, %convert_element_type3A_16 : vector<128x128xi32>
    %get3A_18 = arith.constant 3 : index
    %get3A_19 = memref.load %arg0[%get3A_18] : memref<14xf32, #tpu.memory_space<smem>>
    %ge3A_20 = vector.broadcast %get3A_19 : f32 to vector<128x128xf32>
    %ge3A_21 = arith.cmpf oge, %get3A_1, %ge3A_20 : vector<128x128xf32>
    %convert_element_type3A_22 = arith.extui %ge3A_21 : vector<128x128xi1> to vector<128x128xi32>
    %add3A_23 = arith.addi %add3A_17, %convert_element_type3A_22 : vector<128x128xi32>
    %get3A_24 = arith.constant 4 : index
    %get3A_25 = memref.load %arg0[%get3A_24] : memref<14xf32, #tpu.memory_space<smem>>
    %ge3A_26 = vector.broadcast %get3A_25 : f32 to vector<128x128xf32>
    %ge3A_27 = arith.cmpf oge, %get3A_1, %ge3A_26 : vector<128x128xf32>
    %convert_element_type3A_28 = arith.extui %ge3A_27 : vector<128x128xi1> to vector<128x128xi32>
    %add3A_29 = arith.addi %add3A_23, %convert_element_type3A_28 : vector<128x128xi32>
    %get3A_30 = arith.constant 5 : index
    %get3A_31 = memref.load %arg0[%get3A_30] : memref<14xf32, #tpu.memory_space<smem>>
    %ge3A_32 = vector.broadcast %get3A_31 : f32 to vector<128x128xf32>
    %ge3A_33 = arith.cmpf oge, %get3A_1, %ge3A_32 : vector<128x128xf32>
    %convert_element_type3A_34 = arith.extui %ge3A_33 : vector<128x128xi1> to vector<128x128xi32>
    %add3A_35 = arith.addi %add3A_29, %convert_element_type3A_34 : vector<128x128xi32>
    %get3A_36 = arith.constant 6 : index
    %get3A_37 = memref.load %arg0[%get3A_36] : memref<14xf32, #tpu.memory_space<smem>>
    %ge3A_38 = vector.broadcast %get3A_37 : f32 to vector<128x128xf32>
    %ge3A_39 = arith.cmpf oge, %get3A_1, %ge3A_38 : vector<128x128xf32>
    %convert_element_type3A_40 = arith.extui %ge3A_39 : vector<128x128xi1> to vector<128x128xi32>
    %add3A_41 = arith.addi %add3A_35, %convert_element_type3A_40 : vector<128x128xi32>
    %get3A_42 = arith.constant 7 : index
    %get3A_43 = memref.load %arg0[%get3A_42] : memref<14xf32, #tpu.memory_space<smem>>
    %ge3A_44 = vector.broadcast %get3A_43 : f32 to vector<128x128xf32>
    %ge3A_45 = arith.cmpf oge, %get3A_1, %ge3A_44 : vector<128x128xf32>
    %convert_element_type3A_46 = arith.extui %ge3A_45 : vector<128x128xi1> to vector<128x128xi32>
    %add3A_47 = arith.addi %add3A_41, %convert_element_type3A_46 : vector<128x128xi32>
    %get3A_48 = arith.constant 8 : index
    %get3A_49 = memref.load %arg0[%get3A_48] : memref<14xf32, #tpu.memory_space<smem>>
    %ge3A_50 = vector.broadcast %get3A_49 : f32 to vector<128x128xf32>
    %ge3A_51 = arith.cmpf oge, %get3A_1, %ge3A_50 : vector<128x128xf32>
    %convert_element_type3A_52 = arith.extui %ge3A_51 : vector<128x128xi1> to vector<128x128xi32>
    %add3A_53 = arith.addi %add3A_47, %convert_element_type3A_52 : vector<128x128xi32>
    %get3A_54 = arith.constant 9 : index
    %get3A_55 = memref.load %arg0[%get3A_54] : memref<14xf32, #tpu.memory_space<smem>>
    %ge3A_56 = vector.broadcast %get3A_55 : f32 to vector<128x128xf32>
    %ge3A_57 = arith.cmpf oge, %get3A_1, %ge3A_56 : vector<128x128xf32>
    %convert_element_type3A_58 = arith.extui %ge3A_57 : vector<128x128xi1> to vector<128x128xi32>
    %add3A_59 = arith.addi %add3A_53, %convert_element_type3A_58 : vector<128x128xi32>
    %get3A_60 = arith.constant 10 : index
    %get3A_61 = memref.load %arg0[%get3A_60] : memref<14xf32, #tpu.memory_space<smem>>
    %ge3A_62 = vector.broadcast %get3A_61 : f32 to vector<128x128xf32>
    %ge3A_63 = arith.cmpf oge, %get3A_1, %ge3A_62 : vector<128x128xf32>
    %convert_element_type3A_64 = arith.extui %ge3A_63 : vector<128x128xi1> to vector<128x128xi32>
    %add3A_65 = arith.addi %add3A_59, %convert_element_type3A_64 : vector<128x128xi32>
    %get3A_66 = arith.constant 11 : index
    %get3A_67 = memref.load %arg0[%get3A_66] : memref<14xf32, #tpu.memory_space<smem>>
    %ge3A_68 = vector.broadcast %get3A_67 : f32 to vector<128x128xf32>
    %ge3A_69 = arith.cmpf oge, %get3A_1, %ge3A_68 : vector<128x128xf32>
    %convert_element_type3A_70 = arith.extui %ge3A_69 : vector<128x128xi1> to vector<128x128xi32>
    %add3A_71 = arith.addi %add3A_65, %convert_element_type3A_70 : vector<128x128xi32>
    %get3A_72 = arith.constant 12 : index
    %get3A_73 = memref.load %arg0[%get3A_72] : memref<14xf32, #tpu.memory_space<smem>>
    %ge3A_74 = vector.broadcast %get3A_73 : f32 to vector<128x128xf32>
    %ge3A_75 = arith.cmpf oge, %get3A_1, %ge3A_74 : vector<128x128xf32>
    %convert_element_type3A_76 = arith.extui %ge3A_75 : vector<128x128xi1> to vector<128x128xi32>
    %add3A_77 = arith.addi %add3A_71, %convert_element_type3A_76 : vector<128x128xi32>
    %get3A_78 = arith.constant 13 : index
    %get3A_79 = memref.load %arg0[%get3A_78] : memref<14xf32, #tpu.memory_space<smem>>
    %ge3A_80 = vector.broadcast %get3A_79 : f32 to vector<128x128xf32>
    %ge3A_81 = arith.cmpf oge, %get3A_1, %ge3A_80 : vector<128x128xf32>
    %convert_element_type3A_82 = arith.extui %ge3A_81 : vector<128x128xi1> to vector<128x128xi32>
    %add3A_83 = arith.addi %add3A_77, %convert_element_type3A_82 : vector<128x128xi32>
    %iota3A = tpu.iota {dimensions = array<i32: 0>} : vector<128x128xi32>
    %jit3A = arith.constant 8 : i32
    %div3A = vector.broadcast %jit3A : i32 to vector<128x128xi32>
    %div3A_84 = arith.divsi %iota3A, %div3A : vector<128x128xi32>
    %sign3A = arith.constant 0 : i32
    %sign3A_85 = vector.broadcast %sign3A : i32 to vector<128x128xi32>
    %sign3A_86 = arith.cmpi sgt, %iota3A, %sign3A_85 : vector<128x128xi32>
    %sign3A_87 = arith.extui %sign3A_86 : vector<128x128xi1> to vector<128x128xi32>
    %sign3A_88 = arith.constant 0 : i32
    %sign3A_89 = vector.broadcast %sign3A_88 : i32 to vector<128x128xi32>
    %sign3A_90 = arith.cmpi slt, %iota3A, %sign3A_89 : vector<128x128xi32>
    %sign3A_91 = arith.extui %sign3A_90 : vector<128x128xi1> to vector<128x128xi32>
    %sign3A_92 = arith.subi %sign3A_87, %sign3A_91 : vector<128x128xi32>
    %sign3A_93 = arith.constant 0 : i32
    %sign3A_94 = arith.cmpi sgt, %jit3A, %sign3A_93 : i32
    %sign3A_95 = arith.extui %sign3A_94 : i1 to i32
    %sign3A_96 = arith.constant 0 : i32
    %sign3A_97 = arith.cmpi slt, %jit3A, %sign3A_96 : i32
    %sign3A_98 = arith.extui %sign3A_97 : i1 to i32
    %sign3A_99 = arith.subi %sign3A_95, %sign3A_98 : i32
    %ne3A = vector.broadcast %sign3A_99 : i32 to vector<128x128xi32>
    %ne3A_100 = arith.cmpi ne, %sign3A_92, %ne3A : vector<128x128xi32>
    %rem3A = vector.broadcast %jit3A : i32 to vector<128x128xi32>
    %rem3A_101 = arith.remsi %iota3A, %rem3A : vector<128x128xi32>
    %ne3A_102 = arith.constant 0 : i32
    %ne3A_103 = vector.broadcast %ne3A_102 : i32 to vector<128x128xi32>
    %ne3A_104 = arith.cmpi ne, %rem3A_101, %ne3A_103 : vector<128x128xi32>
    %and3A = arith.andi %ne3A_100, %ne3A_104 : vector<128x128xi1>
    %sub3A = arith.constant 1 : i32
    %sub3A_105 = vector.broadcast %sub3A : i32 to vector<128x128xi32>
    %sub3A_106 = arith.subi %div3A_84, %sub3A_105 : vector<128x128xi32>
    %select_n3A = arith.select %and3A, %sub3A_106, %div3A_84 : vector<128x128xi1>, vector<128x128xi32>
    %mul3A = arith.constant 15 : i32
    %mul3A_107 = vector.broadcast %mul3A : i32 to vector<128x128xi32>
    %mul3A_108 = arith.muli %select_n3A, %mul3A_107 : vector<128x128xi32>
    %add3A_109 = arith.addi %add3A_83, %mul3A_108 : vector<128x128xi32>
    %swap3A = arith.constant 0 : index
    %swap3A_110 = arith.constant 0 : index
    %swap3A_111 = vector.load %arg5[%swap3A, %swap3A_110] : memref<128x128xi32, #tpu.memory_space<vmem>>, vector<128x128xi32>
    tpu.vector_store %arg5[%swap3A, %swap3A_110], %add3A_109 {strides = array<i32>} : memref<128x128xi32, #tpu.memory_space<vmem>>, vector<128x128xi32>,
    %iota3A_112 = tpu.iota {dimensions = array<i32: 1>} : vector<16384x10xi32>
    %get3A_113 = arith.constant 0 : index
    %get3A_114 = arith.constant 0 : index
    %get3A_115 = vector.load %arg1[%get3A_113, %get3A_114] : memref<16384x1xi32, #tpu.memory_space<vmem>>, vector<16384x1xi32>
    %mul3A_116 = arith.constant 10 : i32
    %mul3A_117 = vector.broadcast %mul3A_116 : i32 to vector<16384x1xi32>
    %mul3A_118 = arith.muli %get3A_115, %mul3A_117 : vector<16384x1xi32>
    %add3A_119 = vector.broadcast %mul3A_118 : vector<16384x1xi32> to vector<16384x10xi32>
    %add3A_120 = arith.addi %add3A_119, %iota3A_112 : vector<16384x10xi32>
    %swap3A_121 = arith.constant 0 : index
    %swap3A_122 = arith.constant 0 : index
    %swap3A_123 = vector.load %arg4[%swap3A_121, %swap3A_122] : memref<16384x10xi32, #tpu.memory_space<vmem>>, vector<16384x10xi32>
    tpu.vector_store %arg4[%swap3A_121, %swap3A_122], %add3A_120 {strides = array<i32>} : memref<16384x10xi32, #tpu.memory_space<vmem>>, vector<16384x10xi32>,
    %get3A_124 = arith.constant 0 : index
    %get3A_125 = arith.constant 0 : index
    %get3A_126 = vector.load %arg3[%get3A_124, %get3A_125] : memref<15x10xf32, #tpu.memory_space<vmem>>, vector<15x10xf32>
    %jit3A_127 = arith.constant 0 : i32
    %convert_element_type3A_128 = arith.sitofp %jit3A_127 : i32 to f32
    %pad3A = vector.broadcast %convert_element_type3A_128 : f32 to vector<15x6xf32>
    %pad3A_129 = tpu.concatenate %get3A_126, %pad3A in 1 : vector<15x10xf32>, vector<15x6xf32> -> vector<15x16xf32>
    %swap3A_130 = arith.constant 0 : index
    %swap3A_131 = arith.constant 0 : index
    %swap3A_132 = vector.load %arg6[%swap3A_130, %swap3A_131] : memref<15x16xf32, #tpu.memory_space<vmem>>, vector<15x16xf32>
    tpu.vector_store %arg6[%swap3A_130, %swap3A_131], %pad3A_129 {strides = array<i32>} : memref<15x16xf32, #tpu.memory_space<vmem>>, vector<15x16xf32>,
    return
  }
}

module attributes {stable_mosaic.version = 14 : i64} {
  func.func @_tc_concat_body(%arg0: memref<16384x10xf32, #tpu.memory_space<vmem>>, %arg1: memref<16384x16xf32, #tpu.memory_space<vmem>>, %arg2: memref<16384x20xf32, #tpu.memory_space<vmem>>) attributes {dimension_semantics = [], scalar_prefetch = 0 : i64, scratch_operands = 0 : i64, tpu.core_type = #tpu.core_type<tc>} {
    %get3A = arith.constant 0 : index
    %get3A_0 = arith.constant 0 : index
    %get3A_1 = vector.load %arg0[%get3A, %get3A_0] : memref<16384x10xf32, #tpu.memory_space<vmem>>, vector<16384x10xf32>
    %get3A_2 = arith.constant 0 : index
    %get3A_3 = arith.constant 0 : index
    %get3A_4 = vector.load %arg1[%get3A_2, %get3A_3] : memref<16384x16xf32, #tpu.memory_space<vmem>>, vector<16384x10xf32>
    %concatenate3A = tpu.concatenate %get3A_1, %get3A_4 in 1 : vector<16384x10xf32>, vector<16384x10xf32> -> vector<16384x20xf32>
    %swap3A = arith.constant 0 : index
    %swap3A_5 = arith.constant 0 : index
    %swap3A_6 = vector.load %arg2[%swap3A, %swap3A_5] : memref<16384x20xf32, #tpu.memory_space<vmem>>, vector<16384x20xf32>
    tpu.vector_store %arg2[%swap3A, %swap3A_5], %concatenate3A {strides = array<i32>} : memref<16384x20xf32, #tpu.memory_space<vmem>>, vector<16384x20xf32>,
    return
  }
}

</mosaic_0001>

<sc_bundles>
// kernel: _lookup.5.cloned.1.call-start
scs
__scs_entry_jumppad:
0x0: {  	(pc) =	sbr.rel $0x88, $3  }
0x1: {  	(tag) =	ssettag $0x0;
	lr =	simm.s32 $0x1  }
0x2: {  	[smem:$0x3F9C] =	sst lr;
	_ =	strace $0xD0000000  }
0x3: {  	_ = 	snop  }
0x4: {  	_ = 	snop  }
0x5: {  	_ = 	snop  }
0x6: {  	_ = 	snop  }
0x7: {  	_ = 	snop  }
__scs_overlays_trampoline_lowered:
0x8: {  	[smem:$0x3FAB] =	sst s0  }
0x9: {  	[smem:$0x3FAC] =	sst s1  }
0xa: {  	[smem:$0x3FAD] =	sst s2  }
0xb: {  	[smem:$0x3FAE] =	sst s3  }
0xc: {  	[smem:$0x3FAF] =	sst s4  }
0xd: {  	[smem:$0x3FB0] =	sst s5  }
0xe: {  	[smem:$0x3FB1] =	sst s6  }
0xf: {  	[smem:$0x3FB2] =	sst s7  }
0x10: {  	[smem:$0x3FB3] =	sst s8  }
0x11: {  	[smem:$0x3FB4] =	sst s9;
	s0 =	simm.s32 @!p0 $0x0  }
0x12: {  	s1 =	sld [smem:$0x3F9A];
	s0 =	simm.s32 @p0 $0x1  }
0x13: {  	[smem:$0x3FB5] =	sst s0;
	s0 =	simm.s32 @!p1 $0x0  }
0x14: {  	s2 =	sld [smem:$0x3F99];
	s0 =	simm.s32 @p1 $0x1  }
0x15: {  	[smem:$0x3FB6] =	sst s0;
	s0 =	simm.s32 @!p2 $0x0  }
0x16: {  	s3 =	sld [smem:$0x3FDB];
	s0 =	simm.s32 @p2 $0x1  }
0x17: {  	s4 =	simm.s32 $0x1BF5;
	[smem:$0x3FB8] =	sst s0  }
0x18: {  	s0 =	sld [smem:$0x3F9B];
	_ =	swait.ge [sflag:s4], $0x0  }
0x19: {  	s7 =	sld [smem:$0x3F9C]  }
0x1a: {  	s8 =	sadd.s32 $0xFFFFE003, lr  }
0x1b: {  	s9 =	sadd.s32 $0xFFFFFEF7, lr;
	s5 =	simm.s32 $0xFFFFFFFF;
	p2 =	slt.u32 s8, $0xFFFFF086  }
0x1c: {  	p1 =	slt.u32 s9, $0xF7A;
	s5 =	simm.s32 @!p2 $0x0  }
0x1d: {  	s5 =	simm.s32 @p1 $0x1;
	p0 =	seq.s32 s7, s2  }
0x1e: {  	s7 =	smul.u32 @!p0 $0xF7A, s2;
	p2 =	seq.s32 @!p0 s5, $0x0  }
0x1f: {  	s9 =	smul.u32 $0xF7A, s1;
	s8 =	simm.s32 @!p0 $0x1BF5;
	p2 =	por !p2, p0  }
0x20: {  	[sflag:s8] =	ssyncset.s32 @!p0 $0xFFFFF086;
	s6 =	sadd.s32 @!p0 s3, s7;
	s7 =	simm.s32 @!p0 $0x108  }
0x21: {  	s3 =	sadd.s32 s3, s9;
	s6 =	sadd.s32 @!p0 $0x88, s6;
	s7 =	simm.s32 @p2 $0x1082  }
0x22: {  	[simem:s7], [sflag:s8] =	dma.local @!p0 [hbm:s6], $0xF7A  }
0x23: {  	s9 =	sor.u32 $0xD0000000, s2;
	s6 =	simm.s32 $0x108;
	_ =	swait.ge @!p0 [sflag:s8], $0x0  }
0x24: {  	s3 =	sadd.s32 $0x88, s3;
	s6 =	simm.s32 @!p1 $0x1082;
	[sflag:s4] =	ssyncset.s32 $0xFFFFF086  }
0x25: {  	[simem:s6], [sflag:s4] =	dma.local [hbm:s3], $0xF7A  }
0x26: {  	[smem:$0x3F9C] =	sst s1;
	(tag) =	ssettag s2;
	_ =	strace s9  }
0x27: {  	s1 =	sld [smem:$0x3FAC]  }
0x28: {  	s2 =	sld [smem:$0x3FAD]  }
0x29: {  	s4 =	sld [smem:$0x3FAF]  }
0x2a: {  	p0 =	seq.s32 s5, $0x0;
	s5 =	sld [smem:$0x3FB0]  }
0x2b: {  	s6 =	sld [smem:$0x3FB1]  }
0x2c: {  	s7 =	sld [smem:$0x3FB2]  }
0x2d: {  	s3 =	simm.s32 $0x108;
	s8 =	sld [smem:$0x3FB3]  }
0x2e: {  	s3 =	simm.s32 @!p0 $0x1082;
	s9 =	sld [smem:$0x3FB4]  }
0x2f: {  	lr =	sadd.s32 s0, s3;
	s0 =	sld [smem:$0x3FAB]  }
0x30: {  	s3 =	sld [smem:$0x3FAE]  }
0x31: {  	[smem:$0x3FB7] =	sst s10  }
0x32: {  	s10 =	sld [smem:$0x3FB5];
	_ =	sdelay $0x3  }
0x33: {  	p0 =	seq.s32 s10, $0x1;
	s10 =	sld [smem:$0x3FB7];
	_ =	sdelay $0x3  }
0x34: {  	[smem:$0x3FB7] =	sst s10  }
0x35: {  	s10 =	sld [smem:$0x3FB6];
	_ =	sdelay $0x3  }
0x36: {  	p1 =	seq.s32 s10, $0x1;
	s10 =	sld [smem:$0x3FB7];
	_ =	sdelay $0x3  }
0x37: {  	[smem:$0x3FB7] =	sst s10  }
0x38: {  	s10 =	sld [smem:$0x3FB8]  }
0x39: {  	_ = 	snop;
	(pc) =	sbr.ind lr, $3  }
0x3a: {  	_ = 	snop  }
0x3b: {  	_ = 	snop  }
0x3c: {  	p2 =	seq.s32 s10, $0x1;
	s10 =	sld [smem:$0x3FB7]  }
0x3d: {  	_ =	shalt  }
0x3e: {  	_ =	shalt  }
0x3f: {  	_ =	shalt  }
0x40: {  	_ =	shalt  }
0x41: {  	_ =	shalt  }
0x42: {  	_ =	shalt  }
0x43: {  	_ =	shalt  }
0x44: {  	_ =	shalt  }
0x45: {  	_ =	shalt  }
0x46: {  	_ =	shalt  }
0x47: {  	_ =	shalt  }
0x48: {  	_ =	shalt  }
0x49: {  	_ =	shalt  }
0x4a: {  	_ =	shalt  }
0x4b: {  	_ =	shalt  }
0x4c: {  	_ =	shalt  }
0x4d: {  	_ =	shalt  }
0x4e: {  	_ =	shalt  }
0x4f: {  	_ =	shalt  }
0x50: {  	_ =	shalt  }
0x51: {  	_ =	shalt  }
0x52: {  	_ =	shalt  }
0x53: {  	_ =	shalt  }
0x54: {  	_ =	shalt  }
0x55: {  	_ =	shalt  }
0x56: {  	_ =	shalt  }
0x57: {  	_ =	shalt  }
0x58: {  	_ =	shalt  }
0x59: {  	_ =	shalt  }
0x5a: {  	_ =	shalt  }
0x5b: {  	_ =	shalt  }
0x5c: {  	_ =	shalt  }
0x5d: {  	_ =	shalt  }
0x5e: {  	_ =	shalt  }
0x5f: {  	_ =	shalt  }
0x60: {  	_ =	shalt  }
0x61: {  	_ =	shalt  }
0x62: {  	_ =	shalt  }
0x63: {  	_ =	shalt  }
0x64: {  	_ =	shalt  }
0x65: {  	_ =	shalt  }
0x66: {  	_ =	shalt  }
0x67: {  	_ =	shalt  }
0x68: {  	_ =	shalt  }
0x69: {  	_ =	shalt  }
0x6a: {  	_ =	shalt  }
0x6b: {  	_ =	shalt  }
0x6c: {  	_ =	shalt  }
0x6d: {  	_ =	shalt  }
0x6e: {  	_ =	shalt  }
0x6f: {  	_ =	shalt  }
0x70: {  	_ =	shalt  }
0x71: {  	_ =	shalt  }
0x72: {  	_ =	shalt  }
0x73: {  	_ =	shalt  }
0x74: {  	_ =	shalt  }
0x75: {  	_ =	shalt  }
0x76: {  	_ =	shalt  }
0x77: {  	_ =	shalt  }
0x78: {  	_ =	shalt  }
0x79: {  	_ =	shalt  }
0x7a: {  	_ =	shalt  }
0x7b: {  	_ =	shalt  }
0x7c: {  	_ =	shalt  }
0x7d: {  	_ =	shalt  }
0x7e: {  	_ =	shalt  }
0x7f: {  	_ =	shalt  }
0x80: {  	_ =	shalt  }
0x81: {  	_ =	shalt  }
0x82: {  	_ =	shalt  }
0x83: {  	_ =	shalt  }
0x84: {  	_ =	shalt  }
0x85: {  	_ =	shalt  }
0x86: {  	_ =	shalt  }
0x87: {  	_ =	shalt  }
.Lfunc_end0:
.L_simem_size_0:
called_computation_lowered:
.L_overlay_start_0:
0x88: {  	s0 =	sld [smem:$0x3FD9]  }
0x89: {  	s1 =	sld [smem:$0x3FFE];
	_ =	sdelay $0x3  }
0x8a: {  	s0 =	sadd.s32 s1, s0  }
0x8b: {  	[smem:$0x3FC3] =	sst s0  }
0x8c: {  	_ = 	snop  }
0x8d: {  	s0 =	sld [smem:$0x3FC7]  }
0x8e: {  	s16 =	sld [smem:$0x3FD0];
	(tm) =	ssettm $0x1  }
0x8f: {  	s2 =	sld [smem:$0x3FFB];
	_ =	sdelay $0x3  }
0x90: {  	_ =	strace s2  }
0x91: {  	s2 =	sld [smem:$0x3FFC];
	_ =	sdelay $0x3  }
0x92: {  	_ =	strace s2  }
0x93: {  	s2 =	sld [smem:$0x3FFD];
	_ =	sdelay $0x3  }
0x94: {  	_ =	strace s2  }
0x95: {  	_ =	strace $0x8FFFFFFF  }
0x96: {  	s17 =	sld [smem:$0x3FDB];
	_ =	sdelay $0x1  }
0x97: {  	s3 =	simm.s32 $_scs_section_size  }
0x98: {  	s4 =	simm.s32 $_size__tile_overlayer_lowered;
	s5 =	simm.s32 $_tile_overlayer_lowered  }
0x99: {  	s20 =	simm.s32 $0x1BFF;
	s19 =	sshll.u32 s5, $0x1;
	s2 =	sadd.s32 s3, s17  }
0x9a: {  	s6 =	simm.s32 $0x0;
	s18 =	sshll.u32 s4, $0x1;
	s4 =	sadd.s32 s19, s2  }
0x9b: {  	[timem:s6], [sflag:s20] =	dma.local [hbm:s4], s18  }
0x9c: {  	_ =	swait.ge [sflag:s20], s18  }
0x9d: {  	s3 =	ssub.s32 $0x0, s18;
	[sflag:s20] =	ssyncset.done $0x0  }
0x9e: {  	[sflag:s20] =	ssyncadd.s32 s3;
	_ =	sdelay $0x1  }
0x9f: {  	s21 =	simm.s32 $0x1B8B  }
0xa0: {  	_ =	swait.ge [sflag:s21], $0x1  }
0xa1: {  	[sflag:s21] =	ssyncset.done $0x0  }
0xa2: {  	s23 =	simm.s32 $0x1B8E;
	s22 =	sld [smem:$0x3FFE];
	[sflag:s21] =	ssyncadd.s32 $0xFFFFFFFF  }
0xa3: {  	s24 =	simm.s32 $execute0_lowered;
	[smem:$0x3FD2] =	sst s23  }
0xa4: {  	s4 =	sshll.u32 s24, $0x1;
	_ =	strace $0x80000046;
	[dreg:$0x1] =	wrdreg $0xFFFFFFFF  }
0xa5: {  	s25 =	simm.s32 $_size_execute0_lowered;
	s2 =	sadd.s32 s2, s4;
	[dreg:$0x0] =	wrdreg $0x0  }
0xa6: {  	s4 =	sshll.u32 s25, $0x1;
	[dreg:$0x2] =	wrdreg s2  }
0xa7: {  	[dreg:$0x3] =	wrdreg s4  }
0xa8: {  	[dreg:$0x4] =	wrdreg $0xC0  }
0xa9: {  	_ =	task [dreg:s6], $0x5FFFF  }
0xaa: {  	[dreg:$0x1] =	wrdreg $0xFFFFFFFF  }
0xab: {  	[dreg:$0x0] =	wrdreg $0x60  }
0xac: {  	[dreg:$0x2] =	wrdreg s22  }
0xad: {  	[dreg:$0x3] =	wrdreg s0  }
0xae: {  	[dreg:$0x4] =	wrdreg s16  }
0xaf: {  	[dreg:$0x5] =	wrdreg $0x94000  }
0xb0: {  	[dreg:$0x6] =	wrdreg $0x9  }
0xb1: {  	_ =	task.clear_ibuf [dreg:s6], $0x7FFFF;
	_ =	strace $0x90000046  }
0xb2: {  	s26 =	simm.s32 $0x9;
	_ =	strace $0x80000048  }
0xb3: {  	_ =	swait.ge [sflag:s26], $0x1  }
0xb4: {  	[sflag:s26] =	ssyncadd.s32 $0xFFFFFFFF  }
0xb5: {  	_ =	strace $0x90000048  }
0xb6: {  	_ =	sfence  }
0xb7: {  	s28 =	sld [smem:$0x0];
	_ =	sdelay $0x1  }
0xb8: {  	s29 =	srdreg.scid  }
0xb9: {  	s30 =	sshll.u32 s29, $0xD;
	s31 =	sshrl.u32 s29, $0x2  }
0xba: {  	s1 =	sand.u32 $0x1, s29;
	s2 =	sand.u32 $0x4000, s30;
	s0 =	sadd.s32 s31, s28  }
0xbb: {  	s1 =	sor.u32 s2, s1;
	s0 =	sshll.u32 s0, $0x11  }
0xbc: {  	s0 =	sor.u32 s0, s1  }
0xbd: {  	s0 =	sadd.s32 $0x8F2B, s0  }
0xbe: {  	[sflag:s0] =	ssyncadd.remote.s32 $0x1  }
0xbf: {  	_ =	sfence.sel $0xFFFF  }
0xc0: {  	[dreg:$0x0] =	wrdreg $0xFFFFFFFF;
	(pc) =	sbr.abs _section_cstart, $3  }
0xc1: {  	[dreg:$0x1] =	wrdreg $0xFFFFFFFF  }
0xc2: {  	_ =	task.clear_ibuf [dreg:s6], $0x2FFFF;
	_ =	strace $0x9FFFFFFF  }
0xc3: {  	(tm) =	ssettm $0x7FFFFFFF  }
tec
execute0_lowered:
.L_overlay_start_1:
0x0: {  	(tag) =	ssettag $0x1  }
0x1: {  	s5 =	rddreg [dreg:$0x0]  }
0x2: {  	s7 =	rddreg [dreg:$0x1]  }
0x3: {  	s3 =	rddreg [dreg:$0x2]  }
0x4: {  	s6 =	rddreg [dreg:$0x3]  }
0x5: {  	s1 =	stileid.u32;
	s0 =	rddreg [dreg:$0x4]  }
0x6: {  	s2 =	simm.s32 $0x0;
	s28 =	simm.s32 $0x1;
	s4 =	smul.u32 $0x500, s1  }
0x7: {  	[smem:$0x7FF] =	sst s2;
	s8 =	sshll.u32 s1, $0x7;
	s9 =	smul.u32 $0x3C0, s1  }
0x8: {  	s26 =	sshll.u32 s1, $0x6;
	_ =	strace $0x80000047;
	s8 =	sadd.s32 s8, s5  }
0x9: {  	s4 =	sadd.s32 s4, s5;
	s11 =	sadd.s32 $0x1400, s8;
	s25 =	sshrl.u32 s9, $0x2  }
0xa: {  	s8 =	simm.s32 $0x2800;
	s10 =	sadd.s32 $0x1C00, s4;
	s9 =	sadd.s32 s25, s6  }
0xb: {  	[tilespmem:s2], [sflag:$0x1] =	stream.linear.gather [hbm4b:s10+s2], $0x2800, $0x38;
	[tilespmem:$0x94F0] =	vst v63  }
0xc: {  	s5 =	sadd.s32 $0x6C00, s5;
	s10 =	sor.u32 $0x1C03, s26;
	s9 =	sshrl.u32 s9, $0x3  }
0xd: {  	[tilespmem:s8], [sflag:$0x2] =	stream.linear.gather [hbm4b:s11+s2], $0x400, $0x38;
	[tilespmem:$0x94F0] =	vst v63  }
0xe: {  	[spmem:s9], [sflag:s10] =	dma.local [hbm:s5], $0x1E  }
0xf: {  	_ =	swait.ge [sflag:s28], $0x2800  }
0x10: {  	[sflag:s28] =	ssyncset.done $0x0  }
0x11: {  	s15 =	simm.s32 $0x80;
	s5 =	simm.s32 $0x2C00;
	[sflag:s28] =	ssyncadd.s32 $0xFFFFD800  }
0x12: {  	[tilespmem:s5], [sflag:$0x4] =	stream.indirect.gather [hbm4b:s7+s15], $0x1, s2, s15, $0xb8;
	[tilespmem:$0x94F0] =	vst v63  }
0x13: {  	s29 =	simm.s32 $0x2C80  }
0x14: {  	[tilespmem:s29], [sflag:$0x4] =	stream.indirect.gather [hbm4b:s7+s15], $0x1, s15, s15, $0xb8;
	[tilespmem:$0x94F0] =	vst v63  }
0x15: {  	s30 =	simm.s32 $0x100;
	s31 =	simm.s32 $0x2D00  }
0x16: {  	[tilespmem:s31], [sflag:$0x4] =	stream.indirect.gather [hbm4b:s7+s15], $0x1, s30, s15, $0xb8;
	[tilespmem:$0x94F0] =	vst v63  }
0x17: {  	s11 =	simm.s32 $0x2D80;
	s10 =	simm.s32 $0x180  }
0x18: {  	[tilespmem:s11], [sflag:$0x4] =	stream.indirect.gather [hbm4b:s7+s15], $0x1, s10, s15, $0xb8;
	[tilespmem:$0x94F0] =	vst v63  }
0x19: {  	s12 =	simm.s32 $0x200;
	s13 =	simm.s32 $0x2E00  }
0x1a: {  	[tilespmem:s13], [sflag:$0x4] =	stream.indirect.gather [hbm4b:s7+s15], $0x1, s12, s15, $0xb8;
	[tilespmem:$0x94F0] =	vst v63  }
0x1b: {  	s14 =	simm.s32 $0x280;
	s16 =	simm.s32 $0x2E80  }
0x1c: {  	[tilespmem:s16], [sflag:$0x4] =	stream.indirect.gather [hbm4b:s7+s15], $0x1, s14, s15, $0xb8;
	[tilespmem:$0x94F0] =	vst v63  }
0x1d: {  	s17 =	simm.s32 $0x300;
	s18 =	simm.s32 $0x2F00  }
0x1e: {  	[tilespmem:s18], [sflag:$0x4] =	stream.indirect.gather [hbm4b:s7+s15], $0x1, s17, s15, $0xb8;
	[tilespmem:$0x94F0] =	vst v63  }
0x1f: {  	s19 =	simm.s32 $0x380;
	s20 =	simm.s32 $0x2F80  }
0x20: {  	[tilespmem:s20], [sflag:$0x4] =	stream.indirect.gather [hbm4b:s7+s15], $0x1, s19, s15, $0xb8;
	[tilespmem:$0x94F0] =	vst v63  }
0x21: {  	s21 =	simm.s32 $0x400;
	s22 =	simm.s32 $0x3000  }
0x22: {  	[tilespmem:s22], [sflag:$0x4] =	stream.indirect.gather [hbm4b:s7+s15], $0x1, s21, s15, $0xb8;
	[tilespmem:$0x94F0] =	vst v63  }
0x23: {  	s23 =	simm.s32 $0x480;
	s24 =	simm.s32 $0x3080  }
0x24: {  	[tilespmem:s24], [sflag:$0x4] =	stream.indirect.gather [hbm4b:s7+s15], $0x1, s23, s15, $0xb8;
	[tilespmem:$0x94F0] =	vst v63  }
0x25: {  	s25 =	simm.s32 $0x500;
	s26 =	simm.s32 $0x3100  }
0x26: {  	[tilespmem:s26], [sflag:$0x4] =	stream.indirect.gather [hbm4b:s7+s15], $0x1, s25, s15, $0xb8;
	[tilespmem:$0x94F0] =	vst v63  }
0x27: {  	s28 =	simm.s32 $0x580;
	s29 =	simm.s32 $0x3180  }
0x28: {  	[tilespmem:s29], [sflag:$0x4] =	stream.indirect.gather [hbm4b:s7+s15], $0x1, s28, s15, $0xb8;
	[tilespmem:$0x94F0] =	vst v63  }
0x29: {  	s30 =	simm.s32 $0x600;
	s31 =	simm.s32 $0x3200  }
0x2a: {  	[tilespmem:s31], [sflag:$0x4] =	stream.indirect.gather [hbm4b:s7+s15], $0x1, s30, s15, $0xb8;
	[tilespmem:$0x94F0] =	vst v63  }
0x2b: {  	s10 =	simm.s32 $0x680;
	s11 =	simm.s32 $0x3280  }
0x2c: {  	[tilespmem:s11], [sflag:$0x4] =	stream.indirect.gather [hbm4b:s7+s15], $0x1, s10, s15, $0xb8;
	[tilespmem:$0x94F0] =	vst v63  }
0x2d: {  	s12 =	simm.s32 $0x700;
	s13 =	simm.s32 $0x3300  }
0x2e: {  	[tilespmem:s13], [sflag:$0x4] =	stream.indirect.gather [hbm4b:s7+s15], $0x1, s12, s15, $0xb8;
	[tilespmem:$0x94F0] =	vst v63  }
0x2f: {  	s14 =	simm.s32 $0x780;
	s16 =	simm.s32 $0x3380  }
0x30: {  	[tilespmem:s16], [sflag:$0x4] =	stream.indirect.gather [hbm4b:s7+s15], $0x1, s14, s15, $0xb8;
	[tilespmem:$0x94F0] =	vst v63  }
0x31: {  	s17 =	simm.s32 $0x800;
	s18 =	simm.s32 $0x3400  }
0x32: {  	[tilespmem:s18], [sflag:$0x4] =	stream.indirect.gather [hbm4b:s7+s15], $0x1, s17, s15, $0xb8;
	[tilespmem:$0x94F0] =	vst v63  }
0x33: {  	s19 =	simm.s32 $0x880;
	s20 =	simm.s32 $0x3480  }
0x34: {  	[tilespmem:s20], [sflag:$0x4] =	stream.indirect.gather [hbm4b:s7+s15], $0x1, s19, s15, $0xb8;
	[tilespmem:$0x94F0] =	vst v63  }
0x35: {  	s21 =	simm.s32 $0x900;
	s22 =	simm.s32 $0x3500  }
0x36: {  	[tilespmem:s22], [sflag:$0x4] =	stream.indirect.gather [hbm4b:s7+s15], $0x1, s21, s15, $0xb8;
	[tilespmem:$0x94F0] =	vst v63  }
0x37: {  	s23 =	simm.s32 $0x980;
	s24 =	simm.s32 $0x3580  }
0x38: {  	[tilespmem:s24], [sflag:$0x4] =	stream.indirect.gather [hbm4b:s7+s15], $0x1, s23, s15, $0xb8;
	[tilespmem:$0x94F0] =	vst v63  }
0x39: {  	s25 =	simm.s32 $0xA00;
	s26 =	simm.s32 $0x3600  }
0x3a: {  	[tilespmem:s26], [sflag:$0x4] =	stream.indirect.gather [hbm4b:s7+s15], $0x1, s25, s15, $0xb8;
	[tilespmem:$0x94F0] =	vst v63  }
0x3b: {  	s28 =	simm.s32 $0xA80;
	s29 =	simm.s32 $0x3680  }
0x3c: {  	[tilespmem:s29], [sflag:$0x4] =	stream.indirect.gather [hbm4b:s7+s15], $0x1, s28, s15, $0xb8;
	[tilespmem:$0x94F0] =	vst v63  }
0x3d: {  	s30 =	simm.s32 $0xB00;
	s31 =	simm.s32 $0x3700  }
0x3e: {  	[tilespmem:s31], [sflag:$0x4] =	stream.indirect.gather [hbm4b:s7+s15], $0x1, s30, s15, $0xb8;
	[tilespmem:$0x94F0] =	vst v63  }
0x3f: {  	s10 =	simm.s32 $0xB80;
	s11 =	simm.s32 $0x3780  }
0x40: {  	[tilespmem:s11], [sflag:$0x4] =	stream.indirect.gather [hbm4b:s7+s15], $0x1, s10, s15, $0xb8;
	[tilespmem:$0x94F0] =	vst v63  }
0x41: {  	s12 =	simm.s32 $0xC00;
	s13 =	simm.s32 $0x3800  }
0x42: {  	[tilespmem:s13], [sflag:$0x4] =	stream.indirect.gather [hbm4b:s7+s15], $0x1, s12, s15, $0xb8;
	[tilespmem:$0x94F0] =	vst v63  }
0x43: {  	s14 =	simm.s32 $0xC80;
	s16 =	simm.s32 $0x3880  }
0x44: {  	[tilespmem:s16], [sflag:$0x4] =	stream.indirect.gather [hbm4b:s7+s15], $0x1, s14, s15, $0xb8;
	[tilespmem:$0x94F0] =	vst v63  }
0x45: {  	s17 =	simm.s32 $0xD00;
	s18 =	simm.s32 $0x3900  }
0x46: {  	[tilespmem:s18], [sflag:$0x4] =	stream.indirect.gather [hbm4b:s7+s15], $0x1, s17, s15, $0xb8;
	[tilespmem:$0x94F0] =	vst v63  }
0x47: {  	s19 =	simm.s32 $0xD80;
	s20 =	simm.s32 $0x3980  }
0x48: {  	[tilespmem:s20], [sflag:$0x4] =	stream.indirect.gather [hbm4b:s7+s15], $0x1, s19, s15, $0xb8;
	[tilespmem:$0x94F0] =	vst v63  }
0x49: {  	s21 =	simm.s32 $0xE00;
	s22 =	simm.s32 $0x3A00  }
0x4a: {  	[tilespmem:s22], [sflag:$0x4] =	stream.indirect.gather [hbm4b:s7+s15], $0x1, s21, s15, $0xb8;
	[tilespmem:$0x94F0] =	vst v63  }
0x4b: {  	s23 =	simm.s32 $0xE80;
	s24 =	simm.s32 $0x3A80  }
0x4c: {  	[tilespmem:s24], [sflag:$0x4] =	stream.indirect.gather [hbm4b:s7+s15], $0x1, s23, s15, $0xb8;
	[tilespmem:$0x94F0] =	vst v63  }
0x4d: {  	s25 =	simm.s32 $0xF00;
	s26 =	simm.s32 $0x3B00  }
0x4e: {  	[tilespmem:s26], [sflag:$0x4] =	stream.indirect.gather [hbm4b:s7+s15], $0x1, s25, s15, $0xb8;
	[tilespmem:$0x94F0] =	vst v63  }
0x4f: {  	s28 =	simm.s32 $0xF80;
	s29 =	simm.s32 $0x3B80  }
0x50: {  	[tilespmem:s29], [sflag:$0x4] =	stream.indirect.gather [hbm4b:s7+s15], $0x1, s28, s15, $0xb8;
	[tilespmem:$0x94F0] =	vst v63  }
0x51: {  	s30 =	simm.s32 $0x1000;
	s31 =	simm.s32 $0x3C00  }
0x52: {  	[tilespmem:s31], [sflag:$0x4] =	stream.indirect.gather [hbm4b:s7+s15], $0x1, s30, s15, $0xb8;
	[tilespmem:$0x94F0] =	vst v63  }
0x53: {  	s10 =	simm.s32 $0x1080;
	s11 =	simm.s32 $0x3C80  }
0x54: {  	[tilespmem:s11], [sflag:$0x4] =	stream.indirect.gather [hbm4b:s7+s15], $0x1, s10, s15, $0xb8;
	[tilespmem:$0x94F0] =	vst v63  }
0x55: {  	s12 =	simm.s32 $0x1100;
	s13 =	simm.s32 $0x3D00  }
0x56: {  	[tilespmem:s13], [sflag:$0x4] =	stream.indirect.gather [hbm4b:s7+s15], $0x1, s12, s15, $0xb8;
	[tilespmem:$0x94F0] =	vst v63  }
0x57: {  	s14 =	simm.s32 $0x1180;
	s16 =	simm.s32 $0x3D80  }
0x58: {  	[tilespmem:s16], [sflag:$0x4] =	stream.indirect.gather [hbm4b:s7+s15], $0x1, s14, s15, $0xb8;
	[tilespmem:$0x94F0] =	vst v63  }
0x59: {  	s17 =	simm.s32 $0x1200;
	s18 =	simm.s32 $0x3E00  }
0x5a: {  	[tilespmem:s18], [sflag:$0x4] =	stream.indirect.gather [hbm4b:s7+s15], $0x1, s17, s15, $0xb8;
	[tilespmem:$0x94F0] =	vst v63  }
0x5b: {  	s19 =	simm.s32 $0x1280;
	s20 =	simm.s32 $0x3E80  }
0x5c: {  	[tilespmem:s20], [sflag:$0x4] =	stream.indirect.gather [hbm4b:s7+s15], $0x1, s19, s15, $0xb8;
	[tilespmem:$0x94F0] =	vst v63  }
0x5d: {  	s21 =	simm.s32 $0x1300;
	s22 =	simm.s32 $0x3F00  }
0x5e: {  	[tilespmem:s22], [sflag:$0x4] =	stream.indirect.gather [hbm4b:s7+s15], $0x1, s21, s15, $0xb8;
	[tilespmem:$0x94F0] =	vst v63  }
0x5f: {  	s23 =	simm.s32 $0x1380;
	s24 =	simm.s32 $0x3F80  }
0x60: {  	[tilespmem:s24], [sflag:$0x4] =	stream.indirect.gather [hbm4b:s7+s15], $0x1, s23, s15, $0xb8;
	[tilespmem:$0x94F0] =	vst v63  }
0x61: {  	s25 =	simm.s32 $0x1400;
	s26 =	simm.s32 $0x4000  }
0x62: {  	[tilespmem:s26], [sflag:$0x4] =	stream.indirect.gather [hbm4b:s7+s15], $0x1, s25, s15, $0xb8;
	[tilespmem:$0x94F0] =	vst v63  }
0x63: {  	s28 =	simm.s32 $0x1480;
	s29 =	simm.s32 $0x4080  }
0x64: {  	[tilespmem:s29], [sflag:$0x4] =	stream.indirect.gather [hbm4b:s7+s15], $0x1, s28, s15, $0xb8;
	[tilespmem:$0x94F0] =	vst v63  }
0x65: {  	s30 =	simm.s32 $0x1500;
	s31 =	simm.s32 $0x4100  }
0x66: {  	[tilespmem:s31], [sflag:$0x4] =	stream.indirect.gather [hbm4b:s7+s15], $0x1, s30, s15, $0xb8;
	[tilespmem:$0x94F0] =	vst v63  }
0x67: {  	s10 =	simm.s32 $0x1580;
	s11 =	simm.s32 $0x4180  }
0x68: {  	[tilespmem:s11], [sflag:$0x4] =	stream.indirect.gather [hbm4b:s7+s15], $0x1, s10, s15, $0xb8;
	[tilespmem:$0x94F0] =	vst v63  }
0x69: {  	s12 =	simm.s32 $0x1600;
	s13 =	simm.s32 $0x4200  }
0x6a: {  	[tilespmem:s13], [sflag:$0x4] =	stream.indirect.gather [hbm4b:s7+s15], $0x1, s12, s15, $0xb8;
	[tilespmem:$0x94F0] =	vst v63  }
0x6b: {  	s14 =	simm.s32 $0x1680;
	s16 =	simm.s32 $0x4280  }
0x6c: {  	[tilespmem:s16], [sflag:$0x4] =	stream.indirect.gather [hbm4b:s7+s15], $0x1, s14, s15, $0xb8;
	[tilespmem:$0x94F0] =	vst v63  }
0x6d: {  	s17 =	simm.s32 $0x1700;
	s18 =	simm.s32 $0x4300  }
0x6e: {  	[tilespmem:s18], [sflag:$0x4] =	stream.indirect.gather [hbm4b:s7+s15], $0x1, s17, s15, $0xb8;
	[tilespmem:$0x94F0] =	vst v63  }
0x6f: {  	s19 =	simm.s32 $0x1780;
	s20 =	simm.s32 $0x4380  }
0x70: {  	[tilespmem:s20], [sflag:$0x4] =	stream.indirect.gather [hbm4b:s7+s15], $0x1, s19, s15, $0xb8;
	[tilespmem:$0x94F0] =	vst v63  }
0x71: {  	s21 =	simm.s32 $0x1800;
	s22 =	simm.s32 $0x4400  }
0x72: {  	[tilespmem:s22], [sflag:$0x4] =	stream.indirect.gather [hbm4b:s7+s15], $0x1, s21, s15, $0xb8;
	[tilespmem:$0x94F0] =	vst v63  }
0x73: {  	s23 =	simm.s32 $0x1880;
	s24 =	simm.s32 $0x4480  }
0x74: {  	[tilespmem:s24], [sflag:$0x4] =	stream.indirect.gather [hbm4b:s7+s15], $0x1, s23, s15, $0xb8;
	[tilespmem:$0x94F0] =	vst v63  }
0x75: {  	s25 =	simm.s32 $0x1900;
	s26 =	simm.s32 $0x4500  }
0x76: {  	[tilespmem:s26], [sflag:$0x4] =	stream.indirect.gather [hbm4b:s7+s15], $0x1, s25, s15, $0xb8;
	[tilespmem:$0x94F0] =	vst v63  }
0x77: {  	s28 =	simm.s32 $0x1980;
	s29 =	simm.s32 $0x4580  }
0x78: {  	[tilespmem:s29], [sflag:$0x4] =	stream.indirect.gather [hbm4b:s7+s15], $0x1, s28, s15, $0xb8;
	[tilespmem:$0x94F0] =	vst v63  }
0x79: {  	s30 =	simm.s32 $0x1A00;
	s31 =	simm.s32 $0x4600  }
0x7a: {  	[tilespmem:s31], [sflag:$0x4] =	stream.indirect.gather [hbm4b:s7+s15], $0x1, s30, s15, $0xb8;
	[tilespmem:$0x94F0] =	vst v63  }
0x7b: {  	s10 =	simm.s32 $0x1A80;
	s11 =	simm.s32 $0x4680  }
0x7c: {  	[tilespmem:s11], [sflag:$0x4] =	stream.indirect.gather [hbm4b:s7+s15], $0x1, s10, s15, $0xb8;
	[tilespmem:$0x94F0] =	vst v63  }
0x7d: {  	s12 =	simm.s32 $0x1B00;
	s13 =	simm.s32 $0x4700  }
0x7e: {  	[tilespmem:s13], [sflag:$0x4] =	stream.indirect.gather [hbm4b:s7+s15], $0x1, s12, s15, $0xb8;
	[tilespmem:$0x94F0] =	vst v63  }
0x7f: {  	s14 =	simm.s32 $0x1B80;
	s16 =	simm.s32 $0x4780  }
0x80: {  	[tilespmem:s16], [sflag:$0x4] =	stream.indirect.gather [hbm4b:s7+s15], $0x1, s14, s15, $0xb8;
	[tilespmem:$0x94F0] =	vst v63  }
0x81: {  	s17 =	simm.s32 $0x1C00;
	s18 =	simm.s32 $0x4800  }
0x82: {  	[tilespmem:s18], [sflag:$0x4] =	stream.indirect.gather [hbm4b:s7+s15], $0x1, s17, s15, $0xb8;
	[tilespmem:$0x94F0] =	vst v63  }
0x83: {  	s19 =	simm.s32 $0x1C80;
	s20 =	simm.s32 $0x4880  }
0x84: {  	[tilespmem:s20], [sflag:$0x4] =	stream.indirect.gather [hbm4b:s7+s15], $0x1, s19, s15, $0xb8;
	[tilespmem:$0x94F0] =	vst v63  }
0x85: {  	s21 =	simm.s32 $0x1D00;
	s22 =	simm.s32 $0x4900  }
0x86: {  	[tilespmem:s22], [sflag:$0x4] =	stream.indirect.gather [hbm4b:s7+s15], $0x1, s21, s15, $0xb8;
	[tilespmem:$0x94F0] =	vst v63  }
0x87: {  	s23 =	simm.s32 $0x1D80;
	s24 =	simm.s32 $0x4980  }
0x88: {  	[tilespmem:s24], [sflag:$0x4] =	stream.indirect.gather [hbm4b:s7+s15], $0x1, s23, s15, $0xb8;
	[tilespmem:$0x94F0] =	vst v63  }
0x89: {  	s25 =	simm.s32 $0x1E00;
	s26 =	simm.s32 $0x4A00  }
0x8a: {  	[tilespmem:s26], [sflag:$0x4] =	stream.indirect.gather [hbm4b:s7+s15], $0x1, s25, s15, $0xb8;
	[tilespmem:$0x94F0] =	vst v63  }
0x8b: {  	s28 =	simm.s32 $0x1E80;
	s29 =	simm.s32 $0x4A80  }
0x8c: {  	[tilespmem:s29], [sflag:$0x4] =	stream.indirect.gather [hbm4b:s7+s15], $0x1, s28, s15, $0xb8;
	[tilespmem:$0x94F0] =	vst v63  }
0x8d: {  	s30 =	simm.s32 $0x1F00;
	s31 =	simm.s32 $0x4B00  }
0x8e: {  	[tilespmem:s31], [sflag:$0x4] =	stream.indirect.gather [hbm4b:s7+s15], $0x1, s30, s15, $0xb8;
	[tilespmem:$0x94F0] =	vst v63  }
0x8f: {  	s10 =	simm.s32 $0x1F80;
	s11 =	simm.s32 $0x4B80  }
0x90: {  	[tilespmem:s11], [sflag:$0x4] =	stream.indirect.gather [hbm4b:s7+s15], $0x1, s10, s15, $0xb8;
	[tilespmem:$0x94F0] =	vst v63  }
0x91: {  	s12 =	simm.s32 $0x2000;
	s13 =	simm.s32 $0x4C00  }
0x92: {  	[tilespmem:s13], [sflag:$0x4] =	stream.indirect.gather [hbm4b:s7+s15], $0x1, s12, s15, $0xb8;
	[tilespmem:$0x94F0] =	vst v63  }
0x93: {  	s14 =	simm.s32 $0x2080;
	s16 =	simm.s32 $0x4C80  }
0x94: {  	[tilespmem:s16], [sflag:$0x4] =	stream.indirect.gather [hbm4b:s7+s15], $0x1, s14, s15, $0xb8;
	[tilespmem:$0x94F0] =	vst v63  }
0x95: {  	s17 =	simm.s32 $0x2100;
	s18 =	simm.s32 $0x4D00  }
0x96: {  	[tilespmem:s18], [sflag:$0x4] =	stream.indirect.gather [hbm4b:s7+s15], $0x1, s17, s15, $0xb8;
	[tilespmem:$0x94F0] =	vst v63  }
0x97: {  	s19 =	simm.s32 $0x2180;
	s20 =	simm.s32 $0x4D80  }
0x98: {  	[tilespmem:s20], [sflag:$0x4] =	stream.indirect.gather [hbm4b:s7+s15], $0x1, s19, s15, $0xb8;
	[tilespmem:$0x94F0] =	vst v63  }
0x99: {  	s21 =	simm.s32 $0x2200;
	s22 =	simm.s32 $0x4E00  }
0x9a: {  	[tilespmem:s22], [sflag:$0x4] =	stream.indirect.gather [hbm4b:s7+s15], $0x1, s21, s15, $0xb8;
	[tilespmem:$0x94F0] =	vst v63  }
0x9b: {  	s23 =	simm.s32 $0x2280;
	s24 =	simm.s32 $0x4E80  }
0x9c: {  	[tilespmem:s24], [sflag:$0x4] =	stream.indirect.gather [hbm4b:s7+s15], $0x1, s23, s15, $0xb8;
	[tilespmem:$0x94F0] =	vst v63  }
0x9d: {  	s25 =	simm.s32 $0x2300;
	s26 =	simm.s32 $0x4F00  }
0x9e: {  	[tilespmem:s26], [sflag:$0x4] =	stream.indirect.gather [hbm4b:s7+s15], $0x1, s25, s15, $0xb8;
	[tilespmem:$0x94F0] =	vst v63  }
0x9f: {  	s28 =	simm.s32 $0x2380;
	s29 =	simm.s32 $0x4F80  }
0xa0: {  	[tilespmem:s29], [sflag:$0x4] =	stream.indirect.gather [hbm4b:s7+s15], $0x1, s28, s15, $0xb8;
	[tilespmem:$0x94F0] =	vst v63  }
0xa1: {  	s30 =	simm.s32 $0x2400;
	s31 =	simm.s32 $0x5000  }
0xa2: {  	[tilespmem:s31], [sflag:$0x4] =	stream.indirect.gather [hbm4b:s7+s15], $0x1, s30, s15, $0xb8;
	[tilespmem:$0x94F0] =	vst v63  }
0xa3: {  	s10 =	simm.s32 $0x2480;
	s11 =	simm.s32 $0x5080  }
0xa4: {  	[tilespmem:s11], [sflag:$0x4] =	stream.indirect.gather [hbm4b:s7+s15], $0x1, s10, s15, $0xb8;
	[tilespmem:$0x94F0] =	vst v63  }
0xa5: {  	s12 =	simm.s32 $0x2500;
	s13 =	simm.s32 $0x5100  }
0xa6: {  	[tilespmem:s13], [sflag:$0x4] =	stream.indirect.gather [hbm4b:s7+s15], $0x1, s12, s15, $0xb8;
	[tilespmem:$0x94F0] =	vst v63  }
0xa7: {  	s14 =	simm.s32 $0x2580;
	s16 =	simm.s32 $0x5180  }
0xa8: {  	[tilespmem:s16], [sflag:$0x4] =	stream.indirect.gather [hbm4b:s7+s15], $0x1, s14, s15, $0xb8;
	[tilespmem:$0x94F0] =	vst v63  }
0xa9: {  	s17 =	simm.s32 $0x2600;
	s18 =	simm.s32 $0x5200  }
0xaa: {  	[tilespmem:s18], [sflag:$0x4] =	stream.indirect.gather [hbm4b:s7+s15], $0x1, s17, s15, $0xb8;
	[tilespmem:$0x94F0] =	vst v63  }
0xab: {  	s19 =	simm.s32 $0x2680;
	s20 =	simm.s32 $0x5280  }
0xac: {  	[tilespmem:s20], [sflag:$0x4] =	stream.indirect.gather [hbm4b:s7+s15], $0x1, s19, s15, $0xb8;
	[tilespmem:$0x94F0] =	vst v63  }
0xad: {  	s21 =	simm.s32 $0x2700;
	s22 =	simm.s32 $0x5300  }
0xae: {  	[tilespmem:s22], [sflag:$0x4] =	stream.indirect.gather [hbm4b:s7+s15], $0x1, s21, s15, $0xb8;
	[tilespmem:$0x94F0] =	vst v63  }
0xaf: {  	s23 =	simm.s32 $0x2780;
	s24 =	simm.s32 $0x5380;
	s25 =	simm.s32 $0x2  }
0xb0: {  	[tilespmem:s24], [sflag:$0x4] =	stream.indirect.gather [hbm4b:s7+s15], $0x1, s23, s15, $0xb8;
	[tilespmem:$0x94F0] =	vst v63  }
0xb1: {  	_ =	swait.ge [sflag:s25], $0x400  }
0xb2: {  	[sflag:s25] =	ssyncset.done $0x0  }
0xb3: {  	s26 =	simm.s32 $0x3;
	[sflag:s25] =	ssyncadd.s32 $0xFFFFFC00  }
0xb4: {  	_ =	swait.ge [sflag:s26], $0x1E  }
0xb5: {  	[sflag:s26] =	ssyncset.done $0x0  }
0xb6: {  	s14 =	simm.s32 $0x5400;
	[sflag:s26] =	ssyncadd.s32 $0xFFFFFFE2  }
0xb7: {  	[tilespmem:s14], [sflag:$0x5] =	stream.indirect.gather [spmem:s6], $0x10, s8, s15, $0xb8;
	[tilespmem:$0x94F0] =	vst v63  }
0xb8: {  	s28 =	simm.s32 $0x2880;
	s13 =	simm.s32 $0x5C00  }
0xb9: {  	[tilespmem:s13], [sflag:$0x5] =	stream.indirect.gather [spmem:s6], $0x10, s28, s15, $0xb8;
	[tilespmem:$0x94F0] =	vst v63  }
0xba: {  	s29 =	simm.s32 $0x2900;
	s12 =	simm.s32 $0x6400  }
0xbb: {  	[tilespmem:s12], [sflag:$0x5] =	stream.indirect.gather [spmem:s6], $0x10, s29, s15, $0xb8;
	[tilespmem:$0x94F0] =	vst v63  }
0xbc: {  	s30 =	simm.s32 $0x2980;
	s31 =	simm.s32 $0x6C00  }
0xbd: {  	[tilespmem:s31], [sflag:$0x5] =	stream.indirect.gather [spmem:s6], $0x10, s30, s15, $0xb8;
	[tilespmem:$0x94F0] =	vst v63  }
0xbe: {  	s9 =	simm.s32 $0x7400;
	s8 =	simm.s32 $0x2A00  }
0xbf: {  	[tilespmem:s9], [sflag:$0x5] =	stream.indirect.gather [spmem:s6], $0x10, s8, s15, $0xb8;
	[tilespmem:$0x94F0] =	vst v63  }
0xc0: {  	s17 =	simm.s32 $0x2A80;
	s18 =	simm.s32 $0x7C00  }
0xc1: {  	[tilespmem:s18], [sflag:$0x5] =	stream.indirect.gather [spmem:s6], $0x10, s17, s15, $0xb8;
	[tilespmem:$0x94F0] =	vst v63  }
0xc2: {  	s19 =	simm.s32 $0x2B00;
	s20 =	simm.s32 $0x8400  }
0xc3: {  	[tilespmem:s20], [sflag:$0x5] =	stream.indirect.gather [spmem:s6], $0x10, s19, s15, $0xb8;
	[tilespmem:$0x94F0] =	vst v63  }
0xc4: {  	s16 =	simm.s32 $0x2B80;
	s21 =	simm.s32 $0x8C00;
	s22 =	simm.s32 $0x4  }
0xc5: {  	[tilespmem:s21], [sflag:$0x5] =	stream.indirect.gather [spmem:s6], $0x10, s16, s15, $0xb8;
	[tilespmem:$0x94F0] =	vst v63  }
0xc6: {  	_ =	swait.ge [sflag:s22], $0x80  }
0xc7: {  	[sflag:s22] =	ssyncset.done $0x0  }
0xc8: {  	[sflag:s22] =	ssyncadd.s32 $0xFFFFFF80  }
0xc9: {  	_ =	swait.ge [sflag:s22], $0x80  }
0xca: {  	[sflag:s22] =	ssyncset.done $0x0  }
0xcb: {  	[sflag:s22] =	ssyncadd.s32 $0xFFFFFF80  }
0xcc: {  	_ =	swait.ge [sflag:s22], $0x80  }
0xcd: {  	[sflag:s22] =	ssyncset.done $0x0  }
0xce: {  	[sflag:s22] =	ssyncadd.s32 $0xFFFFFF80  }
0xcf: {  	_ =	swait.ge [sflag:s22], $0x80  }
0xd0: {  	[sflag:s22] =	ssyncset.done $0x0  }
0xd1: {  	[sflag:s22] =	ssyncadd.s32 $0xFFFFFF80  }
0xd2: {  	_ =	swait.ge [sflag:s22], $0x80  }
0xd3: {  	[sflag:s22] =	ssyncset.done $0x0  }
0xd4: {  	[sflag:s22] =	ssyncadd.s32 $0xFFFFFF80  }
0xd5: {  	_ =	swait.ge [sflag:s22], $0x80  }
0xd6: {  	[sflag:s22] =	ssyncset.done $0x0  }
0xd7: {  	[sflag:s22] =	ssyncadd.s32 $0xFFFFFF80  }
0xd8: {  	_ =	swait.ge [sflag:s22], $0x80  }
0xd9: {  	[sflag:s22] =	ssyncset.done $0x0  }
0xda: {  	[sflag:s22] =	ssyncadd.s32 $0xFFFFFF80  }
0xdb: {  	_ =	swait.ge [sflag:s22], $0x80  }
0xdc: {  	[sflag:s22] =	ssyncset.done $0x0  }
0xdd: {  	[sflag:s22] =	ssyncadd.s32 $0xFFFFFF80  }
0xde: {  	_ =	swait.ge [sflag:s22], $0x80  }
0xdf: {  	[sflag:s22] =	ssyncset.done $0x0  }
0xe0: {  	[sflag:s22] =	ssyncadd.s32 $0xFFFFFF80  }
0xe1: {  	_ =	swait.ge [sflag:s22], $0x80  }
0xe2: {  	[sflag:s22] =	ssyncset.done $0x0  }
0xe3: {  	[sflag:s22] =	ssyncadd.s32 $0xFFFFFF80  }
0xe4: {  	_ =	swait.ge [sflag:s22], $0x80  }
0xe5: {  	[sflag:s22] =	ssyncset.done $0x0  }
0xe6: {  	[sflag:s22] =	ssyncadd.s32 $0xFFFFFF80  }
0xe7: {  	_ =	swait.ge [sflag:s22], $0x80  }
0xe8: {  	[sflag:s22] =	ssyncset.done $0x0  }
0xe9: {  	[sflag:s22] =	ssyncadd.s32 $0xFFFFFF80  }
0xea: {  	_ =	swait.ge [sflag:s22], $0x80  }
0xeb: {  	[sflag:s22] =	ssyncset.done $0x0  }
0xec: {  	[sflag:s22] =	ssyncadd.s32 $0xFFFFFF80  }
0xed: {  	_ =	swait.ge [sflag:s22], $0x80  }
0xee: {  	[sflag:s22] =	ssyncset.done $0x0  }
0xef: {  	[sflag:s22] =	ssyncadd.s32 $0xFFFFFF80  }
0xf0: {  	_ =	swait.ge [sflag:s22], $0x80  }
0xf1: {  	[sflag:s22] =	ssyncset.done $0x0  }
0xf2: {  	[sflag:s22] =	ssyncadd.s32 $0xFFFFFF80  }
0xf3: {  	_ =	swait.ge [sflag:s22], $0x80  }
0xf4: {  	[sflag:s22] =	ssyncset.done $0x0  }
0xf5: {  	[sflag:s22] =	ssyncadd.s32 $0xFFFFFF80  }
0xf6: {  	_ =	swait.ge [sflag:s22], $0x80  }
0xf7: {  	[sflag:s22] =	ssyncset.done $0x0  }
0xf8: {  	[sflag:s22] =	ssyncadd.s32 $0xFFFFFF80  }
0xf9: {  	_ =	swait.ge [sflag:s22], $0x80  }
0xfa: {  	[sflag:s22] =	ssyncset.done $0x0  }
0xfb: {  	[sflag:s22] =	ssyncadd.s32 $0xFFFFFF80  }
0xfc: {  	_ =	swait.ge [sflag:s22], $0x80  }
0xfd: {  	[sflag:s22] =	ssyncset.done $0x0  }
0xfe: {  	[sflag:s22] =	ssyncadd.s32 $0xFFFFFF80  }
0xff: {  	_ =	swait.ge [sflag:s22], $0x80  }
0x100: {  	[sflag:s22] =	ssyncset.done $0x0  }
0x101: {  	[sflag:s22] =	ssyncadd.s32 $0xFFFFFF80  }
0x102: {  	_ =	swait.ge [sflag:s22], $0x80  }
0x103: {  	[sflag:s22] =	ssyncset.done $0x0  }
0x104: {  	[sflag:s22] =	ssyncadd.s32 $0xFFFFFF80  }
0x105: {  	_ =	swait.ge [sflag:s22], $0x80  }
0x106: {  	[sflag:s22] =	ssyncset.done $0x0  }
0x107: {  	[sflag:s22] =	ssyncadd.s32 $0xFFFFFF80  }
0x108: {  	_ =	swait.ge [sflag:s22], $0x80  }
0x109: {  	[sflag:s22] =	ssyncset.done $0x0  }
0x10a: {  	[sflag:s22] =	ssyncadd.s32 $0xFFFFFF80  }
0x10b: {  	_ =	swait.ge [sflag:s22], $0x80  }
0x10c: {  	[sflag:s22] =	ssyncset.done $0x0  }
0x10d: {  	[sflag:s22] =	ssyncadd.s32 $0xFFFFFF80  }
0x10e: {  	_ =	swait.ge [sflag:s22], $0x80  }
0x10f: {  	[sflag:s22] =	ssyncset.done $0x0  }
0x110: {  	[sflag:s22] =	ssyncadd.s32 $0xFFFFFF80  }
0x111: {  	_ =	swait.ge [sflag:s22], $0x80  }
0x112: {  	[sflag:s22] =	ssyncset.done $0x0  }
0x113: {  	[sflag:s22] =	ssyncadd.s32 $0xFFFFFF80  }
0x114: {  	_ =	swait.ge [sflag:s22], $0x80  }
0x115: {  	[sflag:s22] =	ssyncset.done $0x0  }
0x116: {  	[sflag:s22] =	ssyncadd.s32 $0xFFFFFF80  }
0x117: {  	_ =	swait.ge [sflag:s22], $0x80  }
0x118: {  	[sflag:s22] =	ssyncset.done $0x0  }
0x119: {  	[sflag:s22] =	ssyncadd.s32 $0xFFFFFF80  }
0x11a: {  	_ =	swait.ge [sflag:s22], $0x80  }
0x11b: {  	[sflag:s22] =	ssyncset.done $0x0  }
0x11c: {  	[sflag:s22] =	ssyncadd.s32 $0xFFFFFF80  }
0x11d: {  	_ =	swait.ge [sflag:s22], $0x80  }
0x11e: {  	[sflag:s22] =	ssyncset.done $0x0  }
0x11f: {  	[sflag:s22] =	ssyncadd.s32 $0xFFFFFF80  }
0x120: {  	_ =	swait.ge [sflag:s22], $0x80  }
0x121: {  	[sflag:s22] =	ssyncset.done $0x0  }
0x122: {  	[sflag:s22] =	ssyncadd.s32 $0xFFFFFF80  }
0x123: {  	_ =	swait.ge [sflag:s22], $0x80  }
0x124: {  	[sflag:s22] =	ssyncset.done $0x0  }
0x125: {  	[sflag:s22] =	ssyncadd.s32 $0xFFFFFF80  }
0x126: {  	_ =	swait.ge [sflag:s22], $0x80  }
0x127: {  	[sflag:s22] =	ssyncset.done $0x0  }
0x128: {  	[sflag:s22] =	ssyncadd.s32 $0xFFFFFF80  }
0x129: {  	_ =	swait.ge [sflag:s22], $0x80  }
0x12a: {  	[sflag:s22] =	ssyncset.done $0x0  }
0x12b: {  	[sflag:s22] =	ssyncadd.s32 $0xFFFFFF80  }
0x12c: {  	_ =	swait.ge [sflag:s22], $0x80  }
0x12d: {  	[sflag:s22] =	ssyncset.done $0x0  }
0x12e: {  	[sflag:s22] =	ssyncadd.s32 $0xFFFFFF80  }
0x12f: {  	_ =	swait.ge [sflag:s22], $0x80  }
0x130: {  	[sflag:s22] =	ssyncset.done $0x0  }
0x131: {  	[sflag:s22] =	ssyncadd.s32 $0xFFFFFF80  }
0x132: {  	_ =	swait.ge [sflag:s22], $0x80  }
0x133: {  	[sflag:s22] =	ssyncset.done $0x0  }
0x134: {  	[sflag:s22] =	ssyncadd.s32 $0xFFFFFF80  }
0x135: {  	_ =	swait.ge [sflag:s22], $0x80  }
0x136: {  	[sflag:s22] =	ssyncset.done $0x0  }
0x137: {  	[sflag:s22] =	ssyncadd.s32 $0xFFFFFF80  }
0x138: {  	_ =	swait.ge [sflag:s22], $0x80  }
0x139: {  	[sflag:s22] =	ssyncset.done $0x0  }
0x13a: {  	[sflag:s22] =	ssyncadd.s32 $0xFFFFFF80  }
0x13b: {  	_ =	swait.ge [sflag:s22], $0x80  }
0x13c: {  	[sflag:s22] =	ssyncset.done $0x0  }
0x13d: {  	[sflag:s22] =	ssyncadd.s32 $0xFFFFFF80  }
0x13e: {  	_ =	swait.ge [sflag:s22], $0x80  }
0x13f: {  	[sflag:s22] =	ssyncset.done $0x0  }
0x140: {  	[sflag:s22] =	ssyncadd.s32 $0xFFFFFF80  }
0x141: {  	_ =	swait.ge [sflag:s22], $0x80  }
0x142: {  	[sflag:s22] =	ssyncset.done $0x0  }
0x143: {  	[sflag:s22] =	ssyncadd.s32 $0xFFFFFF80  }
0x144: {  	_ =	swait.ge [sflag:s22], $0x80  }
0x145: {  	[sflag:s22] =	ssyncset.done $0x0  }
0x146: {  	[sflag:s22] =	ssyncadd.s32 $0xFFFFFF80  }
0x147: {  	_ =	swait.ge [sflag:s22], $0x80  }
0x148: {  	[sflag:s22] =	ssyncset.done $0x0  }
0x149: {  	[sflag:s22] =	ssyncadd.s32 $0xFFFFFF80  }
0x14a: {  	_ =	swait.ge [sflag:s22], $0x80  }
0x14b: {  	[sflag:s22] =	ssyncset.done $0x0  }
0x14c: {  	[sflag:s22] =	ssyncadd.s32 $0xFFFFFF80  }
0x14d: {  	_ =	swait.ge [sflag:s22], $0x80  }
0x14e: {  	[sflag:s22] =	ssyncset.done $0x0  }
0x14f: {  	[sflag:s22] =	ssyncadd.s32 $0xFFFFFF80  }
0x150: {  	_ =	swait.ge [sflag:s22], $0x80  }
0x151: {  	[sflag:s22] =	ssyncset.done $0x0  }
0x152: {  	[sflag:s22] =	ssyncadd.s32 $0xFFFFFF80  }
0x153: {  	_ =	swait.ge [sflag:s22], $0x80  }
0x154: {  	[sflag:s22] =	ssyncset.done $0x0  }
0x155: {  	[sflag:s22] =	ssyncadd.s32 $0xFFFFFF80  }
0x156: {  	_ =	swait.ge [sflag:s22], $0x80  }
0x157: {  	[sflag:s22] =	ssyncset.done $0x0  }
0x158: {  	[sflag:s22] =	ssyncadd.s32 $0xFFFFFF80  }
0x159: {  	_ =	swait.ge [sflag:s22], $0x80  }
0x15a: {  	[sflag:s22] =	ssyncset.done $0x0  }
0x15b: {  	[sflag:s22] =	ssyncadd.s32 $0xFFFFFF80  }
0x15c: {  	_ =	swait.ge [sflag:s22], $0x80  }
0x15d: {  	[sflag:s22] =	ssyncset.done $0x0  }
0x15e: {  	[sflag:s22] =	ssyncadd.s32 $0xFFFFFF80  }
0x15f: {  	_ =	swait.ge [sflag:s22], $0x80  }
0x160: {  	[sflag:s22] =	ssyncset.done $0x0  }
0x161: {  	[sflag:s22] =	ssyncadd.s32 $0xFFFFFF80  }
0x162: {  	_ =	swait.ge [sflag:s22], $0x80  }
0x163: {  	[sflag:s22] =	ssyncset.done $0x0  }
0x164: {  	[sflag:s22] =	ssyncadd.s32 $0xFFFFFF80  }
0x165: {  	_ =	swait.ge [sflag:s22], $0x80  }
0x166: {  	[sflag:s22] =	ssyncset.done $0x0  }
0x167: {  	[sflag:s22] =	ssyncadd.s32 $0xFFFFFF80  }
0x168: {  	_ =	swait.ge [sflag:s22], $0x80  }
0x169: {  	[sflag:s22] =	ssyncset.done $0x0  }
0x16a: {  	[sflag:s22] =	ssyncadd.s32 $0xFFFFFF80  }
0x16b: {  	_ =	swait.ge [sflag:s22], $0x80  }
0x16c: {  	[sflag:s22] =	ssyncset.done $0x0  }
0x16d: {  	[sflag:s22] =	ssyncadd.s32 $0xFFFFFF80  }
0x16e: {  	_ =	swait.ge [sflag:s22], $0x80  }
0x16f: {  	[sflag:s22] =	ssyncset.done $0x0  }
0x170: {  	[sflag:s22] =	ssyncadd.s32 $0xFFFFFF80  }
0x171: {  	_ =	swait.ge [sflag:s22], $0x80  }
0x172: {  	[sflag:s22] =	ssyncset.done $0x0  }
0x173: {  	[sflag:s22] =	ssyncadd.s32 $0xFFFFFF80  }
0x174: {  	_ =	swait.ge [sflag:s22], $0x80  }
0x175: {  	[sflag:s22] =	ssyncset.done $0x0  }
0x176: {  	[sflag:s22] =	ssyncadd.s32 $0xFFFFFF80  }
0x177: {  	_ =	swait.ge [sflag:s22], $0x80  }
0x178: {  	[sflag:s22] =	ssyncset.done $0x0  }
0x179: {  	[sflag:s22] =	ssyncadd.s32 $0xFFFFFF80  }
0x17a: {  	_ =	swait.ge [sflag:s22], $0x80  }
0x17b: {  	[sflag:s22] =	ssyncset.done $0x0  }
0x17c: {  	[sflag:s22] =	ssyncadd.s32 $0xFFFFFF80  }
0x17d: {  	_ =	swait.ge [sflag:s22], $0x80  }
0x17e: {  	[sflag:s22] =	ssyncset.done $0x0  }
0x17f: {  	[sflag:s22] =	ssyncadd.s32 $0xFFFFFF80  }
0x180: {  	_ =	swait.ge [sflag:s22], $0x80  }
0x181: {  	[sflag:s22] =	ssyncset.done $0x0  }
0x182: {  	[sflag:s22] =	ssyncadd.s32 $0xFFFFFF80  }
0x183: {  	_ =	swait.ge [sflag:s22], $0x80  }
0x184: {  	[sflag:s22] =	ssyncset.done $0x0  }
0x185: {  	[sflag:s22] =	ssyncadd.s32 $0xFFFFFF80  }
0x186: {  	_ =	swait.ge [sflag:s22], $0x80  }
0x187: {  	[sflag:s22] =	ssyncset.done $0x0  }
0x188: {  	[sflag:s22] =	ssyncadd.s32 $0xFFFFFF80  }
0x189: {  	_ =	swait.ge [sflag:s22], $0x80  }
0x18a: {  	[sflag:s22] =	ssyncset.done $0x0  }
0x18b: {  	[sflag:s22] =	ssyncadd.s32 $0xFFFFFF80  }
0x18c: {  	_ =	swait.ge [sflag:s22], $0x80  }
0x18d: {  	[sflag:s22] =	ssyncset.done $0x0  }
0x18e: {  	[sflag:s22] =	ssyncadd.s32 $0xFFFFFF80  }
0x18f: {  	_ =	swait.ge [sflag:s22], $0x80  }
0x190: {  	[sflag:s22] =	ssyncset.done $0x0  }
0x191: {  	[sflag:s22] =	ssyncadd.s32 $0xFFFFFF80  }
0x192: {  	_ =	swait.ge [sflag:s22], $0x80  }
0x193: {  	[sflag:s22] =	ssyncset.done $0x0  }
0x194: {  	[sflag:s22] =	ssyncadd.s32 $0xFFFFFF80  }
0x195: {  	_ =	swait.ge [sflag:s22], $0x80  }
0x196: {  	[sflag:s22] =	ssyncset.done $0x0  }
0x197: {  	[sflag:s22] =	ssyncadd.s32 $0xFFFFFF80  }
0x198: {  	_ =	swait.ge [sflag:s22], $0x80  }
0x199: {  	[sflag:s22] =	ssyncset.done $0x0  }
0x19a: {  	[sflag:s22] =	ssyncadd.s32 $0xFFFFFF80  }
0x19b: {  	_ =	swait.ge [sflag:s22], $0x80  }
0x19c: {  	[sflag:s22] =	ssyncset.done $0x0  }
0x19d: {  	[sflag:s22] =	ssyncadd.s32 $0xFFFFFF80  }
0x19e: {  	_ =	swait.ge [sflag:s22], $0x80  }
0x19f: {  	[sflag:s22] =	ssyncset.done $0x0  }
0x1a0: {  	[sflag:s22] =	ssyncadd.s32 $0xFFFFFF80  }
0x1a1: {  	_ =	swait.ge [sflag:s22], $0x80  }
0x1a2: {  	[sflag:s22] =	ssyncset.done $0x0  }
0x1a3: {  	[sflag:s22] =	ssyncadd.s32 $0xFFFFFF80  }
0x1a4: {  	_ =	swait.ge [sflag:s22], $0x80  }
0x1a5: {  	[sflag:s22] =	ssyncset.done $0x0  }
0x1a6: {  	[sflag:s22] =	ssyncadd.s32 $0xFFFFFF80  }
0x1a7: {  	_ =	swait.ge [sflag:s22], $0x80  }
0x1a8: {  	[sflag:s22] =	ssyncset.done $0x0  }
0x1a9: {  	[sflag:s22] =	ssyncadd.s32 $0xFFFFFF80  }
0x1aa: {  	_ =	swait.ge [sflag:s22], $0x80  }
0x1ab: {  	[sflag:s22] =	ssyncset.done $0x0  }
0x1ac: {  	[sflag:s22] =	ssyncadd.s32 $0xFFFFFF80  }
0x1ad: {  	_ =	swait.ge [sflag:s22], $0x80  }
0x1ae: {  	[sflag:s22] =	ssyncset.done $0x0  }
0x1af: {  	[sflag:s22] =	ssyncadd.s32 $0xFFFFFF80  }
0x1b0: {  	_ =	swait.ge [sflag:s22], $0x80  }
0x1b1: {  	[sflag:s22] =	ssyncset.done $0x0  }
0x1b2: {  	[sflag:s22] =	ssyncadd.s32 $0xFFFFFF80  }
0x1b3: {  	_ =	swait.ge [sflag:s22], $0x80  }
0x1b4: {  	[sflag:s22] =	ssyncset.done $0x0  }
0x1b5: {  	s4 =	sadd.s32 $0x6E00, s4;
	s23 =	simm.s32 $0x5;
	[sflag:s22] =	ssyncadd.s32 $0xFFFFFF80  }
0x1b6: {  	[hbm4b:s4+s2] =	stream.linear.scatter [tilespmem:s5], [sflag:$0x6], $0x2800, $0x38;
	[tilespmem:$0x94F0] =	vst v63  }
0x1b7: {  	_ =	swait.ge [sflag:s23], $0x800  }
0x1b8: {  	s24 =	sshll.u32 s1, $0xB;
	[sflag:s23] =	ssyncset.done $0x0  }
0x1b9: {  	s3 =	sadd.s32 s3, s24;
	[sflag:s23] =	ssyncadd.s32 $0xFFFFF800  }
0x1ba: {  	[hbm4b:s3+s2] =	stream.linear.scatter [tilespmem:s14], [sflag:$0x6], $0x800, $0x38;
	[tilespmem:$0x94F0] =	vst v63  }
0x1bb: {  	_ =	swait.ge [sflag:s23], $0x800  }
0x1bc: {  	[sflag:s23] =	ssyncset.done $0x0  }
0x1bd: {  	s5 =	sadd.s32 $0x100, s3;
	[sflag:s23] =	ssyncadd.s32 $0xFFFFF800  }
0x1be: {  	[hbm4b:s5+s2] =	stream.linear.scatter [tilespmem:s13], [sflag:$0x6], $0x800, $0x38;
	[tilespmem:$0x94F0] =	vst v63  }
0x1bf: {  	_ =	swait.ge [sflag:s23], $0x800  }
0x1c0: {  	[sflag:s23] =	ssyncset.done $0x0  }
0x1c1: {  	s25 =	sadd.s32 $0x200, s3;
	[sflag:s23] =	ssyncadd.s32 $0xFFFFF800  }
0x1c2: {  	[hbm4b:s25+s2] =	stream.linear.scatter [tilespmem:s12], [sflag:$0x6], $0x800, $0x38;
	[tilespmem:$0x94F0] =	vst v63  }
0x1c3: {  	_ =	swait.ge [sflag:s23], $0x800  }
0x1c4: {  	[sflag:s23] =	ssyncset.done $0x0  }
0x1c5: {  	s26 =	sadd.s32 $0x300, s3;
	[sflag:s23] =	ssyncadd.s32 $0xFFFFF800  }
0x1c6: {  	[hbm4b:s26+s2] =	stream.linear.scatter [tilespmem:s31], [sflag:$0x6], $0x800, $0x38;
	[tilespmem:$0x94F0] =	vst v63  }
0x1c7: {  	_ =	swait.ge [sflag:s23], $0x800  }
0x1c8: {  	[sflag:s23] =	ssyncset.done $0x0  }
0x1c9: {  	s28 =	sadd.s32 $0x400, s3;
	[sflag:s23] =	ssyncadd.s32 $0xFFFFF800  }
0x1ca: {  	[hbm4b:s28+s2] =	stream.linear.scatter [tilespmem:s9], [sflag:$0x6], $0x800, $0x38;
	[tilespmem:$0x94F0] =	vst v63  }
0x1cb: {  	_ =	swait.ge [sflag:s23], $0x800  }
0x1cc: {  	[sflag:s23] =	ssyncset.done $0x0  }
0x1cd: {  	s29 =	sadd.s32 $0x500, s3;
	[sflag:s23] =	ssyncadd.s32 $0xFFFFF800  }
0x1ce: {  	[hbm4b:s29+s2] =	stream.linear.scatter [tilespmem:s18], [sflag:$0x6], $0x800, $0x38;
	[tilespmem:$0x94F0] =	vst v63  }
0x1cf: {  	_ =	swait.ge [sflag:s23], $0x800  }
0x1d0: {  	[sflag:s23] =	ssyncset.done $0x0  }
0x1d1: {  	s30 =	sadd.s32 $0x600, s3;
	[sflag:s23] =	ssyncadd.s32 $0xFFFFF800  }
0x1d2: {  	[hbm4b:s30+s2] =	stream.linear.scatter [tilespmem:s20], [sflag:$0x6], $0x800, $0x38;
	[tilespmem:$0x94F0] =	vst v63  }
0x1d3: {  	_ =	swait.ge [sflag:s23], $0x800  }
0x1d4: {  	[sflag:s23] =	ssyncset.done $0x0  }
0x1d5: {  	s3 =	sadd.s32 $0x700, s3;
	s31 =	simm.s32 $0x6;
	[sflag:s23] =	ssyncadd.s32 $0xFFFFF800  }
0x1d6: {  	[hbm4b:s3+s2] =	stream.linear.scatter [tilespmem:s21], [sflag:$0x6], $0x800, $0x38;
	[tilespmem:$0x94F0] =	vst v63  }
0x1d7: {  	_ =	swait.ge [sflag:s31], $0x2800  }
0x1d8: {  	[sflag:s31] =	ssyncset.done $0x0  }
0x1d9: {  	[sflag:s31] =	ssyncadd.s32 $0xFFFFD800  }
0x1da: {  	_ =	swait.ge [sflag:s31], $0x800  }
0x1db: {  	[sflag:s31] =	ssyncset.done $0x0  }
0x1dc: {  	[sflag:s31] =	ssyncadd.s32 $0xFFFFF800  }
0x1dd: {  	_ =	swait.ge [sflag:s31], $0x800  }
0x1de: {  	[sflag:s31] =	ssyncset.done $0x0  }
0x1df: {  	[sflag:s31] =	ssyncadd.s32 $0xFFFFF800  }
0x1e0: {  	_ =	swait.ge [sflag:s31], $0x800  }
0x1e1: {  	[sflag:s31] =	ssyncset.done $0x0  }
0x1e2: {  	[sflag:s31] =	ssyncadd.s32 $0xFFFFF800  }
0x1e3: {  	_ =	swait.ge [sflag:s31], $0x800  }
0x1e4: {  	[sflag:s31] =	ssyncset.done $0x0  }
0x1e5: {  	[sflag:s31] =	ssyncadd.s32 $0xFFFFF800  }
0x1e6: {  	_ =	swait.ge [sflag:s31], $0x800  }
0x1e7: {  	[sflag:s31] =	ssyncset.done $0x0  }
0x1e8: {  	[sflag:s31] =	ssyncadd.s32 $0xFFFFF800  }
0x1e9: {  	_ =	swait.ge [sflag:s31], $0x800  }
0x1ea: {  	[sflag:s31] =	ssyncset.done $0x0  }
0x1eb: {  	[sflag:s31] =	ssyncadd.s32 $0xFFFFF800  }
0x1ec: {  	_ =	swait.ge [sflag:s31], $0x800  }
0x1ed: {  	[sflag:s31] =	ssyncset.done $0x0  }
0x1ee: {  	[sflag:s31] =	ssyncadd.s32 $0xFFFFF800  }
0x1ef: {  	_ =	swait.ge [sflag:s31], $0x800  }
0x1f0: {  	[sflag:s31] =	ssyncset.done $0x0  }
0x1f1: {  	[sflag:s31] =	ssyncadd.s32 $0xFFFFF800  }
0x1f2: {  	_ =	sfence.sel $0x180000  }
0x1f3: {  	[bflag:$0x0] =	sbarrier.arrive $0xFFFF  }
0x1f4: {  	p0 =	sne.s32 s1, $0x0;
	_ =	strace $0x90000047  }
0x1f5: {  	s0 =	sadd.s32 @!p0 $0x100000, s0;
	[bflag:$0x2] =	sbarrier.arrive $0xFFFF  }
0x1f6: {  	[sflag:s0] =	ssyncadd.tile.s32 @!p0 $0x1;
	_ =	shalt  }
.Lfunc_end2:
_tile_overlayer_lowered:
.L_overlay_start_2:
0x1f7: {  	(tag) =	ssettag $0x2  }
0x1f8: {  	s0 =	rddreg [dreg:$0x0];
	s2 =	stileid.u32  }
0x1f9: {  	s1 =	rddreg [dreg:$0x1];
	p0 =	sne.s32 s2, $0x0  }
0x1fa: {  	s3 =	rddreg [dreg:$0x2];
	[bflag:$0x3] =	sbarrier.arrive $0xFFFF;
	s2 =	simm.s32 @!p0 $0x1C07  }
0x1fb: {  	[timem:s3], [sflag:s2] =	dma.local @!p0 [hbm:s0], s1  }
0x1fc: {  	s0 =	simm.s32 @!p0 $0x7  }
0x1fd: {  	_ =	swait.ge @!p0 [sflag:s0], s1  }
0x1fe: {  	s1 =	ssub.s32 @!p0 $0x0, s1;
	[sflag:s0] =	ssyncset.done @!p0 $0x0  }
0x1ff: {  	[sflag:s0] =	ssyncadd.s32 @!p0 s1  }
0x200: {  	[bflag:$0x3] =	sbarrier.arrive $0xFFFF  }
0x201: {  	_ =	shalt  }

</sc_bundles>
